<compile_context>
chip_gen: v7x
topology: tpu7x:2x2x1
jax: 0.10.2.dev20260603
libtpu: 0.0.44.dev20260713+nightly
codegen_flags: <defaults>
</compile_context>

<pallas_src>
import functools

import numpy as np
import jax
import jax.numpy as jnp
from jax import lax
from jax.experimental import pallas as pl
from jax.experimental.pallas import tpu as pltpu
from jax.experimental.pallas import tpu_sc as plsc

NB = 32


def _sc_gather_build(V, D, B):
    info = plsc.get_sparse_core_info()
    NC, NS = info.num_cores, info.num_subcores
    NW = NC * NS
    assert D % info.num_lanes == 0 and B % (8 * NW) == 0
    b_per_w = B // NW
    mesh = plsc.VectorSubcoreMesh(core_axis_name="c", subcore_axis_name="s")

    @functools.partial(
        pl.kernel,
        mesh=mesh,
        compiler_params=pltpu.CompilerParams(use_tc_tiling_on_sc=False),
        out_type=jax.ShapeDtypeStruct((B, D), jnp.float32),
        scratch_types=[
            pltpu.VMEM((b_per_w,), jnp.int32),
            pltpu.VMEM((b_per_w, D), jnp.float32),
            pltpu.SemaphoreType.DMA,
        ],
    )
    def gather(table_hbm, idx_hbm, out_hbm, idx_v, rows_v, sem):
        wid = lax.axis_index("s") * NC + lax.axis_index("c")
        base = wid * b_per_w
        pltpu.sync_copy(idx_hbm.at[pl.ds(base, b_per_w)], idx_v)
        pltpu.async_copy(table_hbm.at[idx_v], rows_v, sem).wait()
        pltpu.sync_copy(rows_v, out_hbm.at[pl.ds(base, b_per_w)])

    return gather


def _tc_body(uid_ref, ue_ref, x_ref, wp_ref, bp_ref, bd_ref, bd2_ref, o_ref,
             o2_ref, wt_ref, wb_ref, br_ref, out_ref, fin_ref, e_scr,
             wtbd_scr, wpbbd_scr, bpbrbd_scr, *, S, R, WORD, E, RW,
             n_programs):
    i = pl.program_id(0)
    @pl.when(i == 0)
    def _():
        for s in range(E):
            t = jnp.dot(wb_ref[s], bd_ref[s],
                        preferred_element_type=jnp.float32)
            wtbd_scr[s] = jnp.dot(wt_ref[s], bd_ref[s],
                                  preferred_element_type=jnp.float32
                                  ).astype(jnp.bfloat16)
            wpbbd_scr[s] = jnp.dot(wp_ref[...], t,
                                   preferred_element_type=jnp.float32
                                   ).astype(jnp.bfloat16)
            bpbrbd_scr[s] = (
                jnp.dot(bp_ref[...], t, preferred_element_type=jnp.float32)
                + jnp.dot(br_ref[pl.ds(s, 1), :], bd_ref[s],
                          preferred_element_type=jnp.float32))
    uids = [uid_ref[i * NB + j] for j in range(NB)]
    sids = [lax.rem(u, E) for u in uids]
    for j in range(NB):
        sid = sids[j]
        ue_j = ue_ref[pl.ds(j, 1), :].astype(jnp.bfloat16)
        x = x_ref[j]
        sc = (jnp.dot(x, wtbd_scr[sid], preferred_element_type=jnp.float32)
              + jnp.dot(ue_j, wpbbd_scr[sid],
                        preferred_element_type=jnp.float32)
              + bpbrbd_scr[sid])
        e = jnp.exp(sc)
        e_scr[j] = e.astype(jnp.bfloat16)
        if j == NB - 1:
            @pl.when(i == n_programs - 1)
            def _():
                d512 = jnp.dot(e, o2_ref[...],
                               preferred_element_type=jnp.float32)
                fin_ref[...] = e / d512
    for j in range(NB):
        eb = e_scr[j]
        un = jnp.dot(eb, bd2_ref[sids[j]],
                     preferred_element_type=jnp.float32)
        den = jnp.dot(eb, o_ref[...], preferred_element_type=jnp.float32)
        out_ref[j] = un / den


def kernel(inputs, user_id, user_emb_table, W_proc, b_proc, shard_memory,
           W_read, b_read):
    B, S, D_IN = inputs.shape
    V, EMB = user_emb_table.shape
    E, M, WORD = shard_memory.shape
    RW = W_read.shape[-1]
    R = RW // WORD
    D_PROC = W_proc.shape[-1]

    uid = user_id.astype(jnp.int32)

    ue = _sc_gather_build(V, EMB, B)(user_emb_table, uid)

    wt = W_read[:, :D_IN, :]
    wb = W_read[:, D_IN:, :]
    bp2 = b_proc.reshape(1, D_PROC)

    memT = jnp.swapaxes(shard_memory, 1, 2) * (1.0 / np.sqrt(WORD))
    bd = jnp.zeros((E, R, WORD, R, M), jnp.float32)
    bd2 = jnp.zeros((E, R, M, R, WORD), jnp.float32)
    for r in range(R):
        bd = bd.at[:, r, :, r, :].set(memT)
        bd2 = bd2.at[:, r, :, r, :].set(shard_memory)
    bd = bd.reshape(E, RW, R * M)
    bd2 = bd2.reshape(E, R * M, RW).astype(jnp.bfloat16)
    o_mat = jnp.kron(jnp.eye(R, dtype=jnp.bfloat16),
                     jnp.ones((M, WORD), jnp.bfloat16))
    o2_mat = jnp.kron(jnp.eye(R, dtype=jnp.float32),
                      jnp.ones((M, M), jnp.float32))

    n_programs = B // NB
    grid_spec = pltpu.PrefetchScalarGridSpec(
        num_scalar_prefetch=1,
        grid=(n_programs,),
        in_specs=[
            pl.BlockSpec((NB, EMB), lambda i, u: (i, 0)),
            pl.BlockSpec((NB, S, D_IN), lambda i, u: (i, 0, 0)),
            pl.BlockSpec((EMB, D_PROC), lambda i, u: (0, 0)),
            pl.BlockSpec((1, D_PROC), lambda i, u: (0, 0)),
            pl.BlockSpec((E, RW, R * M), lambda i, u: (0, 0, 0)),
            pl.BlockSpec((E, R * M, RW), lambda i, u: (0, 0, 0)),
            pl.BlockSpec((R * M, RW), lambda i, u: (0, 0)),
            pl.BlockSpec((R * M, R * M), lambda i, u: (0, 0)),
            pl.BlockSpec((E, D_IN, RW), lambda i, u: (0, 0, 0)),
            pl.BlockSpec((E, D_PROC, RW), lambda i, u: (0, 0, 0)),
            pl.BlockSpec((E, RW), lambda i, u: (0, 0)),
        ],
        out_specs=[
            pl.BlockSpec((NB, S, RW), lambda i, u: (i, 0, 0)),
            pl.BlockSpec((S, R * M), lambda i, u: (0, 0)),
        ],
        scratch_shapes=[
            pltpu.VMEM((NB, S, R * M), jnp.bfloat16),
            pltpu.VMEM((E, D_IN, R * M), jnp.bfloat16),
            pltpu.VMEM((E, EMB, R * M), jnp.bfloat16),
            pltpu.VMEM((E, 1, R * M), jnp.float32),
        ],
    )
    body = functools.partial(_tc_body, S=S, R=R, WORD=WORD, E=E, RW=RW,
                             n_programs=n_programs)
    read_flat, fin = pl.pallas_call(
        body,
        grid_spec=grid_spec,
        out_shape=[
            jax.ShapeDtypeStruct((B, S, RW), jnp.float32),
            jax.ShapeDtypeStruct((S, R * M), jnp.float32),
        ],
    )(uid, ue, inputs.astype(jnp.bfloat16), W_proc, bp2, bd, bd2, o_mat,
      o2_mat, wt, wb, b_read)

    read_words = read_flat.reshape(B, S, R, WORD)
    final_state = fin.reshape(S, R, M)
    return (read_words, final_state)

# --- scband reference (transcript-rebuilt; emitter-appended) ---
"""Pipeline reference for scband-memory-access-with-user-embedding-9002251453170 (READ-ONLY COPY).

The authoritative reference and input builder live on the scoring server;
editing this copy changes nothing except your own understanding.
"""

import jax, jax.numpy as jnp
import numpy as np

NUM_USERS = 100000
EMB_DIM = 64
D_IN = 128
D_PROC = 128
B = 1024
S = 50
E = 8           # num shards (experts)
M = 128         # memory slots per shard
WORD = 32       # word size
R = 4           # num read heads


def setup_inputs(seed: int = 0) -> dict:
    key = jax.random.key(seed)
    ks = jax.random.split(key, 8)
    inputs = jax.random.normal(ks[0], (B, S, D_IN), dtype=jnp.float32)
    user_id = jax.random.randint(ks[1], (B,), 0, NUM_USERS, dtype=jnp.int64 if jax.config.jax_enable_x64 else jnp.int32)
    user_emb_table = jax.random.normal(ks[2], (NUM_USERS, EMB_DIM), dtype=jnp.float32) * 0.02
    W_proc = jax.random.normal(ks[3], (EMB_DIM, D_PROC), dtype=jnp.float32) * (1.0 / np.sqrt(EMB_DIM))
    b_proc = jnp.zeros((D_PROC,), dtype=jnp.float32)
    shard_memory = jax.random.normal(ks[4], (E, M, WORD), dtype=jnp.float32) * 0.1
    W_read = jax.random.normal(ks[5], (E, D_IN + D_PROC, R * WORD), dtype=jnp.float32) * (1.0 / np.sqrt(D_IN + D_PROC))
    b_read = jnp.zeros((E, R * WORD), dtype=jnp.float32)
    return {
        "inputs": inputs,
        "user_id": user_id,
        "user_emb_table": user_emb_table,
        "W_proc": W_proc,
        "b_proc": b_proc,
        "shard_memory": shard_memory,
        "W_read": W_read,
        "b_read": b_read,
    }


def reference(inputs, user_id, user_emb_table, W_proc, b_proc, shard_memory, W_read, b_read):
    b, s, d_in = inputs.shape
    # user embedding lookup (Embedding layer)
    ue = jnp.take(user_emb_table, user_id, axis=0)            # [B, EMB]
    # embedding_processor: Dense(128, activation=None)
    pe = ue @ W_proc + b_proc                                  # [B, D_PROC]
    # expand + broadcast over sequence, concat on feature axis
    pe_exp = jnp.broadcast_to(pe[:, None, :], (b, s, pe.shape[-1]))
    combined = jnp.concatenate([inputs, pe_exp], axis=-1)      # [B, S, D_IN+D_PROC]
    # shard assignment (ShardManager.assign_users)
    shard_ids = jnp.mod(user_id, E)                            # [B]
    # gather per-sample shard parameters (expert dispatch)
    mem = jnp.take(shard_memory, shard_ids, axis=0)            # [B, M, WORD]
    Wr = jnp.take(W_read, shard_ids, axis=0)                   # [B, D, R*WORD]
    br = jnp.take(b_read, shard_ids, axis=0)                   # [B, R*WORD]
    # per-shard memory read: content-based addressing
    keys = jnp.einsum('bsd,bdk->bsk', combined, Wr) + br[:, None, :]
    keys = keys.reshape(b, s, R, WORD)
    scores = jnp.einsum('bsrw,bmw->bsrm', keys, mem) / np.sqrt(WORD)
    wts = jax.nn.softmax(scores, axis=-1)                      # [B, S, R, M]
    read_words = jnp.einsum('bsrm,bmw->bsrw', wts, mem)        # [B, S, R, WORD]
    # mirrors final_state = final_states[-1] (last sample's shard read state)
    final_state = wts[-1]                                      # [S, R, M]
    return (read_words, final_state)

if __name__ == "__main__":
    import jax
    _d = setup_inputs()
    print(jax.jit(kernel)(*tuple(_d.values())))

</pallas_src>

<mosaic_0001>
#map = affine_map<(d0, d1) -> (0, 0)>
#map1 = affine_map<(d0, d1) -> (0)>
module attributes {stable_mosaic.version = 14 : i64} {
  func.func @gather(%arg0: i32, %arg1: i32, %arg2: memref<100000x64xf32, #tpu.memory_space<hbm>>, %arg3: memref<1024xi32, #tpu.memory_space<hbm>>, %arg4: memref<1024x64xf32, #tpu.memory_space<hbm>>, %arg5: memref<32xi32, #tpu.memory_space<vmem>>, %arg6: memref<32x64xf32, #tpu.memory_space<vmem>>, %arg7: memref<!tpu.dma_semaphore, #tpu.memory_space<semaphore_mem>>) attributes {dimension_semantics = [#tpu.dimension_semantics<core_parallel>, #tpu.dimension_semantics<subcore_parallel>], iteration_bounds = array<i64: 2, 16>, scalar_prefetch = 0 : i64, scratch_operands = 3 : i64, tpu.core_type = #tpu.core_type<sc_vector_subcore>, window_params = [{transform_indices = #map}, {transform_indices = #map1}, {transform_indices = #map}]} {
    %mul3A = arith.constant 2 : i32
    %mul3A_0 = arith.muli %arg1, %mul3A : i32
    %add3A = arith.addi %mul3A_0, %arg0 : i32
    %mul3A_1 = arith.constant 32 : i32
    %mul3A_2 = arith.muli %add3A, %mul3A_1 : i32
    "tpu.region"() ({
      %run_scoped3A = tpu.sem_alloc : memref<!tpu.dma_semaphore, #tpu.memory_space<semaphore_mem>>
      %dma_start3A_7 = tpu.memref_slice %arg3[%mul3A_2] : memref<1024xi32, #tpu.memory_space<hbm>> -> memref<32xi32, #tpu.memory_space<hbm>>
      %dma_start3A_8 = tpu.memref_slice %arg3[%mul3A_2] : memref<1024xi32, #tpu.memory_space<hbm>> -> memref<32xi32, #tpu.memory_space<hbm>>
      tpu.enqueue_dma source(%dma_start3A_8 : memref<32xi32, #tpu.memory_space<hbm>>) target(%arg5 : memref<32xi32, #tpu.memory_space<vmem>>) target_semaphore(%run_scoped3A : memref<!tpu.dma_semaphore, #tpu.memory_space<semaphore_mem>>)
      %dma_wait3A_9 = tpu.memref_slice %arg3[%mul3A_2] : memref<1024xi32, #tpu.memory_space<hbm>> -> memref<32xi32, #tpu.memory_space<hbm>>
      %dma_wait3A_10 = tpu.memref_slice %arg3[%mul3A_2] : memref<1024xi32, #tpu.memory_space<hbm>> -> memref<32xi32, #tpu.memory_space<hbm>>
      tpu.wait_dma2 semaphore(%run_scoped3A : memref<!tpu.dma_semaphore, #tpu.memory_space<semaphore_mem>>) src(%dma_wait3A_10 : memref<32xi32, #tpu.memory_space<hbm>>) dst(%arg5 : memref<32xi32, #tpu.memory_space<vmem>>)
      tpu.yield
    }) : () -> ()
    %dma_start3A = arith.constant 0 : i32
    %dma_start3A_3 = arith.constant 0 : i32
    %dma_start3A_4 = tpu.memref_slice %arg2[%dma_start3A, %dma_start3A_3] : memref<100000x64xf32, #tpu.memory_space<hbm>> -> memref<100000x64xf32, #tpu.memory_space<hbm>>
    tpu.enqueue_indirect_dma source(%dma_start3A_4 : memref<100000x64xf32, #tpu.memory_space<hbm>>) target(%arg6 : memref<32x64xf32, #tpu.memory_space<vmem>>) offsets(%arg5 : memref<32xi32, #tpu.memory_space<vmem>>) semaphore(%arg7 : memref<!tpu.dma_semaphore, #tpu.memory_space<semaphore_mem>>)
    %dma_wait3A = arith.constant 0 : i32
    %dma_wait3A_5 = arith.constant 0 : i32
    %dma_wait3A_6 = tpu.memref_slice %arg2[%dma_wait3A, %dma_wait3A_5] : memref<100000x64xf32, #tpu.memory_space<hbm>> -> memref<100000x64xf32, #tpu.memory_space<hbm>>
    tpu.wait_indirect_dma semaphore(%arg7 : memref<!tpu.dma_semaphore, #tpu.memory_space<semaphore_mem>>) src(%dma_wait3A_6 : memref<100000x64xf32, #tpu.memory_space<hbm>>) dst(%arg6 : memref<32x64xf32, #tpu.memory_space<vmem>>)
    "tpu.region"() ({
      %run_scoped3A = tpu.sem_alloc : memref<!tpu.dma_semaphore, #tpu.memory_space<semaphore_mem>>
      %dma_start3A_7 = arith.constant 0 : i32
      %dma_start3A_8 = tpu.memref_slice %arg4[%mul3A_2, %dma_start3A_7] : memref<1024x64xf32, #tpu.memory_space<hbm>> -> memref<32x64xf32, #tpu.memory_space<hbm>>
      %dma_start3A_9 = arith.constant 0 : i32
      %dma_start3A_10 = tpu.memref_slice %arg4[%mul3A_2, %dma_start3A_9] : memref<1024x64xf32, #tpu.memory_space<hbm>> -> memref<32x64xf32, #tpu.memory_space<hbm>>
      tpu.enqueue_dma source(%arg6 : memref<32x64xf32, #tpu.memory_space<vmem>>) target(%dma_start3A_10 : memref<32x64xf32, #tpu.memory_space<hbm>>) target_semaphore(%run_scoped3A : memref<!tpu.dma_semaphore, #tpu.memory_space<semaphore_mem>>)
      %dma_wait3A_11 = arith.constant 0 : i32
      %dma_wait3A_12 = tpu.memref_slice %arg4[%mul3A_2, %dma_wait3A_11] : memref<1024x64xf32, #tpu.memory_space<hbm>> -> memref<32x64xf32, #tpu.memory_space<hbm>>
      %dma_wait3A_13 = arith.constant 0 : i32
      %dma_wait3A_14 = tpu.memref_slice %arg4[%mul3A_2, %dma_wait3A_13] : memref<1024x64xf32, #tpu.memory_space<hbm>> -> memref<32x64xf32, #tpu.memory_space<hbm>>
      tpu.wait_dma2 semaphore(%run_scoped3A : memref<!tpu.dma_semaphore, #tpu.memory_space<semaphore_mem>>) src(%arg6 : memref<32x64xf32, #tpu.memory_space<vmem>>) dst(%dma_wait3A_14 : memref<32x64xf32, #tpu.memory_space<hbm>>)
      tpu.yield
    }) : () -> ()
    return
  }
}

module attributes {stable_mosaic.version = 14 : i64} {
  func.func @_tc_body(%arg0: i32, %arg1: memref<1024xi32, #tpu.memory_space<smem>>, %arg2: memref<32x64xf32, #tpu.memory_space<vmem>>, %arg3: memref<32x50x128xbf16, #tpu.memory_space<vmem>>, %arg4: memref<64x128xf32, #tpu.memory_space<vmem>>, %arg5: memref<1x128xf32, #tpu.memory_space<vmem>>, %arg6: memref<8x128x512xf32, #tpu.memory_space<vmem>>, %arg7: memref<8x512x128xbf16, #tpu.memory_space<vmem>>, %arg8: memref<512x128xbf16, #tpu.memory_space<vmem>>, %arg9: memref<512x512xf32, #tpu.memory_space<vmem>>, %arg10: memref<8x128x128xf32, #tpu.memory_space<vmem>>, %arg11: memref<8x128x128xf32, #tpu.memory_space<vmem>>, %arg12: memref<8x128xf32, #tpu.memory_space<vmem>>, %arg13: memref<32x50x128xf32, #tpu.memory_space<vmem>>, %arg14: memref<50x512xf32, #tpu.memory_space<vmem>>, %arg15: memref<32x50x512xbf16, #tpu.memory_space<vmem>>, %arg16: memref<8x128x512xbf16, #tpu.memory_space<vmem>>, %arg17: memref<8x64x512xbf16, #tpu.memory_space<vmem>>, %arg18: memref<8x1x512xf32, #tpu.memory_space<vmem>>) attributes {dimension_semantics = [#tpu.dimension_semantics<arbitrary>], iteration_bounds = array<i64: 32>, scalar_prefetch = 1 : i64, scratch_operands = 4 : i64, tpu.core_type = #tpu.core_type<tc>, window_params = [{transform_indices = @transform_0, window_bounds = array<i64: 32, 64>}, {transform_indices = @transform_1, window_bounds = array<i64: 32, 50, 128>}, {pipeline_mode = #tpu.pipeline_mode<synchronous>, transform_indices = @transform_2, window_bounds = array<i64: 64, 128>}, {pipeline_mode = #tpu.pipeline_mode<synchronous>, transform_indices = @transform_3, window_bounds = array<i64: 1, 128>}, {pipeline_mode = #tpu.pipeline_mode<synchronous>, transform_indices = @transform_4, window_bounds = array<i64: 8, 128, 512>}, {pipeline_mode = #tpu.pipeline_mode<synchronous>, transform_indices = @transform_5, window_bounds = array<i64: 8, 512, 128>}, {pipeline_mode = #tpu.pipeline_mode<synchronous>, transform_indices = @transform_6, window_bounds = array<i64: 512, 128>}, {pipeline_mode = #tpu.pipeline_mode<synchronous>, transform_indices = @transform_7, window_bounds = array<i64: 512, 512>}, {pipeline_mode = #tpu.pipeline_mode<synchronous>, transform_indices = @transform_8, window_bounds = array<i64: 8, 128, 128>}, {pipeline_mode = #tpu.pipeline_mode<synchronous>, transform_indices = @transform_9, window_bounds = array<i64: 8, 128, 128>}, {pipeline_mode = #tpu.pipeline_mode<synchronous>, transform_indices = @transform_10, window_bounds = array<i64: 8, 128>}, {transform_indices = @transform_11, window_bounds = array<i64: 32, 50, 128>}, {pipeline_mode = #tpu.pipeline_mode<synchronous>, transform_indices = @transform_12, window_bounds = array<i64: 50, 512>}]} {
    %eq3A = arith.constant 0 : i32
    %eq3A_0 = arith.cmpi eq, %arg0, %eq3A : i32
    %convert_element_type3A = arith.extui %eq3A_0 : i1 to i32
    %cond3A = arith.constant 0 : i32
    %cond3A_1 = arith.cmpi ne, %convert_element_type3A, %cond3A : i32
    scf.if %cond3A_1 {
      %get3A_2303 = arith.constant 0 : index
      %get3A_2304 = arith.constant 0 : index
      %get3A_2305 = arith.constant 0 : index
      %get3A_2306 = vector.load %arg11[%get3A_2303, %get3A_2304, %get3A_2305] : memref<8x128x128xf32, #tpu.memory_space<vmem>>, vector<1x128x128xf32>
      %get3A_2307 = vector.shape_cast %get3A_2306 : vector<1x128x128xf32> to vector<128x128xf32>
      %get3A_2308 = arith.constant 0 : index
      %get3A_2309 = arith.constant 0 : index
      %get3A_2310 = arith.constant 0 : index
      %get3A_2311 = vector.load %arg6[%get3A_2308, %get3A_2309, %get3A_2310] : memref<8x128x512xf32, #tpu.memory_space<vmem>>, vector<1x128x512xf32>
      %get3A_2312 = vector.shape_cast %get3A_2311 : vector<1x128x512xf32> to vector<128x512xf32>
      %dot_general3A_2313 = arith.constant dense<0.000000e+00> : vector<128x512xf32>
      %dot_general3A_2314 = tpu.matmul %get3A_2307, %get3A_2312, %dot_general3A_2313 {dimension_numbers = #tpu.dot_dimension_numbers<[1], [0], [0], [1], [0, 0, 1, 1], [], []>, transpose_lhs_hint = false} : vector<128x128xf32>, vector<128x512xf32>, vector<128x512xf32> -> vector<128x512xf32>
      %get3A_2315 = arith.constant 0 : index
      %get3A_2316 = arith.constant 0 : index
      %get3A_2317 = arith.constant 0 : index
      %get3A_2318 = vector.load %arg10[%get3A_2315, %get3A_2316, %get3A_2317] : memref<8x128x128xf32, #tpu.memory_space<vmem>>, vector<1x128x128xf32>
      %get3A_2319 = vector.shape_cast %get3A_2318 : vector<1x128x128xf32> to vector<128x128xf32>
      %get3A_2320 = arith.constant 0 : index
      %get3A_2321 = arith.constant 0 : index
      %get3A_2322 = arith.constant 0 : index
      %get3A_2323 = vector.load %arg6[%get3A_2320, %get3A_2321, %get3A_2322] : memref<8x128x512xf32, #tpu.memory_space<vmem>>, vector<1x128x512xf32>
      %get3A_2324 = vector.shape_cast %get3A_2323 : vector<1x128x512xf32> to vector<128x512xf32>
      %dot_general3A_2325 = arith.constant dense<0.000000e+00> : vector<128x512xf32>
      %dot_general3A_2326 = tpu.matmul %get3A_2319, %get3A_2324, %dot_general3A_2325 {dimension_numbers = #tpu.dot_dimension_numbers<[1], [0], [0], [1], [0, 0, 1, 1], [], []>, transpose_lhs_hint = false} : vector<128x128xf32>, vector<128x512xf32>, vector<128x512xf32> -> vector<128x512xf32>
      %convert_element_type3A_2327 = arith.truncf %dot_general3A_2326 : vector<128x512xf32> to vector<128x512xbf16>
      %swap3A_2328 = arith.constant 0 : index
      %swap3A_2329 = arith.constant 0 : index
      %swap3A_2330 = arith.constant 0 : index
      %swap3A_2331 = vector.load %arg16[%swap3A_2328, %swap3A_2329, %swap3A_2330] : memref<8x128x512xbf16, #tpu.memory_space<vmem>>, vector<1x128x512xbf16>
      %swap3A_2332 = vector.shape_cast %swap3A_2331 : vector<1x128x512xbf16> to vector<128x512xbf16>
      %swap3A_2333 = vector.shape_cast %convert_element_type3A_2327 : vector<128x512xbf16> to vector<1x128x512xbf16>
      tpu.vector_store %arg16[%swap3A_2328, %swap3A_2329, %swap3A_2330], %swap3A_2333 {strides = array<i32>} : memref<8x128x512xbf16, #tpu.memory_space<vmem>>, vector<1x128x512xbf16>,
      %get3A_2334 = arith.constant 0 : index
      %get3A_2335 = arith.constant 0 : index
      %get3A_2336 = vector.load %arg4[%get3A_2334, %get3A_2335] : memref<64x128xf32, #tpu.memory_space<vmem>>, vector<64x128xf32>
      %dot_general3A_2337 = arith.constant dense<0.000000e+00> : vector<64x512xf32>
      %dot_general3A_2338 = tpu.matmul %get3A_2336, %dot_general3A_2314, %dot_general3A_2337 {dimension_numbers = #tpu.dot_dimension_numbers<[1], [0], [0], [1], [0, 0, 1, 1], [], []>, transpose_lhs_hint = false} : vector<64x128xf32>, vector<128x512xf32>, vector<64x512xf32> -> vector<64x512xf32>
      %convert_element_type3A_2339 = arith.truncf %dot_general3A_2338 : vector<64x512xf32> to vector<64x512xbf16>
      %swap3A_2340 = arith.constant 0 : index
      %swap3A_2341 = arith.constant 0 : index
      %swap3A_2342 = arith.constant 0 : index
      %swap3A_2343 = vector.load %arg17[%swap3A_2340, %swap3A_2341, %swap3A_2342] : memref<8x64x512xbf16, #tpu.memory_space<vmem>>, vector<1x64x512xbf16>
      %swap3A_2344 = vector.shape_cast %swap3A_2343 : vector<1x64x512xbf16> to vector<64x512xbf16>
      %swap3A_2345 = vector.shape_cast %convert_element_type3A_2339 : vector<64x512xbf16> to vector<1x64x512xbf16>
      tpu.vector_store %arg17[%swap3A_2340, %swap3A_2341, %swap3A_2342], %swap3A_2345 {strides = array<i32>} : memref<8x64x512xbf16, #tpu.memory_space<vmem>>, vector<1x64x512xbf16>,
      %get3A_2346 = arith.constant 0 : index
      %get3A_2347 = arith.constant 0 : index
      %get3A_2348 = vector.load %arg5[%get3A_2346, %get3A_2347] : memref<1x128xf32, #tpu.memory_space<vmem>>, vector<1x128xf32>
      %dot_general3A_2349 = arith.constant dense<0.000000e+00> : vector<1x512xf32>
      %dot_general3A_2350 = tpu.matmul %get3A_2348, %dot_general3A_2314, %dot_general3A_2349 {dimension_numbers = #tpu.dot_dimension_numbers<[1], [0], [0], [1], [0, 0, 1, 1], [], []>, transpose_lhs_hint = false} : vector<1x128xf32>, vector<128x512xf32>, vector<1x512xf32> -> vector<1x512xf32>
      %get3A_2351 = arith.constant 0 : index
      %get3A_2352 = arith.constant 0 : index
      %get3A_2353 = vector.load %arg12[%get3A_2351, %get3A_2352] : memref<8x128xf32, #tpu.memory_space<vmem>>, vector<1x128xf32>
      %get3A_2354 = arith.constant 0 : index
      %get3A_2355 = arith.constant 0 : index
      %get3A_2356 = arith.constant 0 : index
      %get3A_2357 = vector.load %arg6[%get3A_2354, %get3A_2355, %get3A_2356] : memref<8x128x512xf32, #tpu.memory_space<vmem>>, vector<1x128x512xf32>
      %get3A_2358 = vector.shape_cast %get3A_2357 : vector<1x128x512xf32> to vector<128x512xf32>
      %dot_general3A_2359 = arith.constant dense<0.000000e+00> : vector<1x512xf32>
      %dot_general3A_2360 = tpu.matmul %get3A_2353, %get3A_2358, %dot_general3A_2359 {dimension_numbers = #tpu.dot_dimension_numbers<[1], [0], [0], [1], [0, 0, 1, 1], [], []>, transpose_lhs_hint = false} : vector<1x128xf32>, vector<128x512xf32>, vector<1x512xf32> -> vector<1x512xf32>
      %add3A_2361 = arith.addf %dot_general3A_2350, %dot_general3A_2360 : vector<1x512xf32>
      %swap3A_2362 = arith.constant 0 : index
      %swap3A_2363 = arith.constant 0 : index
      %swap3A_2364 = arith.constant 0 : index
      %swap3A_2365 = vector.load %arg18[%swap3A_2362, %swap3A_2363, %swap3A_2364] : memref<8x1x512xf32, #tpu.memory_space<vmem>>, vector<1x1x512xf32>
      %swap3A_2366 = vector.shape_cast %swap3A_2365 : vector<1x1x512xf32> to vector<1x512xf32>
      %swap3A_2367 = vector.shape_cast %add3A_2361 : vector<1x512xf32> to vector<1x1x512xf32>
      tpu.vector_store %arg18[%swap3A_2362, %swap3A_2363, %swap3A_2364], %swap3A_2367 {strides = array<i32>} : memref<8x1x512xf32, #tpu.memory_space<vmem>>, vector<1x1x512xf32>,
      %get3A_2368 = arith.constant 1 : index
      %get3A_2369 = arith.constant 0 : index
      %get3A_2370 = arith.constant 0 : index
      %get3A_2371 = vector.load %arg11[%get3A_2368, %get3A_2369, %get3A_2370] : memref<8x128x128xf32, #tpu.memory_space<vmem>>, vector<1x128x128xf32>
      %get3A_2372 = vector.shape_cast %get3A_2371 : vector<1x128x128xf32> to vector<128x128xf32>
      %get3A_2373 = arith.constant 1 : index
      %get3A_2374 = arith.constant 0 : index
      %get3A_2375 = arith.constant 0 : index
      %get3A_2376 = vector.load %arg6[%get3A_2373, %get3A_2374, %get3A_2375] : memref<8x128x512xf32, #tpu.memory_space<vmem>>, vector<1x128x512xf32>
      %get3A_2377 = vector.shape_cast %get3A_2376 : vector<1x128x512xf32> to vector<128x512xf32>
      %dot_general3A_2378 = arith.constant dense<0.000000e+00> : vector<128x512xf32>
      %dot_general3A_2379 = tpu.matmul %get3A_2372, %get3A_2377, %dot_general3A_2378 {dimension_numbers = #tpu.dot_dimension_numbers<[1], [0], [0], [1], [0, 0, 1, 1], [], []>, transpose_lhs_hint = false} : vector<128x128xf32>, vector<128x512xf32>, vector<128x512xf32> -> vector<128x512xf32>
      %get3A_2380 = arith.constant 1 : index
      %get3A_2381 = arith.constant 0 : index
      %get3A_2382 = arith.constant 0 : index
      %get3A_2383 = vector.load %arg10[%get3A_2380, %get3A_2381, %get3A_2382] : memref<8x128x128xf32, #tpu.memory_space<vmem>>, vector<1x128x128xf32>
      %get3A_2384 = vector.shape_cast %get3A_2383 : vector<1x128x128xf32> to vector<128x128xf32>
      %get3A_2385 = arith.constant 1 : index
      %get3A_2386 = arith.constant 0 : index
      %get3A_2387 = arith.constant 0 : index
      %get3A_2388 = vector.load %arg6[%get3A_2385, %get3A_2386, %get3A_2387] : memref<8x128x512xf32, #tpu.memory_space<vmem>>, vector<1x128x512xf32>
      %get3A_2389 = vector.shape_cast %get3A_2388 : vector<1x128x512xf32> to vector<128x512xf32>
      %dot_general3A_2390 = arith.constant dense<0.000000e+00> : vector<128x512xf32>
      %dot_general3A_2391 = tpu.matmul %get3A_2384, %get3A_2389, %dot_general3A_2390 {dimension_numbers = #tpu.dot_dimension_numbers<[1], [0], [0], [1], [0, 0, 1, 1], [], []>, transpose_lhs_hint = false} : vector<128x128xf32>, vector<128x512xf32>, vector<128x512xf32> -> vector<128x512xf32>
      %convert_element_type3A_2392 = arith.truncf %dot_general3A_2391 : vector<128x512xf32> to vector<128x512xbf16>
      %swap3A_2393 = arith.constant 1 : index
      %swap3A_2394 = arith.constant 0 : index
      %swap3A_2395 = arith.constant 0 : index
      %swap3A_2396 = vector.load %arg16[%swap3A_2393, %swap3A_2394, %swap3A_2395] : memref<8x128x512xbf16, #tpu.memory_space<vmem>>, vector<1x128x512xbf16>
      %swap3A_2397 = vector.shape_cast %swap3A_2396 : vector<1x128x512xbf16> to vector<128x512xbf16>
      %swap3A_2398 = vector.shape_cast %convert_element_type3A_2392 : vector<128x512xbf16> to vector<1x128x512xbf16>
      tpu.vector_store %arg16[%swap3A_2393, %swap3A_2394, %swap3A_2395], %swap3A_2398 {strides = array<i32>} : memref<8x128x512xbf16, #tpu.memory_space<vmem>>, vector<1x128x512xbf16>,
      %get3A_2399 = arith.constant 0 : index
      %get3A_2400 = arith.constant 0 : index
      %get3A_2401 = vector.load %arg4[%get3A_2399, %get3A_2400] : memref<64x128xf32, #tpu.memory_space<vmem>>, vector<64x128xf32>
      %dot_general3A_2402 = arith.constant dense<0.000000e+00> : vector<64x512xf32>
      %dot_general3A_2403 = tpu.matmul %get3A_2401, %dot_general3A_2379, %dot_general3A_2402 {dimension_numbers = #tpu.dot_dimension_numbers<[1], [0], [0], [1], [0, 0, 1, 1], [], []>, transpose_lhs_hint = false} : vector<64x128xf32>, vector<128x512xf32>, vector<64x512xf32> -> vector<64x512xf32>
      %convert_element_type3A_2404 = arith.truncf %dot_general3A_2403 : vector<64x512xf32> to vector<64x512xbf16>
      %swap3A_2405 = arith.constant 1 : index
      %swap3A_2406 = arith.constant 0 : index
      %swap3A_2407 = arith.constant 0 : index
      %swap3A_2408 = vector.load %arg17[%swap3A_2405, %swap3A_2406, %swap3A_2407] : memref<8x64x512xbf16, #tpu.memory_space<vmem>>, vector<1x64x512xbf16>
      %swap3A_2409 = vector.shape_cast %swap3A_2408 : vector<1x64x512xbf16> to vector<64x512xbf16>
      %swap3A_2410 = vector.shape_cast %convert_element_type3A_2404 : vector<64x512xbf16> to vector<1x64x512xbf16>
      tpu.vector_store %arg17[%swap3A_2405, %swap3A_2406, %swap3A_2407], %swap3A_2410 {strides = array<i32>} : memref<8x64x512xbf16, #tpu.memory_space<vmem>>, vector<1x64x512xbf16>,
      %get3A_2411 = arith.constant 0 : index
      %get3A_2412 = arith.constant 0 : index
      %get3A_2413 = vector.load %arg5[%get3A_2411, %get3A_2412] : memref<1x128xf32, #tpu.memory_space<vmem>>, vector<1x128xf32>
      %dot_general3A_2414 = arith.constant dense<0.000000e+00> : vector<1x512xf32>
      %dot_general3A_2415 = tpu.matmul %get3A_2413, %dot_general3A_2379, %dot_general3A_2414 {dimension_numbers = #tpu.dot_dimension_numbers<[1], [0], [0], [1], [0, 0, 1, 1], [], []>, transpose_lhs_hint = false} : vector<1x128xf32>, vector<128x512xf32>, vector<1x512xf32> -> vector<1x512xf32>
      %get3A_2416 = arith.constant 1 : index
      %get3A_2417 = arith.constant 0 : index
      %get3A_2418 = vector.load %arg12[%get3A_2416, %get3A_2417] : memref<8x128xf32, #tpu.memory_space<vmem>>, vector<1x128xf32>
      %get3A_2419 = arith.constant 1 : index
      %get3A_2420 = arith.constant 0 : index
      %get3A_2421 = arith.constant 0 : index
      %get3A_2422 = vector.load %arg6[%get3A_2419, %get3A_2420, %get3A_2421] : memref<8x128x512xf32, #tpu.memory_space<vmem>>, vector<1x128x512xf32>
      %get3A_2423 = vector.shape_cast %get3A_2422 : vector<1x128x512xf32> to vector<128x512xf32>
      %dot_general3A_2424 = arith.constant dense<0.000000e+00> : vector<1x512xf32>
      %dot_general3A_2425 = tpu.matmul %get3A_2418, %get3A_2423, %dot_general3A_2424 {dimension_numbers = #tpu.dot_dimension_numbers<[1], [0], [0], [1], [0, 0, 1, 1], [], []>, transpose_lhs_hint = false} : vector<1x128xf32>, vector<128x512xf32>, vector<1x512xf32> -> vector<1x512xf32>
      %add3A_2426 = arith.addf %dot_general3A_2415, %dot_general3A_2425 : vector<1x512xf32>
      %swap3A_2427 = arith.constant 1 : index
      %swap3A_2428 = arith.constant 0 : index
      %swap3A_2429 = arith.constant 0 : index
      %swap3A_2430 = vector.load %arg18[%swap3A_2427, %swap3A_2428, %swap3A_2429] : memref<8x1x512xf32, #tpu.memory_space<vmem>>, vector<1x1x512xf32>
      %swap3A_2431 = vector.shape_cast %swap3A_2430 : vector<1x1x512xf32> to vector<1x512xf32>
      %swap3A_2432 = vector.shape_cast %add3A_2426 : vector<1x512xf32> to vector<1x1x512xf32>
      tpu.vector_store %arg18[%swap3A_2427, %swap3A_2428, %swap3A_2429], %swap3A_2432 {strides = array<i32>} : memref<8x1x512xf32, #tpu.memory_space<vmem>>, vector<1x1x512xf32>,
      %get3A_2433 = arith.constant 2 : index
      %get3A_2434 = arith.constant 0 : index
      %get3A_2435 = arith.constant 0 : index
      %get3A_2436 = vector.load %arg11[%get3A_2433, %get3A_2434, %get3A_2435] : memref<8x128x128xf32, #tpu.memory_space<vmem>>, vector<1x128x128xf32>
      %get3A_2437 = vector.shape_cast %get3A_2436 : vector<1x128x128xf32> to vector<128x128xf32>
      %get3A_2438 = arith.constant 2 : index
      %get3A_2439 = arith.constant 0 : index
      %get3A_2440 = arith.constant 0 : index
      %get3A_2441 = vector.load %arg6[%get3A_2438, %get3A_2439, %get3A_2440] : memref<8x128x512xf32, #tpu.memory_space<vmem>>, vector<1x128x512xf32>
      %get3A_2442 = vector.shape_cast %get3A_2441 : vector<1x128x512xf32> to vector<128x512xf32>
      %dot_general3A_2443 = arith.constant dense<0.000000e+00> : vector<128x512xf32>
      %dot_general3A_2444 = tpu.matmul %get3A_2437, %get3A_2442, %dot_general3A_2443 {dimension_numbers = #tpu.dot_dimension_numbers<[1], [0], [0], [1], [0, 0, 1, 1], [], []>, transpose_lhs_hint = false} : vector<128x128xf32>, vector<128x512xf32>, vector<128x512xf32> -> vector<128x512xf32>
      %get3A_2445 = arith.constant 2 : index
      %get3A_2446 = arith.constant 0 : index
      %get3A_2447 = arith.constant 0 : index
      %get3A_2448 = vector.load %arg10[%get3A_2445, %get3A_2446, %get3A_2447] : memref<8x128x128xf32, #tpu.memory_space<vmem>>, vector<1x128x128xf32>
      %get3A_2449 = vector.shape_cast %get3A_2448 : vector<1x128x128xf32> to vector<128x128xf32>
      %get3A_2450 = arith.constant 2 : index
      %get3A_2451 = arith.constant 0 : index
      %get3A_2452 = arith.constant 0 : index
      %get3A_2453 = vector.load %arg6[%get3A_2450, %get3A_2451, %get3A_2452] : memref<8x128x512xf32, #tpu.memory_space<vmem>>, vector<1x128x512xf32>
      %get3A_2454 = vector.shape_cast %get3A_2453 : vector<1x128x512xf32> to vector<128x512xf32>
      %dot_general3A_2455 = arith.constant dense<0.000000e+00> : vector<128x512xf32>
      %dot_general3A_2456 = tpu.matmul %get3A_2449, %get3A_2454, %dot_general3A_2455 {dimension_numbers = #tpu.dot_dimension_numbers<[1], [0], [0], [1], [0, 0, 1, 1], [], []>, transpose_lhs_hint = false} : vector<128x128xf32>, vector<128x512xf32>, vector<128x512xf32> -> vector<128x512xf32>
      %convert_element_type3A_2457 = arith.truncf %dot_general3A_2456 : vector<128x512xf32> to vector<128x512xbf16>
      %swap3A_2458 = arith.constant 2 : index
      %swap3A_2459 = arith.constant 0 : index
      %swap3A_2460 = arith.constant 0 : index
      %swap3A_2461 = vector.load %arg16[%swap3A_2458, %swap3A_2459, %swap3A_2460] : memref<8x128x512xbf16, #tpu.memory_space<vmem>>, vector<1x128x512xbf16>
      %swap3A_2462 = vector.shape_cast %swap3A_2461 : vector<1x128x512xbf16> to vector<128x512xbf16>
      %swap3A_2463 = vector.shape_cast %convert_element_type3A_2457 : vector<128x512xbf16> to vector<1x128x512xbf16>
      tpu.vector_store %arg16[%swap3A_2458, %swap3A_2459, %swap3A_2460], %swap3A_2463 {strides = array<i32>} : memref<8x128x512xbf16, #tpu.memory_space<vmem>>, vector<1x128x512xbf16>,
      %get3A_2464 = arith.constant 0 : index
      %get3A_2465 = arith.constant 0 : index
      %get3A_2466 = vector.load %arg4[%get3A_2464, %get3A_2465] : memref<64x128xf32, #tpu.memory_space<vmem>>, vector<64x128xf32>
      %dot_general3A_2467 = arith.constant dense<0.000000e+00> : vector<64x512xf32>
      %dot_general3A_2468 = tpu.matmul %get3A_2466, %dot_general3A_2444, %dot_general3A_2467 {dimension_numbers = #tpu.dot_dimension_numbers<[1], [0], [0], [1], [0, 0, 1, 1], [], []>, transpose_lhs_hint = false} : vector<64x128xf32>, vector<128x512xf32>, vector<64x512xf32> -> vector<64x512xf32>
      %convert_element_type3A_2469 = arith.truncf %dot_general3A_2468 : vector<64x512xf32> to vector<64x512xbf16>
      %swap3A_2470 = arith.constant 2 : index
      %swap3A_2471 = arith.constant 0 : index
      %swap3A_2472 = arith.constant 0 : index
      %swap3A_2473 = vector.load %arg17[%swap3A_2470, %swap3A_2471, %swap3A_2472] : memref<8x64x512xbf16, #tpu.memory_space<vmem>>, vector<1x64x512xbf16>
      %swap3A_2474 = vector.shape_cast %swap3A_2473 : vector<1x64x512xbf16> to vector<64x512xbf16>
      %swap3A_2475 = vector.shape_cast %convert_element_type3A_2469 : vector<64x512xbf16> to vector<1x64x512xbf16>
      tpu.vector_store %arg17[%swap3A_2470, %swap3A_2471, %swap3A_2472], %swap3A_2475 {strides = array<i32>} : memref<8x64x512xbf16, #tpu.memory_space<vmem>>, vector<1x64x512xbf16>,
      %get3A_2476 = arith.constant 0 : index
      %get3A_2477 = arith.constant 0 : index
      %get3A_2478 = vector.load %arg5[%get3A_2476, %get3A_2477] : memref<1x128xf32, #tpu.memory_space<vmem>>, vector<1x128xf32>
      %dot_general3A_2479 = arith.constant dense<0.000000e+00> : vector<1x512xf32>
      %dot_general3A_2480 = tpu.matmul %get3A_2478, %dot_general3A_2444, %dot_general3A_2479 {dimension_numbers = #tpu.dot_dimension_numbers<[1], [0], [0], [1], [0, 0, 1, 1], [], []>, transpose_lhs_hint = false} : vector<1x128xf32>, vector<128x512xf32>, vector<1x512xf32> -> vector<1x512xf32>
      %get3A_2481 = arith.constant 2 : index
      %get3A_2482 = arith.constant 0 : index
      %get3A_2483 = vector.load %arg12[%get3A_2481, %get3A_2482] : memref<8x128xf32, #tpu.memory_space<vmem>>, vector<1x128xf32>
      %get3A_2484 = arith.constant 2 : index
      %get3A_2485 = arith.constant 0 : index
      %get3A_2486 = arith.constant 0 : index
      %get3A_2487 = vector.load %arg6[%get3A_2484, %get3A_2485, %get3A_2486] : memref<8x128x512xf32, #tpu.memory_space<vmem>>, vector<1x128x512xf32>
      %get3A_2488 = vector.shape_cast %get3A_2487 : vector<1x128x512xf32> to vector<128x512xf32>
      %dot_general3A_2489 = arith.constant dense<0.000000e+00> : vector<1x512xf32>
      %dot_general3A_2490 = tpu.matmul %get3A_2483, %get3A_2488, %dot_general3A_2489 {dimension_numbers = #tpu.dot_dimension_numbers<[1], [0], [0], [1], [0, 0, 1, 1], [], []>, transpose_lhs_hint = false} : vector<1x128xf32>, vector<128x512xf32>, vector<1x512xf32> -> vector<1x512xf32>
      %add3A_2491 = arith.addf %dot_general3A_2480, %dot_general3A_2490 : vector<1x512xf32>
      %swap3A_2492 = arith.constant 2 : index
      %swap3A_2493 = arith.constant 0 : index
      %swap3A_2494 = arith.constant 0 : index
      %swap3A_2495 = vector.load %arg18[%swap3A_2492, %swap3A_2493, %swap3A_2494] : memref<8x1x512xf32, #tpu.memory_space<vmem>>, vector<1x1x512xf32>
      %swap3A_2496 = vector.shape_cast %swap3A_2495 : vector<1x1x512xf32> to vector<1x512xf32>
      %swap3A_2497 = vector.shape_cast %add3A_2491 : vector<1x512xf32> to vector<1x1x512xf32>
      tpu.vector_store %arg18[%swap3A_2492, %swap3A_2493, %swap3A_2494], %swap3A_2497 {strides = array<i32>} : memref<8x1x512xf32, #tpu.memory_space<vmem>>, vector<1x1x512xf32>,
      %get3A_2498 = arith.constant 3 : index
      %get3A_2499 = arith.constant 0 : index
      %get3A_2500 = arith.constant 0 : index
      %get3A_2501 = vector.load %arg11[%get3A_2498, %get3A_2499, %get3A_2500] : memref<8x128x128xf32, #tpu.memory_space<vmem>>, vector<1x128x128xf32>
      %get3A_2502 = vector.shape_cast %get3A_2501 : vector<1x128x128xf32> to vector<128x128xf32>
      %get3A_2503 = arith.constant 3 : index
      %get3A_2504 = arith.constant 0 : index
      %get3A_2505 = arith.constant 0 : index
      %get3A_2506 = vector.load %arg6[%get3A_2503, %get3A_2504, %get3A_2505] : memref<8x128x512xf32, #tpu.memory_space<vmem>>, vector<1x128x512xf32>
      %get3A_2507 = vector.shape_cast %get3A_2506 : vector<1x128x512xf32> to vector<128x512xf32>
      %dot_general3A_2508 = arith.constant dense<0.000000e+00> : vector<128x512xf32>
      %dot_general3A_2509 = tpu.matmul %get3A_2502, %get3A_2507, %dot_general3A_2508 {dimension_numbers = #tpu.dot_dimension_numbers<[1], [0], [0], [1], [0, 0, 1, 1], [], []>, transpose_lhs_hint = false} : vector<128x128xf32>, vector<128x512xf32>, vector<128x512xf32> -> vector<128x512xf32>
      %get3A_2510 = arith.constant 3 : index
      %get3A_2511 = arith.constant 0 : index
      %get3A_2512 = arith.constant 0 : index
      %get3A_2513 = vector.load %arg10[%get3A_2510, %get3A_2511, %get3A_2512] : memref<8x128x128xf32, #tpu.memory_space<vmem>>, vector<1x128x128xf32>
      %get3A_2514 = vector.shape_cast %get3A_2513 : vector<1x128x128xf32> to vector<128x128xf32>
      %get3A_2515 = arith.constant 3 : index
      %get3A_2516 = arith.constant 0 : index
      %get3A_2517 = arith.constant 0 : index
      %get3A_2518 = vector.load %arg6[%get3A_2515, %get3A_2516, %get3A_2517] : memref<8x128x512xf32, #tpu.memory_space<vmem>>, vector<1x128x512xf32>
      %get3A_2519 = vector.shape_cast %get3A_2518 : vector<1x128x512xf32> to vector<128x512xf32>
      %dot_general3A_2520 = arith.constant dense<0.000000e+00> : vector<128x512xf32>
      %dot_general3A_2521 = tpu.matmul %get3A_2514, %get3A_2519, %dot_general3A_2520 {dimension_numbers = #tpu.dot_dimension_numbers<[1], [0], [0], [1], [0, 0, 1, 1], [], []>, transpose_lhs_hint = false} : vector<128x128xf32>, vector<128x512xf32>, vector<128x512xf32> -> vector<128x512xf32>
      %convert_element_type3A_2522 = arith.truncf %dot_general3A_2521 : vector<128x512xf32> to vector<128x512xbf16>
      %swap3A_2523 = arith.constant 3 : index
      %swap3A_2524 = arith.constant 0 : index
      %swap3A_2525 = arith.constant 0 : index
      %swap3A_2526 = vector.load %arg16[%swap3A_2523, %swap3A_2524, %swap3A_2525] : memref<8x128x512xbf16, #tpu.memory_space<vmem>>, vector<1x128x512xbf16>
      %swap3A_2527 = vector.shape_cast %swap3A_2526 : vector<1x128x512xbf16> to vector<128x512xbf16>
      %swap3A_2528 = vector.shape_cast %convert_element_type3A_2522 : vector<128x512xbf16> to vector<1x128x512xbf16>
      tpu.vector_store %arg16[%swap3A_2523, %swap3A_2524, %swap3A_2525], %swap3A_2528 {strides = array<i32>} : memref<8x128x512xbf16, #tpu.memory_space<vmem>>, vector<1x128x512xbf16>,
      %get3A_2529 = arith.constant 0 : index
      %get3A_2530 = arith.constant 0 : index
      %get3A_2531 = vector.load %arg4[%get3A_2529, %get3A_2530] : memref<64x128xf32, #tpu.memory_space<vmem>>, vector<64x128xf32>
      %dot_general3A_2532 = arith.constant dense<0.000000e+00> : vector<64x512xf32>
      %dot_general3A_2533 = tpu.matmul %get3A_2531, %dot_general3A_2509, %dot_general3A_2532 {dimension_numbers = #tpu.dot_dimension_numbers<[1], [0], [0], [1], [0, 0, 1, 1], [], []>, transpose_lhs_hint = false} : vector<64x128xf32>, vector<128x512xf32>, vector<64x512xf32> -> vector<64x512xf32>
      %convert_element_type3A_2534 = arith.truncf %dot_general3A_2533 : vector<64x512xf32> to vector<64x512xbf16>
      %swap3A_2535 = arith.constant 3 : index
      %swap3A_2536 = arith.constant 0 : index
      %swap3A_2537 = arith.constant 0 : index
      %swap3A_2538 = vector.load %arg17[%swap3A_2535, %swap3A_2536, %swap3A_2537] : memref<8x64x512xbf16, #tpu.memory_space<vmem>>, vector<1x64x512xbf16>
      %swap3A_2539 = vector.shape_cast %swap3A_2538 : vector<1x64x512xbf16> to vector<64x512xbf16>
      %swap3A_2540 = vector.shape_cast %convert_element_type3A_2534 : vector<64x512xbf16> to vector<1x64x512xbf16>
      tpu.vector_store %arg17[%swap3A_2535, %swap3A_2536, %swap3A_2537], %swap3A_2540 {strides = array<i32>} : memref<8x64x512xbf16, #tpu.memory_space<vmem>>, vector<1x64x512xbf16>,
      %get3A_2541 = arith.constant 0 : index
      %get3A_2542 = arith.constant 0 : index
      %get3A_2543 = vector.load %arg5[%get3A_2541, %get3A_2542] : memref<1x128xf32, #tpu.memory_space<vmem>>, vector<1x128xf32>
      %dot_general3A_2544 = arith.constant dense<0.000000e+00> : vector<1x512xf32>
      %dot_general3A_2545 = tpu.matmul %get3A_2543, %dot_general3A_2509, %dot_general3A_2544 {dimension_numbers = #tpu.dot_dimension_numbers<[1], [0], [0], [1], [0, 0, 1, 1], [], []>, transpose_lhs_hint = false} : vector<1x128xf32>, vector<128x512xf32>, vector<1x512xf32> -> vector<1x512xf32>
      %get3A_2546 = arith.constant 3 : index
      %get3A_2547 = arith.constant 0 : index
      %get3A_2548 = vector.load %arg12[%get3A_2546, %get3A_2547] : memref<8x128xf32, #tpu.memory_space<vmem>>, vector<1x128xf32>
      %get3A_2549 = arith.constant 3 : index
      %get3A_2550 = arith.constant 0 : index
      %get3A_2551 = arith.constant 0 : index
      %get3A_2552 = vector.load %arg6[%get3A_2549, %get3A_2550, %get3A_2551] : memref<8x128x512xf32, #tpu.memory_space<vmem>>, vector<1x128x512xf32>
      %get3A_2553 = vector.shape_cast %get3A_2552 : vector<1x128x512xf32> to vector<128x512xf32>
      %dot_general3A_2554 = arith.constant dense<0.000000e+00> : vector<1x512xf32>
      %dot_general3A_2555 = tpu.matmul %get3A_2548, %get3A_2553, %dot_general3A_2554 {dimension_numbers = #tpu.dot_dimension_numbers<[1], [0], [0], [1], [0, 0, 1, 1], [], []>, transpose_lhs_hint = false} : vector<1x128xf32>, vector<128x512xf32>, vector<1x512xf32> -> vector<1x512xf32>
      %add3A_2556 = arith.addf %dot_general3A_2545, %dot_general3A_2555 : vector<1x512xf32>
      %swap3A_2557 = arith.constant 3 : index
      %swap3A_2558 = arith.constant 0 : index
      %swap3A_2559 = arith.constant 0 : index
      %swap3A_2560 = vector.load %arg18[%swap3A_2557, %swap3A_2558, %swap3A_2559] : memref<8x1x512xf32, #tpu.memory_space<vmem>>, vector<1x1x512xf32>
      %swap3A_2561 = vector.shape_cast %swap3A_2560 : vector<1x1x512xf32> to vector<1x512xf32>
      %swap3A_2562 = vector.shape_cast %add3A_2556 : vector<1x512xf32> to vector<1x1x512xf32>
      tpu.vector_store %arg18[%swap3A_2557, %swap3A_2558, %swap3A_2559], %swap3A_2562 {strides = array<i32>} : memref<8x1x512xf32, #tpu.memory_space<vmem>>, vector<1x1x512xf32>,
      %get3A_2563 = arith.constant 4 : index
      %get3A_2564 = arith.constant 0 : index
      %get3A_2565 = arith.constant 0 : index
      %get3A_2566 = vector.load %arg11[%get3A_2563, %get3A_2564, %get3A_2565] : memref<8x128x128xf32, #tpu.memory_space<vmem>>, vector<1x128x128xf32>
      %get3A_2567 = vector.shape_cast %get3A_2566 : vector<1x128x128xf32> to vector<128x128xf32>
      %get3A_2568 = arith.constant 4 : index
      %get3A_2569 = arith.constant 0 : index
      %get3A_2570 = arith.constant 0 : index
      %get3A_2571 = vector.load %arg6[%get3A_2568, %get3A_2569, %get3A_2570] : memref<8x128x512xf32, #tpu.memory_space<vmem>>, vector<1x128x512xf32>
      %get3A_2572 = vector.shape_cast %get3A_2571 : vector<1x128x512xf32> to vector<128x512xf32>
      %dot_general3A_2573 = arith.constant dense<0.000000e+00> : vector<128x512xf32>
      %dot_general3A_2574 = tpu.matmul %get3A_2567, %get3A_2572, %dot_general3A_2573 {dimension_numbers = #tpu.dot_dimension_numbers<[1], [0], [0], [1], [0, 0, 1, 1], [], []>, transpose_lhs_hint = false} : vector<128x128xf32>, vector<128x512xf32>, vector<128x512xf32> -> vector<128x512xf32>
      %get3A_2575 = arith.constant 4 : index
      %get3A_2576 = arith.constant 0 : index
      %get3A_2577 = arith.constant 0 : index
      %get3A_2578 = vector.load %arg10[%get3A_2575, %get3A_2576, %get3A_2577] : memref<8x128x128xf32, #tpu.memory_space<vmem>>, vector<1x128x128xf32>
      %get3A_2579 = vector.shape_cast %get3A_2578 : vector<1x128x128xf32> to vector<128x128xf32>
      %get3A_2580 = arith.constant 4 : index
      %get3A_2581 = arith.constant 0 : index
      %get3A_2582 = arith.constant 0 : index
      %get3A_2583 = vector.load %arg6[%get3A_2580, %get3A_2581, %get3A_2582] : memref<8x128x512xf32, #tpu.memory_space<vmem>>, vector<1x128x512xf32>
      %get3A_2584 = vector.shape_cast %get3A_2583 : vector<1x128x512xf32> to vector<128x512xf32>
      %dot_general3A_2585 = arith.constant dense<0.000000e+00> : vector<128x512xf32>
      %dot_general3A_2586 = tpu.matmul %get3A_2579, %get3A_2584, %dot_general3A_2585 {dimension_numbers = #tpu.dot_dimension_numbers<[1], [0], [0], [1], [0, 0, 1, 1], [], []>, transpose_lhs_hint = false} : vector<128x128xf32>, vector<128x512xf32>, vector<128x512xf32> -> vector<128x512xf32>
      %convert_element_type3A_2587 = arith.truncf %dot_general3A_2586 : vector<128x512xf32> to vector<128x512xbf16>
      %swap3A_2588 = arith.constant 4 : index
      %swap3A_2589 = arith.constant 0 : index
      %swap3A_2590 = arith.constant 0 : index
      %swap3A_2591 = vector.load %arg16[%swap3A_2588, %swap3A_2589, %swap3A_2590] : memref<8x128x512xbf16, #tpu.memory_space<vmem>>, vector<1x128x512xbf16>
      %swap3A_2592 = vector.shape_cast %swap3A_2591 : vector<1x128x512xbf16> to vector<128x512xbf16>
      %swap3A_2593 = vector.shape_cast %convert_element_type3A_2587 : vector<128x512xbf16> to vector<1x128x512xbf16>
      tpu.vector_store %arg16[%swap3A_2588, %swap3A_2589, %swap3A_2590], %swap3A_2593 {strides = array<i32>} : memref<8x128x512xbf16, #tpu.memory_space<vmem>>, vector<1x128x512xbf16>,
      %get3A_2594 = arith.constant 0 : index
      %get3A_2595 = arith.constant 0 : index
      %get3A_2596 = vector.load %arg4[%get3A_2594, %get3A_2595] : memref<64x128xf32, #tpu.memory_space<vmem>>, vector<64x128xf32>
      %dot_general3A_2597 = arith.constant dense<0.000000e+00> : vector<64x512xf32>
      %dot_general3A_2598 = tpu.matmul %get3A_2596, %dot_general3A_2574, %dot_general3A_2597 {dimension_numbers = #tpu.dot_dimension_numbers<[1], [0], [0], [1], [0, 0, 1, 1], [], []>, transpose_lhs_hint = false} : vector<64x128xf32>, vector<128x512xf32>, vector<64x512xf32> -> vector<64x512xf32>
      %convert_element_type3A_2599 = arith.truncf %dot_general3A_2598 : vector<64x512xf32> to vector<64x512xbf16>
      %swap3A_2600 = arith.constant 4 : index
      %swap3A_2601 = arith.constant 0 : index
      %swap3A_2602 = arith.constant 0 : index
      %swap3A_2603 = vector.load %arg17[%swap3A_2600, %swap3A_2601, %swap3A_2602] : memref<8x64x512xbf16, #tpu.memory_space<vmem>>, vector<1x64x512xbf16>
      %swap3A_2604 = vector.shape_cast %swap3A_2603 : vector<1x64x512xbf16> to vector<64x512xbf16>
      %swap3A_2605 = vector.shape_cast %convert_element_type3A_2599 : vector<64x512xbf16> to vector<1x64x512xbf16>
      tpu.vector_store %arg17[%swap3A_2600, %swap3A_2601, %swap3A_2602], %swap3A_2605 {strides = array<i32>} : memref<8x64x512xbf16, #tpu.memory_space<vmem>>, vector<1x64x512xbf16>,
      %get3A_2606 = arith.constant 0 : index
      %get3A_2607 = arith.constant 0 : index
      %get3A_2608 = vector.load %arg5[%get3A_2606, %get3A_2607] : memref<1x128xf32, #tpu.memory_space<vmem>>, vector<1x128xf32>
      %dot_general3A_2609 = arith.constant dense<0.000000e+00> : vector<1x512xf32>
      %dot_general3A_2610 = tpu.matmul %get3A_2608, %dot_general3A_2574, %dot_general3A_2609 {dimension_numbers = #tpu.dot_dimension_numbers<[1], [0], [0], [1], [0, 0, 1, 1], [], []>, transpose_lhs_hint = false} : vector<1x128xf32>, vector<128x512xf32>, vector<1x512xf32> -> vector<1x512xf32>
      %get3A_2611 = arith.constant 4 : index
      %get3A_2612 = arith.constant 0 : index
      %get3A_2613 = vector.load %arg12[%get3A_2611, %get3A_2612] : memref<8x128xf32, #tpu.memory_space<vmem>>, vector<1x128xf32>
      %get3A_2614 = arith.constant 4 : index
      %get3A_2615 = arith.constant 0 : index
      %get3A_2616 = arith.constant 0 : index
      %get3A_2617 = vector.load %arg6[%get3A_2614, %get3A_2615, %get3A_2616] : memref<8x128x512xf32, #tpu.memory_space<vmem>>, vector<1x128x512xf32>
      %get3A_2618 = vector.shape_cast %get3A_2617 : vector<1x128x512xf32> to vector<128x512xf32>
      %dot_general3A_2619 = arith.constant dense<0.000000e+00> : vector<1x512xf32>
      %dot_general3A_2620 = tpu.matmul %get3A_2613, %get3A_2618, %dot_general3A_2619 {dimension_numbers = #tpu.dot_dimension_numbers<[1], [0], [0], [1], [0, 0, 1, 1], [], []>, transpose_lhs_hint = false} : vector<1x128xf32>, vector<128x512xf32>, vector<1x512xf32> -> vector<1x512xf32>
      %add3A_2621 = arith.addf %dot_general3A_2610, %dot_general3A_2620 : vector<1x512xf32>
      %swap3A_2622 = arith.constant 4 : index
      %swap3A_2623 = arith.constant 0 : index
      %swap3A_2624 = arith.constant 0 : index
      %swap3A_2625 = vector.load %arg18[%swap3A_2622, %swap3A_2623, %swap3A_2624] : memref<8x1x512xf32, #tpu.memory_space<vmem>>, vector<1x1x512xf32>
      %swap3A_2626 = vector.shape_cast %swap3A_2625 : vector<1x1x512xf32> to vector<1x512xf32>
      %swap3A_2627 = vector.shape_cast %add3A_2621 : vector<1x512xf32> to vector<1x1x512xf32>
      tpu.vector_store %arg18[%swap3A_2622, %swap3A_2623, %swap3A_2624], %swap3A_2627 {strides = array<i32>} : memref<8x1x512xf32, #tpu.memory_space<vmem>>, vector<1x1x512xf32>,
      %get3A_2628 = arith.constant 5 : index
      %get3A_2629 = arith.constant 0 : index
      %get3A_2630 = arith.constant 0 : index
      %get3A_2631 = vector.load %arg11[%get3A_2628, %get3A_2629, %get3A_2630] : memref<8x128x128xf32, #tpu.memory_space<vmem>>, vector<1x128x128xf32>
      %get3A_2632 = vector.shape_cast %get3A_2631 : vector<1x128x128xf32> to vector<128x128xf32>
      %get3A_2633 = arith.constant 5 : index
      %get3A_2634 = arith.constant 0 : index
      %get3A_2635 = arith.constant 0 : index
      %get3A_2636 = vector.load %arg6[%get3A_2633, %get3A_2634, %get3A_2635] : memref<8x128x512xf32, #tpu.memory_space<vmem>>, vector<1x128x512xf32>
      %get3A_2637 = vector.shape_cast %get3A_2636 : vector<1x128x512xf32> to vector<128x512xf32>
      %dot_general3A_2638 = arith.constant dense<0.000000e+00> : vector<128x512xf32>
      %dot_general3A_2639 = tpu.matmul %get3A_2632, %get3A_2637, %dot_general3A_2638 {dimension_numbers = #tpu.dot_dimension_numbers<[1], [0], [0], [1], [0, 0, 1, 1], [], []>, transpose_lhs_hint = false} : vector<128x128xf32>, vector<128x512xf32>, vector<128x512xf32> -> vector<128x512xf32>
      %get3A_2640 = arith.constant 5 : index
      %get3A_2641 = arith.constant 0 : index
      %get3A_2642 = arith.constant 0 : index
      %get3A_2643 = vector.load %arg10[%get3A_2640, %get3A_2641, %get3A_2642] : memref<8x128x128xf32, #tpu.memory_space<vmem>>, vector<1x128x128xf32>
      %get3A_2644 = vector.shape_cast %get3A_2643 : vector<1x128x128xf32> to vector<128x128xf32>
      %get3A_2645 = arith.constant 5 : index
      %get3A_2646 = arith.constant 0 : index
      %get3A_2647 = arith.constant 0 : index
      %get3A_2648 = vector.load %arg6[%get3A_2645, %get3A_2646, %get3A_2647] : memref<8x128x512xf32, #tpu.memory_space<vmem>>, vector<1x128x512xf32>
      %get3A_2649 = vector.shape_cast %get3A_2648 : vector<1x128x512xf32> to vector<128x512xf32>
      %dot_general3A_2650 = arith.constant dense<0.000000e+00> : vector<128x512xf32>
      %dot_general3A_2651 = tpu.matmul %get3A_2644, %get3A_2649, %dot_general3A_2650 {dimension_numbers = #tpu.dot_dimension_numbers<[1], [0], [0], [1], [0, 0, 1, 1], [], []>, transpose_lhs_hint = false} : vector<128x128xf32>, vector<128x512xf32>, vector<128x512xf32> -> vector<128x512xf32>
      %convert_element_type3A_2652 = arith.truncf %dot_general3A_2651 : vector<128x512xf32> to vector<128x512xbf16>
      %swap3A_2653 = arith.constant 5 : index
      %swap3A_2654 = arith.constant 0 : index
      %swap3A_2655 = arith.constant 0 : index
      %swap3A_2656 = vector.load %arg16[%swap3A_2653, %swap3A_2654, %swap3A_2655] : memref<8x128x512xbf16, #tpu.memory_space<vmem>>, vector<1x128x512xbf16>
      %swap3A_2657 = vector.shape_cast %swap3A_2656 : vector<1x128x512xbf16> to vector<128x512xbf16>
      %swap3A_2658 = vector.shape_cast %convert_element_type3A_2652 : vector<128x512xbf16> to vector<1x128x512xbf16>
      tpu.vector_store %arg16[%swap3A_2653, %swap3A_2654, %swap3A_2655], %swap3A_2658 {strides = array<i32>} : memref<8x128x512xbf16, #tpu.memory_space<vmem>>, vector<1x128x512xbf16>,
      %get3A_2659 = arith.constant 0 : index
      %get3A_2660 = arith.constant 0 : index
      %get3A_2661 = vector.load %arg4[%get3A_2659, %get3A_2660] : memref<64x128xf32, #tpu.memory_space<vmem>>, vector<64x128xf32>
      %dot_general3A_2662 = arith.constant dense<0.000000e+00> : vector<64x512xf32>
      %dot_general3A_2663 = tpu.matmul %get3A_2661, %dot_general3A_2639, %dot_general3A_2662 {dimension_numbers = #tpu.dot_dimension_numbers<[1], [0], [0], [1], [0, 0, 1, 1], [], []>, transpose_lhs_hint = false} : vector<64x128xf32>, vector<128x512xf32>, vector<64x512xf32> -> vector<64x512xf32>
      %convert_element_type3A_2664 = arith.truncf %dot_general3A_2663 : vector<64x512xf32> to vector<64x512xbf16>
      %swap3A_2665 = arith.constant 5 : index
      %swap3A_2666 = arith.constant 0 : index
      %swap3A_2667 = arith.constant 0 : index
      %swap3A_2668 = vector.load %arg17[%swap3A_2665, %swap3A_2666, %swap3A_2667] : memref<8x64x512xbf16, #tpu.memory_space<vmem>>, vector<1x64x512xbf16>
      %swap3A_2669 = vector.shape_cast %swap3A_2668 : vector<1x64x512xbf16> to vector<64x512xbf16>
      %swap3A_2670 = vector.shape_cast %convert_element_type3A_2664 : vector<64x512xbf16> to vector<1x64x512xbf16>
      tpu.vector_store %arg17[%swap3A_2665, %swap3A_2666, %swap3A_2667], %swap3A_2670 {strides = array<i32>} : memref<8x64x512xbf16, #tpu.memory_space<vmem>>, vector<1x64x512xbf16>,
      %get3A_2671 = arith.constant 0 : index
      %get3A_2672 = arith.constant 0 : index
      %get3A_2673 = vector.load %arg5[%get3A_2671, %get3A_2672] : memref<1x128xf32, #tpu.memory_space<vmem>>, vector<1x128xf32>
      %dot_general3A_2674 = arith.constant dense<0.000000e+00> : vector<1x512xf32>
      %dot_general3A_2675 = tpu.matmul %get3A_2673, %dot_general3A_2639, %dot_general3A_2674 {dimension_numbers = #tpu.dot_dimension_numbers<[1], [0], [0], [1], [0, 0, 1, 1], [], []>, transpose_lhs_hint = false} : vector<1x128xf32>, vector<128x512xf32>, vector<1x512xf32> -> vector<1x512xf32>
      %get3A_2676 = arith.constant 5 : index
      %get3A_2677 = arith.constant 0 : index
      %get3A_2678 = vector.load %arg12[%get3A_2676, %get3A_2677] : memref<8x128xf32, #tpu.memory_space<vmem>>, vector<1x128xf32>
      %get3A_2679 = arith.constant 5 : index
      %get3A_2680 = arith.constant 0 : index
      %get3A_2681 = arith.constant 0 : index
      %get3A_2682 = vector.load %arg6[%get3A_2679, %get3A_2680, %get3A_2681] : memref<8x128x512xf32, #tpu.memory_space<vmem>>, vector<1x128x512xf32>
      %get3A_2683 = vector.shape_cast %get3A_2682 : vector<1x128x512xf32> to vector<128x512xf32>
      %dot_general3A_2684 = arith.constant dense<0.000000e+00> : vector<1x512xf32>
      %dot_general3A_2685 = tpu.matmul %get3A_2678, %get3A_2683, %dot_general3A_2684 {dimension_numbers = #tpu.dot_dimension_numbers<[1], [0], [0], [1], [0, 0, 1, 1], [], []>, transpose_lhs_hint = false} : vector<1x128xf32>, vector<128x512xf32>, vector<1x512xf32> -> vector<1x512xf32>
      %add3A_2686 = arith.addf %dot_general3A_2675, %dot_general3A_2685 : vector<1x512xf32>
      %swap3A_2687 = arith.constant 5 : index
      %swap3A_2688 = arith.constant 0 : index
      %swap3A_2689 = arith.constant 0 : index
      %swap3A_2690 = vector.load %arg18[%swap3A_2687, %swap3A_2688, %swap3A_2689] : memref<8x1x512xf32, #tpu.memory_space<vmem>>, vector<1x1x512xf32>
      %swap3A_2691 = vector.shape_cast %swap3A_2690 : vector<1x1x512xf32> to vector<1x512xf32>
      %swap3A_2692 = vector.shape_cast %add3A_2686 : vector<1x512xf32> to vector<1x1x512xf32>
      tpu.vector_store %arg18[%swap3A_2687, %swap3A_2688, %swap3A_2689], %swap3A_2692 {strides = array<i32>} : memref<8x1x512xf32, #tpu.memory_space<vmem>>, vector<1x1x512xf32>,
      %get3A_2693 = arith.constant 6 : index
      %get3A_2694 = arith.constant 0 : index
      %get3A_2695 = arith.constant 0 : index
      %get3A_2696 = vector.load %arg11[%get3A_2693, %get3A_2694, %get3A_2695] : memref<8x128x128xf32, #tpu.memory_space<vmem>>, vector<1x128x128xf32>
      %get3A_2697 = vector.shape_cast %get3A_2696 : vector<1x128x128xf32> to vector<128x128xf32>
      %get3A_2698 = arith.constant 6 : index
      %get3A_2699 = arith.constant 0 : index
      %get3A_2700 = arith.constant 0 : index
      %get3A_2701 = vector.load %arg6[%get3A_2698, %get3A_2699, %get3A_2700] : memref<8x128x512xf32, #tpu.memory_space<vmem>>, vector<1x128x512xf32>
      %get3A_2702 = vector.shape_cast %get3A_2701 : vector<1x128x512xf32> to vector<128x512xf32>
      %dot_general3A_2703 = arith.constant dense<0.000000e+00> : vector<128x512xf32>
      %dot_general3A_2704 = tpu.matmul %get3A_2697, %get3A_2702, %dot_general3A_2703 {dimension_numbers = #tpu.dot_dimension_numbers<[1], [0], [0], [1], [0, 0, 1, 1], [], []>, transpose_lhs_hint = false} : vector<128x128xf32>, vector<128x512xf32>, vector<128x512xf32> -> vector<128x512xf32>
      %get3A_2705 = arith.constant 6 : index
      %get3A_2706 = arith.constant 0 : index
      %get3A_2707 = arith.constant 0 : index
      %get3A_2708 = vector.load %arg10[%get3A_2705, %get3A_2706, %get3A_2707] : memref<8x128x128xf32, #tpu.memory_space<vmem>>, vector<1x128x128xf32>
      %get3A_2709 = vector.shape_cast %get3A_2708 : vector<1x128x128xf32> to vector<128x128xf32>
      %get3A_2710 = arith.constant 6 : index
      %get3A_2711 = arith.constant 0 : index
      %get3A_2712 = arith.constant 0 : index
      %get3A_2713 = vector.load %arg6[%get3A_2710, %get3A_2711, %get3A_2712] : memref<8x128x512xf32, #tpu.memory_space<vmem>>, vector<1x128x512xf32>
      %get3A_2714 = vector.shape_cast %get3A_2713 : vector<1x128x512xf32> to vector<128x512xf32>
      %dot_general3A_2715 = arith.constant dense<0.000000e+00> : vector<128x512xf32>
      %dot_general3A_2716 = tpu.matmul %get3A_2709, %get3A_2714, %dot_general3A_2715 {dimension_numbers = #tpu.dot_dimension_numbers<[1], [0], [0], [1], [0, 0, 1, 1], [], []>, transpose_lhs_hint = false} : vector<128x128xf32>, vector<128x512xf32>, vector<128x512xf32> -> vector<128x512xf32>
      %convert_element_type3A_2717 = arith.truncf %dot_general3A_2716 : vector<128x512xf32> to vector<128x512xbf16>
      %swap3A_2718 = arith.constant 6 : index
      %swap3A_2719 = arith.constant 0 : index
      %swap3A_2720 = arith.constant 0 : index
      %swap3A_2721 = vector.load %arg16[%swap3A_2718, %swap3A_2719, %swap3A_2720] : memref<8x128x512xbf16, #tpu.memory_space<vmem>>, vector<1x128x512xbf16>
      %swap3A_2722 = vector.shape_cast %swap3A_2721 : vector<1x128x512xbf16> to vector<128x512xbf16>
      %swap3A_2723 = vector.shape_cast %convert_element_type3A_2717 : vector<128x512xbf16> to vector<1x128x512xbf16>
      tpu.vector_store %arg16[%swap3A_2718, %swap3A_2719, %swap3A_2720], %swap3A_2723 {strides = array<i32>} : memref<8x128x512xbf16, #tpu.memory_space<vmem>>, vector<1x128x512xbf16>,
      %get3A_2724 = arith.constant 0 : index
      %get3A_2725 = arith.constant 0 : index
      %get3A_2726 = vector.load %arg4[%get3A_2724, %get3A_2725] : memref<64x128xf32, #tpu.memory_space<vmem>>, vector<64x128xf32>
      %dot_general3A_2727 = arith.constant dense<0.000000e+00> : vector<64x512xf32>
      %dot_general3A_2728 = tpu.matmul %get3A_2726, %dot_general3A_2704, %dot_general3A_2727 {dimension_numbers = #tpu.dot_dimension_numbers<[1], [0], [0], [1], [0, 0, 1, 1], [], []>, transpose_lhs_hint = false} : vector<64x128xf32>, vector<128x512xf32>, vector<64x512xf32> -> vector<64x512xf32>
      %convert_element_type3A_2729 = arith.truncf %dot_general3A_2728 : vector<64x512xf32> to vector<64x512xbf16>
      %swap3A_2730 = arith.constant 6 : index
      %swap3A_2731 = arith.constant 0 : index
      %swap3A_2732 = arith.constant 0 : index
      %swap3A_2733 = vector.load %arg17[%swap3A_2730, %swap3A_2731, %swap3A_2732] : memref<8x64x512xbf16, #tpu.memory_space<vmem>>, vector<1x64x512xbf16>
      %swap3A_2734 = vector.shape_cast %swap3A_2733 : vector<1x64x512xbf16> to vector<64x512xbf16>
      %swap3A_2735 = vector.shape_cast %convert_element_type3A_2729 : vector<64x512xbf16> to vector<1x64x512xbf16>
      tpu.vector_store %arg17[%swap3A_2730, %swap3A_2731, %swap3A_2732], %swap3A_2735 {strides = array<i32>} : memref<8x64x512xbf16, #tpu.memory_space<vmem>>, vector<1x64x512xbf16>,
      %get3A_2736 = arith.constant 0 : index
      %get3A_2737 = arith.constant 0 : index
      %get3A_2738 = vector.load %arg5[%get3A_2736, %get3A_2737] : memref<1x128xf32, #tpu.memory_space<vmem>>, vector<1x128xf32>
      %dot_general3A_2739 = arith.constant dense<0.000000e+00> : vector<1x512xf32>
      %dot_general3A_2740 = tpu.matmul %get3A_2738, %dot_general3A_2704, %dot_general3A_2739 {dimension_numbers = #tpu.dot_dimension_numbers<[1], [0], [0], [1], [0, 0, 1, 1], [], []>, transpose_lhs_hint = false} : vector<1x128xf32>, vector<128x512xf32>, vector<1x512xf32> -> vector<1x512xf32>
      %get3A_2741 = arith.constant 6 : index
      %get3A_2742 = arith.constant 0 : index
      %get3A_2743 = vector.load %arg12[%get3A_2741, %get3A_2742] : memref<8x128xf32, #tpu.memory_space<vmem>>, vector<1x128xf32>
      %get3A_2744 = arith.constant 6 : index
      %get3A_2745 = arith.constant 0 : index
      %get3A_2746 = arith.constant 0 : index
      %get3A_2747 = vector.load %arg6[%get3A_2744, %get3A_2745, %get3A_2746] : memref<8x128x512xf32, #tpu.memory_space<vmem>>, vector<1x128x512xf32>
      %get3A_2748 = vector.shape_cast %get3A_2747 : vector<1x128x512xf32> to vector<128x512xf32>
      %dot_general3A_2749 = arith.constant dense<0.000000e+00> : vector<1x512xf32>
      %dot_general3A_2750 = tpu.matmul %get3A_2743, %get3A_2748, %dot_general3A_2749 {dimension_numbers = #tpu.dot_dimension_numbers<[1], [0], [0], [1], [0, 0, 1, 1], [], []>, transpose_lhs_hint = false} : vector<1x128xf32>, vector<128x512xf32>, vector<1x512xf32> -> vector<1x512xf32>
      %add3A_2751 = arith.addf %dot_general3A_2740, %dot_general3A_2750 : vector<1x512xf32>
      %swap3A_2752 = arith.constant 6 : index
      %swap3A_2753 = arith.constant 0 : index
      %swap3A_2754 = arith.constant 0 : index
      %swap3A_2755 = vector.load %arg18[%swap3A_2752, %swap3A_2753, %swap3A_2754] : memref<8x1x512xf32, #tpu.memory_space<vmem>>, vector<1x1x512xf32>
      %swap3A_2756 = vector.shape_cast %swap3A_2755 : vector<1x1x512xf32> to vector<1x512xf32>
      %swap3A_2757 = vector.shape_cast %add3A_2751 : vector<1x512xf32> to vector<1x1x512xf32>
      tpu.vector_store %arg18[%swap3A_2752, %swap3A_2753, %swap3A_2754], %swap3A_2757 {strides = array<i32>} : memref<8x1x512xf32, #tpu.memory_space<vmem>>, vector<1x1x512xf32>,
      %get3A_2758 = arith.constant 7 : index
      %get3A_2759 = arith.constant 0 : index
      %get3A_2760 = arith.constant 0 : index
      %get3A_2761 = vector.load %arg11[%get3A_2758, %get3A_2759, %get3A_2760] : memref<8x128x128xf32, #tpu.memory_space<vmem>>, vector<1x128x128xf32>
      %get3A_2762 = vector.shape_cast %get3A_2761 : vector<1x128x128xf32> to vector<128x128xf32>
      %get3A_2763 = arith.constant 7 : index
      %get3A_2764 = arith.constant 0 : index
      %get3A_2765 = arith.constant 0 : index
      %get3A_2766 = vector.load %arg6[%get3A_2763, %get3A_2764, %get3A_2765] : memref<8x128x512xf32, #tpu.memory_space<vmem>>, vector<1x128x512xf32>
      %get3A_2767 = vector.shape_cast %get3A_2766 : vector<1x128x512xf32> to vector<128x512xf32>
      %dot_general3A_2768 = arith.constant dense<0.000000e+00> : vector<128x512xf32>
      %dot_general3A_2769 = tpu.matmul %get3A_2762, %get3A_2767, %dot_general3A_2768 {dimension_numbers = #tpu.dot_dimension_numbers<[1], [0], [0], [1], [0, 0, 1, 1], [], []>, transpose_lhs_hint = false} : vector<128x128xf32>, vector<128x512xf32>, vector<128x512xf32> -> vector<128x512xf32>
      %get3A_2770 = arith.constant 7 : index
      %get3A_2771 = arith.constant 0 : index
      %get3A_2772 = arith.constant 0 : index
      %get3A_2773 = vector.load %arg10[%get3A_2770, %get3A_2771, %get3A_2772] : memref<8x128x128xf32, #tpu.memory_space<vmem>>, vector<1x128x128xf32>
      %get3A_2774 = vector.shape_cast %get3A_2773 : vector<1x128x128xf32> to vector<128x128xf32>
      %get3A_2775 = arith.constant 7 : index
      %get3A_2776 = arith.constant 0 : index
      %get3A_2777 = arith.constant 0 : index
      %get3A_2778 = vector.load %arg6[%get3A_2775, %get3A_2776, %get3A_2777] : memref<8x128x512xf32, #tpu.memory_space<vmem>>, vector<1x128x512xf32>
      %get3A_2779 = vector.shape_cast %get3A_2778 : vector<1x128x512xf32> to vector<128x512xf32>
      %dot_general3A_2780 = arith.constant dense<0.000000e+00> : vector<128x512xf32>
      %dot_general3A_2781 = tpu.matmul %get3A_2774, %get3A_2779, %dot_general3A_2780 {dimension_numbers = #tpu.dot_dimension_numbers<[1], [0], [0], [1], [0, 0, 1, 1], [], []>, transpose_lhs_hint = false} : vector<128x128xf32>, vector<128x512xf32>, vector<128x512xf32> -> vector<128x512xf32>
      %convert_element_type3A_2782 = arith.truncf %dot_general3A_2781 : vector<128x512xf32> to vector<128x512xbf16>
      %swap3A_2783 = arith.constant 7 : index
      %swap3A_2784 = arith.constant 0 : index
      %swap3A_2785 = arith.constant 0 : index
      %swap3A_2786 = vector.load %arg16[%swap3A_2783, %swap3A_2784, %swap3A_2785] : memref<8x128x512xbf16, #tpu.memory_space<vmem>>, vector<1x128x512xbf16>
      %swap3A_2787 = vector.shape_cast %swap3A_2786 : vector<1x128x512xbf16> to vector<128x512xbf16>
      %swap3A_2788 = vector.shape_cast %convert_element_type3A_2782 : vector<128x512xbf16> to vector<1x128x512xbf16>
      tpu.vector_store %arg16[%swap3A_2783, %swap3A_2784, %swap3A_2785], %swap3A_2788 {strides = array<i32>} : memref<8x128x512xbf16, #tpu.memory_space<vmem>>, vector<1x128x512xbf16>,
      %get3A_2789 = arith.constant 0 : index
      %get3A_2790 = arith.constant 0 : index
      %get3A_2791 = vector.load %arg4[%get3A_2789, %get3A_2790] : memref<64x128xf32, #tpu.memory_space<vmem>>, vector<64x128xf32>
      %dot_general3A_2792 = arith.constant dense<0.000000e+00> : vector<64x512xf32>
      %dot_general3A_2793 = tpu.matmul %get3A_2791, %dot_general3A_2769, %dot_general3A_2792 {dimension_numbers = #tpu.dot_dimension_numbers<[1], [0], [0], [1], [0, 0, 1, 1], [], []>, transpose_lhs_hint = false} : vector<64x128xf32>, vector<128x512xf32>, vector<64x512xf32> -> vector<64x512xf32>
      %convert_element_type3A_2794 = arith.truncf %dot_general3A_2793 : vector<64x512xf32> to vector<64x512xbf16>
      %swap3A_2795 = arith.constant 7 : index
      %swap3A_2796 = arith.constant 0 : index
      %swap3A_2797 = arith.constant 0 : index
      %swap3A_2798 = vector.load %arg17[%swap3A_2795, %swap3A_2796, %swap3A_2797] : memref<8x64x512xbf16, #tpu.memory_space<vmem>>, vector<1x64x512xbf16>
      %swap3A_2799 = vector.shape_cast %swap3A_2798 : vector<1x64x512xbf16> to vector<64x512xbf16>
      %swap3A_2800 = vector.shape_cast %convert_element_type3A_2794 : vector<64x512xbf16> to vector<1x64x512xbf16>
      tpu.vector_store %arg17[%swap3A_2795, %swap3A_2796, %swap3A_2797], %swap3A_2800 {strides = array<i32>} : memref<8x64x512xbf16, #tpu.memory_space<vmem>>, vector<1x64x512xbf16>,
      %get3A_2801 = arith.constant 0 : index
      %get3A_2802 = arith.constant 0 : index
      %get3A_2803 = vector.load %arg5[%get3A_2801, %get3A_2802] : memref<1x128xf32, #tpu.memory_space<vmem>>, vector<1x128xf32>
      %dot_general3A_2804 = arith.constant dense<0.000000e+00> : vector<1x512xf32>
      %dot_general3A_2805 = tpu.matmul %get3A_2803, %dot_general3A_2769, %dot_general3A_2804 {dimension_numbers = #tpu.dot_dimension_numbers<[1], [0], [0], [1], [0, 0, 1, 1], [], []>, transpose_lhs_hint = false} : vector<1x128xf32>, vector<128x512xf32>, vector<1x512xf32> -> vector<1x512xf32>
      %get3A_2806 = arith.constant 7 : index
      %get3A_2807 = arith.constant 0 : index
      %get3A_2808 = vector.load %arg12[%get3A_2806, %get3A_2807] : memref<8x128xf32, #tpu.memory_space<vmem>>, vector<1x128xf32>
      %get3A_2809 = arith.constant 7 : index
      %get3A_2810 = arith.constant 0 : index
      %get3A_2811 = arith.constant 0 : index
      %get3A_2812 = vector.load %arg6[%get3A_2809, %get3A_2810, %get3A_2811] : memref<8x128x512xf32, #tpu.memory_space<vmem>>, vector<1x128x512xf32>
      %get3A_2813 = vector.shape_cast %get3A_2812 : vector<1x128x512xf32> to vector<128x512xf32>
      %dot_general3A_2814 = arith.constant dense<0.000000e+00> : vector<1x512xf32>
      %dot_general3A_2815 = tpu.matmul %get3A_2808, %get3A_2813, %dot_general3A_2814 {dimension_numbers = #tpu.dot_dimension_numbers<[1], [0], [0], [1], [0, 0, 1, 1], [], []>, transpose_lhs_hint = false} : vector<1x128xf32>, vector<128x512xf32>, vector<1x512xf32> -> vector<1x512xf32>
      %add3A_2816 = arith.addf %dot_general3A_2805, %dot_general3A_2815 : vector<1x512xf32>
      %swap3A_2817 = arith.constant 7 : index
      %swap3A_2818 = arith.constant 0 : index
      %swap3A_2819 = arith.constant 0 : index
      %swap3A_2820 = vector.load %arg18[%swap3A_2817, %swap3A_2818, %swap3A_2819] : memref<8x1x512xf32, #tpu.memory_space<vmem>>, vector<1x1x512xf32>
      %swap3A_2821 = vector.shape_cast %swap3A_2820 : vector<1x1x512xf32> to vector<1x512xf32>
      %swap3A_2822 = vector.shape_cast %add3A_2816 : vector<1x512xf32> to vector<1x1x512xf32>
      tpu.vector_store %arg18[%swap3A_2817, %swap3A_2818, %swap3A_2819], %swap3A_2822 {strides = array<i32>} : memref<8x1x512xf32, #tpu.memory_space<vmem>>, vector<1x1x512xf32>,
    } else {
    }
    %mul3A = arith.constant 32 : i32
    %mul3A_2 = arith.muli %arg0, %mul3A : i32
    %add3A = arith.constant 0 : i32
    %add3A_3 = arith.addi %mul3A_2, %add3A : i32
    %get3A = arith.index_cast %add3A_3 : i32 to index
    %get3A_4 = memref.load %arg1[%get3A] : memref<1024xi32, #tpu.memory_space<smem>>
    %mul3A_5 = arith.constant 32 : i32
    %mul3A_6 = arith.muli %arg0, %mul3A_5 : i32
    %add3A_7 = arith.constant 1 : i32
    %add3A_8 = arith.addi %mul3A_6, %add3A_7 : i32
    %get3A_9 = arith.index_cast %add3A_8 : i32 to index
    %get3A_10 = memref.load %arg1[%get3A_9] : memref<1024xi32, #tpu.memory_space<smem>>
    %mul3A_11 = arith.constant 32 : i32
    %mul3A_12 = arith.muli %arg0, %mul3A_11 : i32
    %add3A_13 = arith.constant 2 : i32
    %add3A_14 = arith.addi %mul3A_12, %add3A_13 : i32
    %get3A_15 = arith.index_cast %add3A_14 : i32 to index
    %get3A_16 = memref.load %arg1[%get3A_15] : memref<1024xi32, #tpu.memory_space<smem>>
    %mul3A_17 = arith.constant 32 : i32
    %mul3A_18 = arith.muli %arg0, %mul3A_17 : i32
    %add3A_19 = arith.constant 3 : i32
    %add3A_20 = arith.addi %mul3A_18, %add3A_19 : i32
    %get3A_21 = arith.index_cast %add3A_20 : i32 to index
    %get3A_22 = memref.load %arg1[%get3A_21] : memref<1024xi32, #tpu.memory_space<smem>>
    %mul3A_23 = arith.constant 32 : i32
    %mul3A_24 = arith.muli %arg0, %mul3A_23 : i32
    %add3A_25 = arith.constant 4 : i32
    %add3A_26 = arith.addi %mul3A_24, %add3A_25 : i32
    %get3A_27 = arith.index_cast %add3A_26 : i32 to index
    %get3A_28 = memref.load %arg1[%get3A_27] : memref<1024xi32, #tpu.memory_space<smem>>
    %mul3A_29 = arith.constant 32 : i32
    %mul3A_30 = arith.muli %arg0, %mul3A_29 : i32
    %add3A_31 = arith.constant 5 : i32
    %add3A_32 = arith.addi %mul3A_30, %add3A_31 : i32
    %get3A_33 = arith.index_cast %add3A_32 : i32 to index
    %get3A_34 = memref.load %arg1[%get3A_33] : memref<1024xi32, #tpu.memory_space<smem>>
    %mul3A_35 = arith.constant 32 : i32
    %mul3A_36 = arith.muli %arg0, %mul3A_35 : i32
    %add3A_37 = arith.constant 6 : i32
    %add3A_38 = arith.addi %mul3A_36, %add3A_37 : i32
    %get3A_39 = arith.index_cast %add3A_38 : i32 to index
    %get3A_40 = memref.load %arg1[%get3A_39] : memref<1024xi32, #tpu.memory_space<smem>>
    %mul3A_41 = arith.constant 32 : i32
    %mul3A_42 = arith.muli %arg0, %mul3A_41 : i32
    %add3A_43 = arith.constant 7 : i32
    %add3A_44 = arith.addi %mul3A_42, %add3A_43 : i32
    %get3A_45 = arith.index_cast %add3A_44 : i32 to index
    %get3A_46 = memref.load %arg1[%get3A_45] : memref<1024xi32, #tpu.memory_space<smem>>
    %mul3A_47 = arith.constant 32 : i32
    %mul3A_48 = arith.muli %arg0, %mul3A_47 : i32
    %add3A_49 = arith.constant 8 : i32
    %add3A_50 = arith.addi %mul3A_48, %add3A_49 : i32
    %get3A_51 = arith.index_cast %add3A_50 : i32 to index
    %get3A_52 = memref.load %arg1[%get3A_51] : memref<1024xi32, #tpu.memory_space<smem>>
    %mul3A_53 = arith.constant 32 : i32
    %mul3A_54 = arith.muli %arg0, %mul3A_53 : i32
    %add3A_55 = arith.constant 9 : i32
    %add3A_56 = arith.addi %mul3A_54, %add3A_55 : i32
    %get3A_57 = arith.index_cast %add3A_56 : i32 to index
    %get3A_58 = memref.load %arg1[%get3A_57] : memref<1024xi32, #tpu.memory_space<smem>>
    %mul3A_59 = arith.constant 32 : i32
    %mul3A_60 = arith.muli %arg0, %mul3A_59 : i32
    %add3A_61 = arith.constant 10 : i32
    %add3A_62 = arith.addi %mul3A_60, %add3A_61 : i32
    %get3A_63 = arith.index_cast %add3A_62 : i32 to index
    %get3A_64 = memref.load %arg1[%get3A_63] : memref<1024xi32, #tpu.memory_space<smem>>
    %mul3A_65 = arith.constant 32 : i32
    %mul3A_66 = arith.muli %arg0, %mul3A_65 : i32
    %add3A_67 = arith.constant 11 : i32
    %add3A_68 = arith.addi %mul3A_66, %add3A_67 : i32
    %get3A_69 = arith.index_cast %add3A_68 : i32 to index
    %get3A_70 = memref.load %arg1[%get3A_69] : memref<1024xi32, #tpu.memory_space<smem>>
    %mul3A_71 = arith.constant 32 : i32
    %mul3A_72 = arith.muli %arg0, %mul3A_71 : i32
    %add3A_73 = arith.constant 12 : i32
    %add3A_74 = arith.addi %mul3A_72, %add3A_73 : i32
    %get3A_75 = arith.index_cast %add3A_74 : i32 to index
    %get3A_76 = memref.load %arg1[%get3A_75] : memref<1024xi32, #tpu.memory_space<smem>>
    %mul3A_77 = arith.constant 32 : i32
    %mul3A_78 = arith.muli %arg0, %mul3A_77 : i32
    %add3A_79 = arith.constant 13 : i32
    %add3A_80 = arith.addi %mul3A_78, %add3A_79 : i32
    %get3A_81 = arith.index_cast %add3A_80 : i32 to index
    %get3A_82 = memref.load %arg1[%get3A_81] : memref<1024xi32, #tpu.memory_space<smem>>
    %mul3A_83 = arith.constant 32 : i32
    %mul3A_84 = arith.muli %arg0, %mul3A_83 : i32
    %add3A_85 = arith.constant 14 : i32
    %add3A_86 = arith.addi %mul3A_84, %add3A_85 : i32
    %get3A_87 = arith.index_cast %add3A_86 : i32 to index
    %get3A_88 = memref.load %arg1[%get3A_87] : memref<1024xi32, #tpu.memory_space<smem>>
    %mul3A_89 = arith.constant 32 : i32
    %mul3A_90 = arith.muli %arg0, %mul3A_89 : i32
    %add3A_91 = arith.constant 15 : i32
    %add3A_92 = arith.addi %mul3A_90, %add3A_91 : i32
    %get3A_93 = arith.index_cast %add3A_92 : i32 to index
    %get3A_94 = memref.load %arg1[%get3A_93] : memref<1024xi32, #tpu.memory_space<smem>>
    %mul3A_95 = arith.constant 32 : i32
    %mul3A_96 = arith.muli %arg0, %mul3A_95 : i32
    %add3A_97 = arith.constant 16 : i32
    %add3A_98 = arith.addi %mul3A_96, %add3A_97 : i32
    %get3A_99 = arith.index_cast %add3A_98 : i32 to index
    %get3A_100 = memref.load %arg1[%get3A_99] : memref<1024xi32, #tpu.memory_space<smem>>
    %mul3A_101 = arith.constant 32 : i32
    %mul3A_102 = arith.muli %arg0, %mul3A_101 : i32
    %add3A_103 = arith.constant 17 : i32
    %add3A_104 = arith.addi %mul3A_102, %add3A_103 : i32
    %get3A_105 = arith.index_cast %add3A_104 : i32 to index
    %get3A_106 = memref.load %arg1[%get3A_105] : memref<1024xi32, #tpu.memory_space<smem>>
    %mul3A_107 = arith.constant 32 : i32
    %mul3A_108 = arith.muli %arg0, %mul3A_107 : i32
    %add3A_109 = arith.constant 18 : i32
    %add3A_110 = arith.addi %mul3A_108, %add3A_109 : i32
    %get3A_111 = arith.index_cast %add3A_110 : i32 to index
    %get3A_112 = memref.load %arg1[%get3A_111] : memref<1024xi32, #tpu.memory_space<smem>>
    %mul3A_113 = arith.constant 32 : i32
    %mul3A_114 = arith.muli %arg0, %mul3A_113 : i32
    %add3A_115 = arith.constant 19 : i32
    %add3A_116 = arith.addi %mul3A_114, %add3A_115 : i32
    %get3A_117 = arith.index_cast %add3A_116 : i32 to index
    %get3A_118 = memref.load %arg1[%get3A_117] : memref<1024xi32, #tpu.memory_space<smem>>
    %mul3A_119 = arith.constant 32 : i32
    %mul3A_120 = arith.muli %arg0, %mul3A_119 : i32
    %add3A_121 = arith.constant 20 : i32
    %add3A_122 = arith.addi %mul3A_120, %add3A_121 : i32
    %get3A_123 = arith.index_cast %add3A_122 : i32 to index
    %get3A_124 = memref.load %arg1[%get3A_123] : memref<1024xi32, #tpu.memory_space<smem>>
    %mul3A_125 = arith.constant 32 : i32
    %mul3A_126 = arith.muli %arg0, %mul3A_125 : i32
    %add3A_127 = arith.constant 21 : i32
    %add3A_128 = arith.addi %mul3A_126, %add3A_127 : i32
    %get3A_129 = arith.index_cast %add3A_128 : i32 to index
    %get3A_130 = memref.load %arg1[%get3A_129] : memref<1024xi32, #tpu.memory_space<smem>>
    %mul3A_131 = arith.constant 32 : i32
    %mul3A_132 = arith.muli %arg0, %mul3A_131 : i32
    %add3A_133 = arith.constant 22 : i32
    %add3A_134 = arith.addi %mul3A_132, %add3A_133 : i32
    %get3A_135 = arith.index_cast %add3A_134 : i32 to index
    %get3A_136 = memref.load %arg1[%get3A_135] : memref<1024xi32, #tpu.memory_space<smem>>
    %mul3A_137 = arith.constant 32 : i32
    %mul3A_138 = arith.muli %arg0, %mul3A_137 : i32
    %add3A_139 = arith.constant 23 : i32
    %add3A_140 = arith.addi %mul3A_138, %add3A_139 : i32
    %get3A_141 = arith.index_cast %add3A_140 : i32 to index
    %get3A_142 = memref.load %arg1[%get3A_141] : memref<1024xi32, #tpu.memory_space<smem>>
    %mul3A_143 = arith.constant 32 : i32
    %mul3A_144 = arith.muli %arg0, %mul3A_143 : i32
    %add3A_145 = arith.constant 24 : i32
    %add3A_146 = arith.addi %mul3A_144, %add3A_145 : i32
    %get3A_147 = arith.index_cast %add3A_146 : i32 to index
    %get3A_148 = memref.load %arg1[%get3A_147] : memref<1024xi32, #tpu.memory_space<smem>>
    %mul3A_149 = arith.constant 32 : i32
    %mul3A_150 = arith.muli %arg0, %mul3A_149 : i32
    %add3A_151 = arith.constant 25 : i32
    %add3A_152 = arith.addi %mul3A_150, %add3A_151 : i32
    %get3A_153 = arith.index_cast %add3A_152 : i32 to index
    %get3A_154 = memref.load %arg1[%get3A_153] : memref<1024xi32, #tpu.memory_space<smem>>
    %mul3A_155 = arith.constant 32 : i32
    %mul3A_156 = arith.muli %arg0, %mul3A_155 : i32
    %add3A_157 = arith.constant 26 : i32
    %add3A_158 = arith.addi %mul3A_156, %add3A_157 : i32
    %get3A_159 = arith.index_cast %add3A_158 : i32 to index
    %get3A_160 = memref.load %arg1[%get3A_159] : memref<1024xi32, #tpu.memory_space<smem>>
    %mul3A_161 = arith.constant 32 : i32
    %mul3A_162 = arith.muli %arg0, %mul3A_161 : i32
    %add3A_163 = arith.constant 27 : i32
    %add3A_164 = arith.addi %mul3A_162, %add3A_163 : i32
    %get3A_165 = arith.index_cast %add3A_164 : i32 to index
    %get3A_166 = memref.load %arg1[%get3A_165] : memref<1024xi32, #tpu.memory_space<smem>>
    %mul3A_167 = arith.constant 32 : i32
    %mul3A_168 = arith.muli %arg0, %mul3A_167 : i32
    %add3A_169 = arith.constant 28 : i32
    %add3A_170 = arith.addi %mul3A_168, %add3A_169 : i32
    %get3A_171 = arith.index_cast %add3A_170 : i32 to index
    %get3A_172 = memref.load %arg1[%get3A_171] : memref<1024xi32, #tpu.memory_space<smem>>
    %mul3A_173 = arith.constant 32 : i32
    %mul3A_174 = arith.muli %arg0, %mul3A_173 : i32
    %add3A_175 = arith.constant 29 : i32
    %add3A_176 = arith.addi %mul3A_174, %add3A_175 : i32
    %get3A_177 = arith.index_cast %add3A_176 : i32 to index
    %get3A_178 = memref.load %arg1[%get3A_177] : memref<1024xi32, #tpu.memory_space<smem>>
    %mul3A_179 = arith.constant 32 : i32
    %mul3A_180 = arith.muli %arg0, %mul3A_179 : i32
    %add3A_181 = arith.constant 30 : i32
    %add3A_182 = arith.addi %mul3A_180, %add3A_181 : i32
    %get3A_183 = arith.index_cast %add3A_182 : i32 to index
    %get3A_184 = memref.load %arg1[%get3A_183] : memref<1024xi32, #tpu.memory_space<smem>>
    %mul3A_185 = arith.constant 32 : i32
    %mul3A_186 = arith.muli %arg0, %mul3A_185 : i32
    %add3A_187 = arith.constant 31 : i32
    %add3A_188 = arith.addi %mul3A_186, %add3A_187 : i32
    %get3A_189 = arith.index_cast %add3A_188 : i32 to index
    %get3A_190 = memref.load %arg1[%get3A_189] : memref<1024xi32, #tpu.memory_space<smem>>
    %rem3A = arith.constant 8 : i32
    %rem3A_191 = arith.remsi %get3A_4, %rem3A : i32
    %rem3A_192 = arith.constant 8 : i32
    %rem3A_193 = arith.remsi %get3A_10, %rem3A_192 : i32
    %rem3A_194 = arith.constant 8 : i32
    %rem3A_195 = arith.remsi %get3A_16, %rem3A_194 : i32
    %rem3A_196 = arith.constant 8 : i32
    %rem3A_197 = arith.remsi %get3A_22, %rem3A_196 : i32
    %rem3A_198 = arith.constant 8 : i32
    %rem3A_199 = arith.remsi %get3A_28, %rem3A_198 : i32
    %rem3A_200 = arith.constant 8 : i32
    %rem3A_201 = arith.remsi %get3A_34, %rem3A_200 : i32
    %rem3A_202 = arith.constant 8 : i32
    %rem3A_203 = arith.remsi %get3A_40, %rem3A_202 : i32
    %rem3A_204 = arith.constant 8 : i32
    %rem3A_205 = arith.remsi %get3A_46, %rem3A_204 : i32
    %rem3A_206 = arith.constant 8 : i32
    %rem3A_207 = arith.remsi %get3A_52, %rem3A_206 : i32
    %rem3A_208 = arith.constant 8 : i32
    %rem3A_209 = arith.remsi %get3A_58, %rem3A_208 : i32
    %rem3A_210 = arith.constant 8 : i32
    %rem3A_211 = arith.remsi %get3A_64, %rem3A_210 : i32
    %rem3A_212 = arith.constant 8 : i32
    %rem3A_213 = arith.remsi %get3A_70, %rem3A_212 : i32
    %rem3A_214 = arith.constant 8 : i32
    %rem3A_215 = arith.remsi %get3A_76, %rem3A_214 : i32
    %rem3A_216 = arith.constant 8 : i32
    %rem3A_217 = arith.remsi %get3A_82, %rem3A_216 : i32
    %rem3A_218 = arith.constant 8 : i32
    %rem3A_219 = arith.remsi %get3A_88, %rem3A_218 : i32
    %rem3A_220 = arith.constant 8 : i32
    %rem3A_221 = arith.remsi %get3A_94, %rem3A_220 : i32
    %rem3A_222 = arith.constant 8 : i32
    %rem3A_223 = arith.remsi %get3A_100, %rem3A_222 : i32
    %rem3A_224 = arith.constant 8 : i32
    %rem3A_225 = arith.remsi %get3A_106, %rem3A_224 : i32
    %rem3A_226 = arith.constant 8 : i32
    %rem3A_227 = arith.remsi %get3A_112, %rem3A_226 : i32
    %rem3A_228 = arith.constant 8 : i32
    %rem3A_229 = arith.remsi %get3A_118, %rem3A_228 : i32
    %rem3A_230 = arith.constant 8 : i32
    %rem3A_231 = arith.remsi %get3A_124, %rem3A_230 : i32
    %rem3A_232 = arith.constant 8 : i32
    %rem3A_233 = arith.remsi %get3A_130, %rem3A_232 : i32
    %rem3A_234 = arith.constant 8 : i32
    %rem3A_235 = arith.remsi %get3A_136, %rem3A_234 : i32
    %rem3A_236 = arith.constant 8 : i32
    %rem3A_237 = arith.remsi %get3A_142, %rem3A_236 : i32
    %rem3A_238 = arith.constant 8 : i32
    %rem3A_239 = arith.remsi %get3A_148, %rem3A_238 : i32
    %rem3A_240 = arith.constant 8 : i32
    %rem3A_241 = arith.remsi %get3A_154, %rem3A_240 : i32
    %rem3A_242 = arith.constant 8 : i32
    %rem3A_243 = arith.remsi %get3A_160, %rem3A_242 : i32
    %rem3A_244 = arith.constant 8 : i32
    %rem3A_245 = arith.remsi %get3A_166, %rem3A_244 : i32
    %rem3A_246 = arith.constant 8 : i32
    %rem3A_247 = arith.remsi %get3A_172, %rem3A_246 : i32
    %rem3A_248 = arith.constant 8 : i32
    %rem3A_249 = arith.remsi %get3A_178, %rem3A_248 : i32
    %rem3A_250 = arith.constant 8 : i32
    %rem3A_251 = arith.remsi %get3A_184, %rem3A_250 : i32
    %rem3A_252 = arith.constant 8 : i32
    %rem3A_253 = arith.remsi %get3A_190, %rem3A_252 : i32
    %get3A_254 = arith.constant 0 : index
    %get3A_255 = arith.constant 0 : index
    %get3A_256 = vector.load %arg2[%get3A_254, %get3A_255] : memref<32x64xf32, #tpu.memory_space<vmem>>, vector<1x64xf32>
    %convert_element_type3A_257 = arith.truncf %get3A_256 : vector<1x64xf32> to vector<1x64xbf16>
    %get3A_258 = arith.constant 0 : index
    %get3A_259 = arith.constant 0 : index
    %get3A_260 = arith.constant 0 : index
    %get3A_261 = vector.load %arg3[%get3A_258, %get3A_259, %get3A_260] : memref<32x50x128xbf16, #tpu.memory_space<vmem>>, vector<1x50x128xbf16>
    %get3A_262 = vector.shape_cast %get3A_261 : vector<1x50x128xbf16> to vector<50x128xbf16>
    %get3A_263 = arith.index_cast %rem3A_191 : i32 to index
    %get3A_264 = arith.constant 0 : index
    %get3A_265 = arith.constant 0 : index
    %get3A_266 = vector.load %arg16[%get3A_263, %get3A_264, %get3A_265] : memref<8x128x512xbf16, #tpu.memory_space<vmem>>, vector<1x128x512xbf16>
    %get3A_267 = vector.shape_cast %get3A_266 : vector<1x128x512xbf16> to vector<128x512xbf16>
    %dot_general3A = arith.constant dense<0.000000e+00> : vector<50x512xf32>
    %dot_general3A_268 = tpu.matmul %get3A_262, %get3A_267, %dot_general3A {dimension_numbers = #tpu.dot_dimension_numbers<[1], [0], [0], [1], [0, 0, 1, 1], [], []>, transpose_lhs_hint = false} : vector<50x128xbf16>, vector<128x512xbf16>, vector<50x512xf32> -> vector<50x512xf32>
    %get3A_269 = arith.index_cast %rem3A_191 : i32 to index
    %get3A_270 = arith.constant 0 : index
    %get3A_271 = arith.constant 0 : index
    %get3A_272 = vector.load %arg17[%get3A_269, %get3A_270, %get3A_271] : memref<8x64x512xbf16, #tpu.memory_space<vmem>>, vector<1x64x512xbf16>
    %get3A_273 = vector.shape_cast %get3A_272 : vector<1x64x512xbf16> to vector<64x512xbf16>
    %dot_general3A_274 = arith.constant dense<0.000000e+00> : vector<1x512xf32>
    %dot_general3A_275 = tpu.matmul %convert_element_type3A_257, %get3A_273, %dot_general3A_274 {dimension_numbers = #tpu.dot_dimension_numbers<[1], [0], [0], [1], [0, 0, 1, 1], [], []>, transpose_lhs_hint = false} : vector<1x64xbf16>, vector<64x512xbf16>, vector<1x512xf32> -> vector<1x512xf32>
    %add3A_276 = vector.broadcast %dot_general3A_275 : vector<1x512xf32> to vector<50x512xf32>
    %add3A_277 = arith.addf %dot_general3A_268, %add3A_276 : vector<50x512xf32>
    %get3A_278 = arith.index_cast %rem3A_191 : i32 to index
    %get3A_279 = arith.constant 0 : index
    %get3A_280 = arith.constant 0 : index
    %get3A_281 = vector.load %arg18[%get3A_278, %get3A_279, %get3A_280] : memref<8x1x512xf32, #tpu.memory_space<vmem>>, vector<1x1x512xf32>
    %get3A_282 = vector.shape_cast %get3A_281 : vector<1x1x512xf32> to vector<1x512xf32>
    %add3A_283 = vector.broadcast %get3A_282 : vector<1x512xf32> to vector<50x512xf32>
    %add3A_284 = arith.addf %add3A_277, %add3A_283 : vector<50x512xf32>
    %exp3A = math.exp %add3A_284 : vector<50x512xf32>
    %convert_element_type3A_285 = arith.truncf %exp3A : vector<50x512xf32> to vector<50x512xbf16>
    %swap3A = arith.constant 0 : index
    %swap3A_286 = arith.constant 0 : index
    %swap3A_287 = arith.constant 0 : index
    %swap3A_288 = vector.load %arg15[%swap3A, %swap3A_286, %swap3A_287] : memref<32x50x512xbf16, #tpu.memory_space<vmem>>, vector<1x50x512xbf16>
    %swap3A_289 = vector.shape_cast %swap3A_288 : vector<1x50x512xbf16> to vector<50x512xbf16>
    %swap3A_290 = vector.shape_cast %convert_element_type3A_285 : vector<50x512xbf16> to vector<1x50x512xbf16>
    tpu.vector_store %arg15[%swap3A, %swap3A_286, %swap3A_287], %swap3A_290 {strides = array<i32>} : memref<32x50x512xbf16, #tpu.memory_space<vmem>>, vector<1x50x512xbf16>,
    %get3A_291 = arith.constant 1 : index
    %get3A_292 = arith.constant 0 : index
    %get3A_293 = vector.load %arg2[%get3A_291, %get3A_292] : memref<32x64xf32, #tpu.memory_space<vmem>>, vector<1x64xf32>
    %convert_element_type3A_294 = arith.truncf %get3A_293 : vector<1x64xf32> to vector<1x64xbf16>
    %get3A_295 = arith.constant 1 : index
    %get3A_296 = arith.constant 0 : index
    %get3A_297 = arith.constant 0 : index
    %get3A_298 = vector.load %arg3[%get3A_295, %get3A_296, %get3A_297] : memref<32x50x128xbf16, #tpu.memory_space<vmem>>, vector<1x50x128xbf16>
    %get3A_299 = vector.shape_cast %get3A_298 : vector<1x50x128xbf16> to vector<50x128xbf16>
    %get3A_300 = arith.index_cast %rem3A_193 : i32 to index
    %get3A_301 = arith.constant 0 : index
    %get3A_302 = arith.constant 0 : index
    %get3A_303 = vector.load %arg16[%get3A_300, %get3A_301, %get3A_302] : memref<8x128x512xbf16, #tpu.memory_space<vmem>>, vector<1x128x512xbf16>
    %get3A_304 = vector.shape_cast %get3A_303 : vector<1x128x512xbf16> to vector<128x512xbf16>
    %dot_general3A_305 = arith.constant dense<0.000000e+00> : vector<50x512xf32>
    %dot_general3A_306 = tpu.matmul %get3A_299, %get3A_304, %dot_general3A_305 {dimension_numbers = #tpu.dot_dimension_numbers<[1], [0], [0], [1], [0, 0, 1, 1], [], []>, transpose_lhs_hint = false} : vector<50x128xbf16>, vector<128x512xbf16>, vector<50x512xf32> -> vector<50x512xf32>
    %get3A_307 = arith.index_cast %rem3A_193 : i32 to index
    %get3A_308 = arith.constant 0 : index
    %get3A_309 = arith.constant 0 : index
    %get3A_310 = vector.load %arg17[%get3A_307, %get3A_308, %get3A_309] : memref<8x64x512xbf16, #tpu.memory_space<vmem>>, vector<1x64x512xbf16>
    %get3A_311 = vector.shape_cast %get3A_310 : vector<1x64x512xbf16> to vector<64x512xbf16>
    %dot_general3A_312 = arith.constant dense<0.000000e+00> : vector<1x512xf32>
    %dot_general3A_313 = tpu.matmul %convert_element_type3A_294, %get3A_311, %dot_general3A_312 {dimension_numbers = #tpu.dot_dimension_numbers<[1], [0], [0], [1], [0, 0, 1, 1], [], []>, transpose_lhs_hint = false} : vector<1x64xbf16>, vector<64x512xbf16>, vector<1x512xf32> -> vector<1x512xf32>
    %add3A_314 = vector.broadcast %dot_general3A_313 : vector<1x512xf32> to vector<50x512xf32>
    %add3A_315 = arith.addf %dot_general3A_306, %add3A_314 : vector<50x512xf32>
    %get3A_316 = arith.index_cast %rem3A_193 : i32 to index
    %get3A_317 = arith.constant 0 : index
    %get3A_318 = arith.constant 0 : index
    %get3A_319 = vector.load %arg18[%get3A_316, %get3A_317, %get3A_318] : memref<8x1x512xf32, #tpu.memory_space<vmem>>, vector<1x1x512xf32>
    %get3A_320 = vector.shape_cast %get3A_319 : vector<1x1x512xf32> to vector<1x512xf32>
    %add3A_321 = vector.broadcast %get3A_320 : vector<1x512xf32> to vector<50x512xf32>
    %add3A_322 = arith.addf %add3A_315, %add3A_321 : vector<50x512xf32>
    %exp3A_323 = math.exp %add3A_322 : vector<50x512xf32>
    %convert_element_type3A_324 = arith.truncf %exp3A_323 : vector<50x512xf32> to vector<50x512xbf16>
    %swap3A_325 = arith.constant 1 : index
    %swap3A_326 = arith.constant 0 : index
    %swap3A_327 = arith.constant 0 : index
    %swap3A_328 = vector.load %arg15[%swap3A_325, %swap3A_326, %swap3A_327] : memref<32x50x512xbf16, #tpu.memory_space<vmem>>, vector<1x50x512xbf16>
    %swap3A_329 = vector.shape_cast %swap3A_328 : vector<1x50x512xbf16> to vector<50x512xbf16>
    %swap3A_330 = vector.shape_cast %convert_element_type3A_324 : vector<50x512xbf16> to vector<1x50x512xbf16>
    tpu.vector_store %arg15[%swap3A_325, %swap3A_326, %swap3A_327], %swap3A_330 {strides = array<i32>} : memref<32x50x512xbf16, #tpu.memory_space<vmem>>, vector<1x50x512xbf16>,
    %get3A_331 = arith.constant 2 : index
    %get3A_332 = arith.constant 0 : index
    %get3A_333 = vector.load %arg2[%get3A_331, %get3A_332] : memref<32x64xf32, #tpu.memory_space<vmem>>, vector<1x64xf32>
    %convert_element_type3A_334 = arith.truncf %get3A_333 : vector<1x64xf32> to vector<1x64xbf16>
    %get3A_335 = arith.constant 2 : index
    %get3A_336 = arith.constant 0 : index
    %get3A_337 = arith.constant 0 : index
    %get3A_338 = vector.load %arg3[%get3A_335, %get3A_336, %get3A_337] : memref<32x50x128xbf16, #tpu.memory_space<vmem>>, vector<1x50x128xbf16>
    %get3A_339 = vector.shape_cast %get3A_338 : vector<1x50x128xbf16> to vector<50x128xbf16>
    %get3A_340 = arith.index_cast %rem3A_195 : i32 to index
    %get3A_341 = arith.constant 0 : index
    %get3A_342 = arith.constant 0 : index
    %get3A_343 = vector.load %arg16[%get3A_340, %get3A_341, %get3A_342] : memref<8x128x512xbf16, #tpu.memory_space<vmem>>, vector<1x128x512xbf16>
    %get3A_344 = vector.shape_cast %get3A_343 : vector<1x128x512xbf16> to vector<128x512xbf16>
    %dot_general3A_345 = arith.constant dense<0.000000e+00> : vector<50x512xf32>
    %dot_general3A_346 = tpu.matmul %get3A_339, %get3A_344, %dot_general3A_345 {dimension_numbers = #tpu.dot_dimension_numbers<[1], [0], [0], [1], [0, 0, 1, 1], [], []>, transpose_lhs_hint = false} : vector<50x128xbf16>, vector<128x512xbf16>, vector<50x512xf32> -> vector<50x512xf32>
    %get3A_347 = arith.index_cast %rem3A_195 : i32 to index
    %get3A_348 = arith.constant 0 : index
    %get3A_349 = arith.constant 0 : index
    %get3A_350 = vector.load %arg17[%get3A_347, %get3A_348, %get3A_349] : memref<8x64x512xbf16, #tpu.memory_space<vmem>>, vector<1x64x512xbf16>
    %get3A_351 = vector.shape_cast %get3A_350 : vector<1x64x512xbf16> to vector<64x512xbf16>
    %dot_general3A_352 = arith.constant dense<0.000000e+00> : vector<1x512xf32>
    %dot_general3A_353 = tpu.matmul %convert_element_type3A_334, %get3A_351, %dot_general3A_352 {dimension_numbers = #tpu.dot_dimension_numbers<[1], [0], [0], [1], [0, 0, 1, 1], [], []>, transpose_lhs_hint = false} : vector<1x64xbf16>, vector<64x512xbf16>, vector<1x512xf32> -> vector<1x512xf32>
    %add3A_354 = vector.broadcast %dot_general3A_353 : vector<1x512xf32> to vector<50x512xf32>
    %add3A_355 = arith.addf %dot_general3A_346, %add3A_354 : vector<50x512xf32>
    %get3A_356 = arith.index_cast %rem3A_195 : i32 to index
    %get3A_357 = arith.constant 0 : index
    %get3A_358 = arith.constant 0 : index
    %get3A_359 = vector.load %arg18[%get3A_356, %get3A_357, %get3A_358] : memref<8x1x512xf32, #tpu.memory_space<vmem>>, vector<1x1x512xf32>
    %get3A_360 = vector.shape_cast %get3A_359 : vector<1x1x512xf32> to vector<1x512xf32>
    %add3A_361 = vector.broadcast %get3A_360 : vector<1x512xf32> to vector<50x512xf32>
    %add3A_362 = arith.addf %add3A_355, %add3A_361 : vector<50x512xf32>
    %exp3A_363 = math.exp %add3A_362 : vector<50x512xf32>
    %convert_element_type3A_364 = arith.truncf %exp3A_363 : vector<50x512xf32> to vector<50x512xbf16>
    %swap3A_365 = arith.constant 2 : index
    %swap3A_366 = arith.constant 0 : index
    %swap3A_367 = arith.constant 0 : index
    %swap3A_368 = vector.load %arg15[%swap3A_365, %swap3A_366, %swap3A_367] : memref<32x50x512xbf16, #tpu.memory_space<vmem>>, vector<1x50x512xbf16>
    %swap3A_369 = vector.shape_cast %swap3A_368 : vector<1x50x512xbf16> to vector<50x512xbf16>
    %swap3A_370 = vector.shape_cast %convert_element_type3A_364 : vector<50x512xbf16> to vector<1x50x512xbf16>
    tpu.vector_store %arg15[%swap3A_365, %swap3A_366, %swap3A_367], %swap3A_370 {strides = array<i32>} : memref<32x50x512xbf16, #tpu.memory_space<vmem>>, vector<1x50x512xbf16>,
    %get3A_371 = arith.constant 3 : index
    %get3A_372 = arith.constant 0 : index
    %get3A_373 = vector.load %arg2[%get3A_371, %get3A_372] : memref<32x64xf32, #tpu.memory_space<vmem>>, vector<1x64xf32>
    %convert_element_type3A_374 = arith.truncf %get3A_373 : vector<1x64xf32> to vector<1x64xbf16>
    %get3A_375 = arith.constant 3 : index
    %get3A_376 = arith.constant 0 : index
    %get3A_377 = arith.constant 0 : index
    %get3A_378 = vector.load %arg3[%get3A_375, %get3A_376, %get3A_377] : memref<32x50x128xbf16, #tpu.memory_space<vmem>>, vector<1x50x128xbf16>
    %get3A_379 = vector.shape_cast %get3A_378 : vector<1x50x128xbf16> to vector<50x128xbf16>
    %get3A_380 = arith.index_cast %rem3A_197 : i32 to index
    %get3A_381 = arith.constant 0 : index
    %get3A_382 = arith.constant 0 : index
    %get3A_383 = vector.load %arg16[%get3A_380, %get3A_381, %get3A_382] : memref<8x128x512xbf16, #tpu.memory_space<vmem>>, vector<1x128x512xbf16>
    %get3A_384 = vector.shape_cast %get3A_383 : vector<1x128x512xbf16> to vector<128x512xbf16>
    %dot_general3A_385 = arith.constant dense<0.000000e+00> : vector<50x512xf32>
    %dot_general3A_386 = tpu.matmul %get3A_379, %get3A_384, %dot_general3A_385 {dimension_numbers = #tpu.dot_dimension_numbers<[1], [0], [0], [1], [0, 0, 1, 1], [], []>, transpose_lhs_hint = false} : vector<50x128xbf16>, vector<128x512xbf16>, vector<50x512xf32> -> vector<50x512xf32>
    %get3A_387 = arith.index_cast %rem3A_197 : i32 to index
    %get3A_388 = arith.constant 0 : index
    %get3A_389 = arith.constant 0 : index
    %get3A_390 = vector.load %arg17[%get3A_387, %get3A_388, %get3A_389] : memref<8x64x512xbf16, #tpu.memory_space<vmem>>, vector<1x64x512xbf16>
    %get3A_391 = vector.shape_cast %get3A_390 : vector<1x64x512xbf16> to vector<64x512xbf16>
    %dot_general3A_392 = arith.constant dense<0.000000e+00> : vector<1x512xf32>
    %dot_general3A_393 = tpu.matmul %convert_element_type3A_374, %get3A_391, %dot_general3A_392 {dimension_numbers = #tpu.dot_dimension_numbers<[1], [0], [0], [1], [0, 0, 1, 1], [], []>, transpose_lhs_hint = false} : vector<1x64xbf16>, vector<64x512xbf16>, vector<1x512xf32> -> vector<1x512xf32>
    %add3A_394 = vector.broadcast %dot_general3A_393 : vector<1x512xf32> to vector<50x512xf32>
    %add3A_395 = arith.addf %dot_general3A_386, %add3A_394 : vector<50x512xf32>
    %get3A_396 = arith.index_cast %rem3A_197 : i32 to index
    %get3A_397 = arith.constant 0 : index
    %get3A_398 = arith.constant 0 : index
    %get3A_399 = vector.load %arg18[%get3A_396, %get3A_397, %get3A_398] : memref<8x1x512xf32, #tpu.memory_space<vmem>>, vector<1x1x512xf32>
    %get3A_400 = vector.shape_cast %get3A_399 : vector<1x1x512xf32> to vector<1x512xf32>
    %add3A_401 = vector.broadcast %get3A_400 : vector<1x512xf32> to vector<50x512xf32>
    %add3A_402 = arith.addf %add3A_395, %add3A_401 : vector<50x512xf32>
    %exp3A_403 = math.exp %add3A_402 : vector<50x512xf32>
    %convert_element_type3A_404 = arith.truncf %exp3A_403 : vector<50x512xf32> to vector<50x512xbf16>
    %swap3A_405 = arith.constant 3 : index
    %swap3A_406 = arith.constant 0 : index
    %swap3A_407 = arith.constant 0 : index
    %swap3A_408 = vector.load %arg15[%swap3A_405, %swap3A_406, %swap3A_407] : memref<32x50x512xbf16, #tpu.memory_space<vmem>>, vector<1x50x512xbf16>
    %swap3A_409 = vector.shape_cast %swap3A_408 : vector<1x50x512xbf16> to vector<50x512xbf16>
    %swap3A_410 = vector.shape_cast %convert_element_type3A_404 : vector<50x512xbf16> to vector<1x50x512xbf16>
    tpu.vector_store %arg15[%swap3A_405, %swap3A_406, %swap3A_407], %swap3A_410 {strides = array<i32>} : memref<32x50x512xbf16, #tpu.memory_space<vmem>>, vector<1x50x512xbf16>,
    %get3A_411 = arith.constant 4 : index
    %get3A_412 = arith.constant 0 : index
    %get3A_413 = vector.load %arg2[%get3A_411, %get3A_412] : memref<32x64xf32, #tpu.memory_space<vmem>>, vector<1x64xf32>
    %convert_element_type3A_414 = arith.truncf %get3A_413 : vector<1x64xf32> to vector<1x64xbf16>
    %get3A_415 = arith.constant 4 : index
    %get3A_416 = arith.constant 0 : index
    %get3A_417 = arith.constant 0 : index
    %get3A_418 = vector.load %arg3[%get3A_415, %get3A_416, %get3A_417] : memref<32x50x128xbf16, #tpu.memory_space<vmem>>, vector<1x50x128xbf16>
    %get3A_419 = vector.shape_cast %get3A_418 : vector<1x50x128xbf16> to vector<50x128xbf16>
    %get3A_420 = arith.index_cast %rem3A_199 : i32 to index
    %get3A_421 = arith.constant 0 : index
    %get3A_422 = arith.constant 0 : index
    %get3A_423 = vector.load %arg16[%get3A_420, %get3A_421, %get3A_422] : memref<8x128x512xbf16, #tpu.memory_space<vmem>>, vector<1x128x512xbf16>
    %get3A_424 = vector.shape_cast %get3A_423 : vector<1x128x512xbf16> to vector<128x512xbf16>
    %dot_general3A_425 = arith.constant dense<0.000000e+00> : vector<50x512xf32>
    %dot_general3A_426 = tpu.matmul %get3A_419, %get3A_424, %dot_general3A_425 {dimension_numbers = #tpu.dot_dimension_numbers<[1], [0], [0], [1], [0, 0, 1, 1], [], []>, transpose_lhs_hint = false} : vector<50x128xbf16>, vector<128x512xbf16>, vector<50x512xf32> -> vector<50x512xf32>
    %get3A_427 = arith.index_cast %rem3A_199 : i32 to index
    %get3A_428 = arith.constant 0 : index
    %get3A_429 = arith.constant 0 : index
    %get3A_430 = vector.load %arg17[%get3A_427, %get3A_428, %get3A_429] : memref<8x64x512xbf16, #tpu.memory_space<vmem>>, vector<1x64x512xbf16>
    %get3A_431 = vector.shape_cast %get3A_430 : vector<1x64x512xbf16> to vector<64x512xbf16>
    %dot_general3A_432 = arith.constant dense<0.000000e+00> : vector<1x512xf32>
    %dot_general3A_433 = tpu.matmul %convert_element_type3A_414, %get3A_431, %dot_general3A_432 {dimension_numbers = #tpu.dot_dimension_numbers<[1], [0], [0], [1], [0, 0, 1, 1], [], []>, transpose_lhs_hint = false} : vector<1x64xbf16>, vector<64x512xbf16>, vector<1x512xf32> -> vector<1x512xf32>
    %add3A_434 = vector.broadcast %dot_general3A_433 : vector<1x512xf32> to vector<50x512xf32>
    %add3A_435 = arith.addf %dot_general3A_426, %add3A_434 : vector<50x512xf32>
    %get3A_436 = arith.index_cast %rem3A_199 : i32 to index
    %get3A_437 = arith.constant 0 : index
    %get3A_438 = arith.constant 0 : index
    %get3A_439 = vector.load %arg18[%get3A_436, %get3A_437, %get3A_438] : memref<8x1x512xf32, #tpu.memory_space<vmem>>, vector<1x1x512xf32>
    %get3A_440 = vector.shape_cast %get3A_439 : vector<1x1x512xf32> to vector<1x512xf32>
    %add3A_441 = vector.broadcast %get3A_440 : vector<1x512xf32> to vector<50x512xf32>
    %add3A_442 = arith.addf %add3A_435, %add3A_441 : vector<50x512xf32>
    %exp3A_443 = math.exp %add3A_442 : vector<50x512xf32>
    %convert_element_type3A_444 = arith.truncf %exp3A_443 : vector<50x512xf32> to vector<50x512xbf16>
    %swap3A_445 = arith.constant 4 : index
    %swap3A_446 = arith.constant 0 : index
    %swap3A_447 = arith.constant 0 : index
    %swap3A_448 = vector.load %arg15[%swap3A_445, %swap3A_446, %swap3A_447] : memref<32x50x512xbf16, #tpu.memory_space<vmem>>, vector<1x50x512xbf16>
    %swap3A_449 = vector.shape_cast %swap3A_448 : vector<1x50x512xbf16> to vector<50x512xbf16>
    %swap3A_450 = vector.shape_cast %convert_element_type3A_444 : vector<50x512xbf16> to vector<1x50x512xbf16>
    tpu.vector_store %arg15[%swap3A_445, %swap3A_446, %swap3A_447], %swap3A_450 {strides = array<i32>} : memref<32x50x512xbf16, #tpu.memory_space<vmem>>, vector<1x50x512xbf16>,
    %get3A_451 = arith.constant 5 : index
    %get3A_452 = arith.constant 0 : index
    %get3A_453 = vector.load %arg2[%get3A_451, %get3A_452] : memref<32x64xf32, #tpu.memory_space<vmem>>, vector<1x64xf32>
    %convert_element_type3A_454 = arith.truncf %get3A_453 : vector<1x64xf32> to vector<1x64xbf16>
    %get3A_455 = arith.constant 5 : index
    %get3A_456 = arith.constant 0 : index
    %get3A_457 = arith.constant 0 : index
    %get3A_458 = vector.load %arg3[%get3A_455, %get3A_456, %get3A_457] : memref<32x50x128xbf16, #tpu.memory_space<vmem>>, vector<1x50x128xbf16>
    %get3A_459 = vector.shape_cast %get3A_458 : vector<1x50x128xbf16> to vector<50x128xbf16>
    %get3A_460 = arith.index_cast %rem3A_201 : i32 to index
    %get3A_461 = arith.constant 0 : index
    %get3A_462 = arith.constant 0 : index
    %get3A_463 = vector.load %arg16[%get3A_460, %get3A_461, %get3A_462] : memref<8x128x512xbf16, #tpu.memory_space<vmem>>, vector<1x128x512xbf16>
    %get3A_464 = vector.shape_cast %get3A_463 : vector<1x128x512xbf16> to vector<128x512xbf16>
    %dot_general3A_465 = arith.constant dense<0.000000e+00> : vector<50x512xf32>
    %dot_general3A_466 = tpu.matmul %get3A_459, %get3A_464, %dot_general3A_465 {dimension_numbers = #tpu.dot_dimension_numbers<[1], [0], [0], [1], [0, 0, 1, 1], [], []>, transpose_lhs_hint = false} : vector<50x128xbf16>, vector<128x512xbf16>, vector<50x512xf32> -> vector<50x512xf32>
    %get3A_467 = arith.index_cast %rem3A_201 : i32 to index
    %get3A_468 = arith.constant 0 : index
    %get3A_469 = arith.constant 0 : index
    %get3A_470 = vector.load %arg17[%get3A_467, %get3A_468, %get3A_469] : memref<8x64x512xbf16, #tpu.memory_space<vmem>>, vector<1x64x512xbf16>
    %get3A_471 = vector.shape_cast %get3A_470 : vector<1x64x512xbf16> to vector<64x512xbf16>
    %dot_general3A_472 = arith.constant dense<0.000000e+00> : vector<1x512xf32>
    %dot_general3A_473 = tpu.matmul %convert_element_type3A_454, %get3A_471, %dot_general3A_472 {dimension_numbers = #tpu.dot_dimension_numbers<[1], [0], [0], [1], [0, 0, 1, 1], [], []>, transpose_lhs_hint = false} : vector<1x64xbf16>, vector<64x512xbf16>, vector<1x512xf32> -> vector<1x512xf32>
    %add3A_474 = vector.broadcast %dot_general3A_473 : vector<1x512xf32> to vector<50x512xf32>
    %add3A_475 = arith.addf %dot_general3A_466, %add3A_474 : vector<50x512xf32>
    %get3A_476 = arith.index_cast %rem3A_201 : i32 to index
    %get3A_477 = arith.constant 0 : index
    %get3A_478 = arith.constant 0 : index
    %get3A_479 = vector.load %arg18[%get3A_476, %get3A_477, %get3A_478] : memref<8x1x512xf32, #tpu.memory_space<vmem>>, vector<1x1x512xf32>
    %get3A_480 = vector.shape_cast %get3A_479 : vector<1x1x512xf32> to vector<1x512xf32>
    %add3A_481 = vector.broadcast %get3A_480 : vector<1x512xf32> to vector<50x512xf32>
    %add3A_482 = arith.addf %add3A_475, %add3A_481 : vector<50x512xf32>
    %exp3A_483 = math.exp %add3A_482 : vector<50x512xf32>
    %convert_element_type3A_484 = arith.truncf %exp3A_483 : vector<50x512xf32> to vector<50x512xbf16>
    %swap3A_485 = arith.constant 5 : index
    %swap3A_486 = arith.constant 0 : index
    %swap3A_487 = arith.constant 0 : index
    %swap3A_488 = vector.load %arg15[%swap3A_485, %swap3A_486, %swap3A_487] : memref<32x50x512xbf16, #tpu.memory_space<vmem>>, vector<1x50x512xbf16>
    %swap3A_489 = vector.shape_cast %swap3A_488 : vector<1x50x512xbf16> to vector<50x512xbf16>
    %swap3A_490 = vector.shape_cast %convert_element_type3A_484 : vector<50x512xbf16> to vector<1x50x512xbf16>
    tpu.vector_store %arg15[%swap3A_485, %swap3A_486, %swap3A_487], %swap3A_490 {strides = array<i32>} : memref<32x50x512xbf16, #tpu.memory_space<vmem>>, vector<1x50x512xbf16>,
    %get3A_491 = arith.constant 6 : index
    %get3A_492 = arith.constant 0 : index
    %get3A_493 = vector.load %arg2[%get3A_491, %get3A_492] : memref<32x64xf32, #tpu.memory_space<vmem>>, vector<1x64xf32>
    %convert_element_type3A_494 = arith.truncf %get3A_493 : vector<1x64xf32> to vector<1x64xbf16>
    %get3A_495 = arith.constant 6 : index
    %get3A_496 = arith.constant 0 : index
    %get3A_497 = arith.constant 0 : index
    %get3A_498 = vector.load %arg3[%get3A_495, %get3A_496, %get3A_497] : memref<32x50x128xbf16, #tpu.memory_space<vmem>>, vector<1x50x128xbf16>
    %get3A_499 = vector.shape_cast %get3A_498 : vector<1x50x128xbf16> to vector<50x128xbf16>
    %get3A_500 = arith.index_cast %rem3A_203 : i32 to index
    %get3A_501 = arith.constant 0 : index
    %get3A_502 = arith.constant 0 : index
    %get3A_503 = vector.load %arg16[%get3A_500, %get3A_501, %get3A_502] : memref<8x128x512xbf16, #tpu.memory_space<vmem>>, vector<1x128x512xbf16>
    %get3A_504 = vector.shape_cast %get3A_503 : vector<1x128x512xbf16> to vector<128x512xbf16>
    %dot_general3A_505 = arith.constant dense<0.000000e+00> : vector<50x512xf32>
    %dot_general3A_506 = tpu.matmul %get3A_499, %get3A_504, %dot_general3A_505 {dimension_numbers = #tpu.dot_dimension_numbers<[1], [0], [0], [1], [0, 0, 1, 1], [], []>, transpose_lhs_hint = false} : vector<50x128xbf16>, vector<128x512xbf16>, vector<50x512xf32> -> vector<50x512xf32>
    %get3A_507 = arith.index_cast %rem3A_203 : i32 to index
    %get3A_508 = arith.constant 0 : index
    %get3A_509 = arith.constant 0 : index
    %get3A_510 = vector.load %arg17[%get3A_507, %get3A_508, %get3A_509] : memref<8x64x512xbf16, #tpu.memory_space<vmem>>, vector<1x64x512xbf16>
    %get3A_511 = vector.shape_cast %get3A_510 : vector<1x64x512xbf16> to vector<64x512xbf16>
    %dot_general3A_512 = arith.constant dense<0.000000e+00> : vector<1x512xf32>
    %dot_general3A_513 = tpu.matmul %convert_element_type3A_494, %get3A_511, %dot_general3A_512 {dimension_numbers = #tpu.dot_dimension_numbers<[1], [0], [0], [1], [0, 0, 1, 1], [], []>, transpose_lhs_hint = false} : vector<1x64xbf16>, vector<64x512xbf16>, vector<1x512xf32> -> vector<1x512xf32>
    %add3A_514 = vector.broadcast %dot_general3A_513 : vector<1x512xf32> to vector<50x512xf32>
    %add3A_515 = arith.addf %dot_general3A_506, %add3A_514 : vector<50x512xf32>
    %get3A_516 = arith.index_cast %rem3A_203 : i32 to index
    %get3A_517 = arith.constant 0 : index
    %get3A_518 = arith.constant 0 : index
    %get3A_519 = vector.load %arg18[%get3A_516, %get3A_517, %get3A_518] : memref<8x1x512xf32, #tpu.memory_space<vmem>>, vector<1x1x512xf32>
    %get3A_520 = vector.shape_cast %get3A_519 : vector<1x1x512xf32> to vector<1x512xf32>
    %add3A_521 = vector.broadcast %get3A_520 : vector<1x512xf32> to vector<50x512xf32>
    %add3A_522 = arith.addf %add3A_515, %add3A_521 : vector<50x512xf32>
    %exp3A_523 = math.exp %add3A_522 : vector<50x512xf32>
    %convert_element_type3A_524 = arith.truncf %exp3A_523 : vector<50x512xf32> to vector<50x512xbf16>
    %swap3A_525 = arith.constant 6 : index
    %swap3A_526 = arith.constant 0 : index
    %swap3A_527 = arith.constant 0 : index
    %swap3A_528 = vector.load %arg15[%swap3A_525, %swap3A_526, %swap3A_527] : memref<32x50x512xbf16, #tpu.memory_space<vmem>>, vector<1x50x512xbf16>
    %swap3A_529 = vector.shape_cast %swap3A_528 : vector<1x50x512xbf16> to vector<50x512xbf16>
    %swap3A_530 = vector.shape_cast %convert_element_type3A_524 : vector<50x512xbf16> to vector<1x50x512xbf16>
    tpu.vector_store %arg15[%swap3A_525, %swap3A_526, %swap3A_527], %swap3A_530 {strides = array<i32>} : memref<32x50x512xbf16, #tpu.memory_space<vmem>>, vector<1x50x512xbf16>,
    %get3A_531 = arith.constant 7 : index
    %get3A_532 = arith.constant 0 : index
    %get3A_533 = vector.load %arg2[%get3A_531, %get3A_532] : memref<32x64xf32, #tpu.memory_space<vmem>>, vector<1x64xf32>
    %convert_element_type3A_534 = arith.truncf %get3A_533 : vector<1x64xf32> to vector<1x64xbf16>
    %get3A_535 = arith.constant 7 : index
    %get3A_536 = arith.constant 0 : index
    %get3A_537 = arith.constant 0 : index
    %get3A_538 = vector.load %arg3[%get3A_535, %get3A_536, %get3A_537] : memref<32x50x128xbf16, #tpu.memory_space<vmem>>, vector<1x50x128xbf16>
    %get3A_539 = vector.shape_cast %get3A_538 : vector<1x50x128xbf16> to vector<50x128xbf16>
    %get3A_540 = arith.index_cast %rem3A_205 : i32 to index
    %get3A_541 = arith.constant 0 : index
    %get3A_542 = arith.constant 0 : index
    %get3A_543 = vector.load %arg16[%get3A_540, %get3A_541, %get3A_542] : memref<8x128x512xbf16, #tpu.memory_space<vmem>>, vector<1x128x512xbf16>
    %get3A_544 = vector.shape_cast %get3A_543 : vector<1x128x512xbf16> to vector<128x512xbf16>
    %dot_general3A_545 = arith.constant dense<0.000000e+00> : vector<50x512xf32>
    %dot_general3A_546 = tpu.matmul %get3A_539, %get3A_544, %dot_general3A_545 {dimension_numbers = #tpu.dot_dimension_numbers<[1], [0], [0], [1], [0, 0, 1, 1], [], []>, transpose_lhs_hint = false} : vector<50x128xbf16>, vector<128x512xbf16>, vector<50x512xf32> -> vector<50x512xf32>
    %get3A_547 = arith.index_cast %rem3A_205 : i32 to index
    %get3A_548 = arith.constant 0 : index
    %get3A_549 = arith.constant 0 : index
    %get3A_550 = vector.load %arg17[%get3A_547, %get3A_548, %get3A_549] : memref<8x64x512xbf16, #tpu.memory_space<vmem>>, vector<1x64x512xbf16>
    %get3A_551 = vector.shape_cast %get3A_550 : vector<1x64x512xbf16> to vector<64x512xbf16>
    %dot_general3A_552 = arith.constant dense<0.000000e+00> : vector<1x512xf32>
    %dot_general3A_553 = tpu.matmul %convert_element_type3A_534, %get3A_551, %dot_general3A_552 {dimension_numbers = #tpu.dot_dimension_numbers<[1], [0], [0], [1], [0, 0, 1, 1], [], []>, transpose_lhs_hint = false} : vector<1x64xbf16>, vector<64x512xbf16>, vector<1x512xf32> -> vector<1x512xf32>
    %add3A_554 = vector.broadcast %dot_general3A_553 : vector<1x512xf32> to vector<50x512xf32>
    %add3A_555 = arith.addf %dot_general3A_546, %add3A_554 : vector<50x512xf32>
    %get3A_556 = arith.index_cast %rem3A_205 : i32 to index
    %get3A_557 = arith.constant 0 : index
    %get3A_558 = arith.constant 0 : index
    %get3A_559 = vector.load %arg18[%get3A_556, %get3A_557, %get3A_558] : memref<8x1x512xf32, #tpu.memory_space<vmem>>, vector<1x1x512xf32>
    %get3A_560 = vector.shape_cast %get3A_559 : vector<1x1x512xf32> to vector<1x512xf32>
    %add3A_561 = vector.broadcast %get3A_560 : vector<1x512xf32> to vector<50x512xf32>
    %add3A_562 = arith.addf %add3A_555, %add3A_561 : vector<50x512xf32>
    %exp3A_563 = math.exp %add3A_562 : vector<50x512xf32>
    %convert_element_type3A_564 = arith.truncf %exp3A_563 : vector<50x512xf32> to vector<50x512xbf16>
    %swap3A_565 = arith.constant 7 : index
    %swap3A_566 = arith.constant 0 : index
    %swap3A_567 = arith.constant 0 : index
    %swap3A_568 = vector.load %arg15[%swap3A_565, %swap3A_566, %swap3A_567] : memref<32x50x512xbf16, #tpu.memory_space<vmem>>, vector<1x50x512xbf16>
    %swap3A_569 = vector.shape_cast %swap3A_568 : vector<1x50x512xbf16> to vector<50x512xbf16>
    %swap3A_570 = vector.shape_cast %convert_element_type3A_564 : vector<50x512xbf16> to vector<1x50x512xbf16>
    tpu.vector_store %arg15[%swap3A_565, %swap3A_566, %swap3A_567], %swap3A_570 {strides = array<i32>} : memref<32x50x512xbf16, #tpu.memory_space<vmem>>, vector<1x50x512xbf16>,
    %get3A_571 = arith.constant 8 : index
    %get3A_572 = arith.constant 0 : index
    %get3A_573 = vector.load %arg2[%get3A_571, %get3A_572] : memref<32x64xf32, #tpu.memory_space<vmem>>, vector<1x64xf32>
    %convert_element_type3A_574 = arith.truncf %get3A_573 : vector<1x64xf32> to vector<1x64xbf16>
    %get3A_575 = arith.constant 8 : index
    %get3A_576 = arith.constant 0 : index
    %get3A_577 = arith.constant 0 : index
    %get3A_578 = vector.load %arg3[%get3A_575, %get3A_576, %get3A_577] : memref<32x50x128xbf16, #tpu.memory_space<vmem>>, vector<1x50x128xbf16>
    %get3A_579 = vector.shape_cast %get3A_578 : vector<1x50x128xbf16> to vector<50x128xbf16>
    %get3A_580 = arith.index_cast %rem3A_207 : i32 to index
    %get3A_581 = arith.constant 0 : index
    %get3A_582 = arith.constant 0 : index
    %get3A_583 = vector.load %arg16[%get3A_580, %get3A_581, %get3A_582] : memref<8x128x512xbf16, #tpu.memory_space<vmem>>, vector<1x128x512xbf16>
    %get3A_584 = vector.shape_cast %get3A_583 : vector<1x128x512xbf16> to vector<128x512xbf16>
    %dot_general3A_585 = arith.constant dense<0.000000e+00> : vector<50x512xf32>
    %dot_general3A_586 = tpu.matmul %get3A_579, %get3A_584, %dot_general3A_585 {dimension_numbers = #tpu.dot_dimension_numbers<[1], [0], [0], [1], [0, 0, 1, 1], [], []>, transpose_lhs_hint = false} : vector<50x128xbf16>, vector<128x512xbf16>, vector<50x512xf32> -> vector<50x512xf32>
    %get3A_587 = arith.index_cast %rem3A_207 : i32 to index
    %get3A_588 = arith.constant 0 : index
    %get3A_589 = arith.constant 0 : index
    %get3A_590 = vector.load %arg17[%get3A_587, %get3A_588, %get3A_589] : memref<8x64x512xbf16, #tpu.memory_space<vmem>>, vector<1x64x512xbf16>
    %get3A_591 = vector.shape_cast %get3A_590 : vector<1x64x512xbf16> to vector<64x512xbf16>
    %dot_general3A_592 = arith.constant dense<0.000000e+00> : vector<1x512xf32>
    %dot_general3A_593 = tpu.matmul %convert_element_type3A_574, %get3A_591, %dot_general3A_592 {dimension_numbers = #tpu.dot_dimension_numbers<[1], [0], [0], [1], [0, 0, 1, 1], [], []>, transpose_lhs_hint = false} : vector<1x64xbf16>, vector<64x512xbf16>, vector<1x512xf32> -> vector<1x512xf32>
    %add3A_594 = vector.broadcast %dot_general3A_593 : vector<1x512xf32> to vector<50x512xf32>
    %add3A_595 = arith.addf %dot_general3A_586, %add3A_594 : vector<50x512xf32>
    %get3A_596 = arith.index_cast %rem3A_207 : i32 to index
    %get3A_597 = arith.constant 0 : index
    %get3A_598 = arith.constant 0 : index
    %get3A_599 = vector.load %arg18[%get3A_596, %get3A_597, %get3A_598] : memref<8x1x512xf32, #tpu.memory_space<vmem>>, vector<1x1x512xf32>
    %get3A_600 = vector.shape_cast %get3A_599 : vector<1x1x512xf32> to vector<1x512xf32>
    %add3A_601 = vector.broadcast %get3A_600 : vector<1x512xf32> to vector<50x512xf32>
    %add3A_602 = arith.addf %add3A_595, %add3A_601 : vector<50x512xf32>
    %exp3A_603 = math.exp %add3A_602 : vector<50x512xf32>
    %convert_element_type3A_604 = arith.truncf %exp3A_603 : vector<50x512xf32> to vector<50x512xbf16>
    %swap3A_605 = arith.constant 8 : index
    %swap3A_606 = arith.constant 0 : index
    %swap3A_607 = arith.constant 0 : index
    %swap3A_608 = vector.load %arg15[%swap3A_605, %swap3A_606, %swap3A_607] : memref<32x50x512xbf16, #tpu.memory_space<vmem>>, vector<1x50x512xbf16>
    %swap3A_609 = vector.shape_cast %swap3A_608 : vector<1x50x512xbf16> to vector<50x512xbf16>
    %swap3A_610 = vector.shape_cast %convert_element_type3A_604 : vector<50x512xbf16> to vector<1x50x512xbf16>
    tpu.vector_store %arg15[%swap3A_605, %swap3A_606, %swap3A_607], %swap3A_610 {strides = array<i32>} : memref<32x50x512xbf16, #tpu.memory_space<vmem>>, vector<1x50x512xbf16>,
    %get3A_611 = arith.constant 9 : index
    %get3A_612 = arith.constant 0 : index
    %get3A_613 = vector.load %arg2[%get3A_611, %get3A_612] : memref<32x64xf32, #tpu.memory_space<vmem>>, vector<1x64xf32>
    %convert_element_type3A_614 = arith.truncf %get3A_613 : vector<1x64xf32> to vector<1x64xbf16>
    %get3A_615 = arith.constant 9 : index
    %get3A_616 = arith.constant 0 : index
    %get3A_617 = arith.constant 0 : index
    %get3A_618 = vector.load %arg3[%get3A_615, %get3A_616, %get3A_617] : memref<32x50x128xbf16, #tpu.memory_space<vmem>>, vector<1x50x128xbf16>
    %get3A_619 = vector.shape_cast %get3A_618 : vector<1x50x128xbf16> to vector<50x128xbf16>
    %get3A_620 = arith.index_cast %rem3A_209 : i32 to index
    %get3A_621 = arith.constant 0 : index
    %get3A_622 = arith.constant 0 : index
    %get3A_623 = vector.load %arg16[%get3A_620, %get3A_621, %get3A_622] : memref<8x128x512xbf16, #tpu.memory_space<vmem>>, vector<1x128x512xbf16>
    %get3A_624 = vector.shape_cast %get3A_623 : vector<1x128x512xbf16> to vector<128x512xbf16>
    %dot_general3A_625 = arith.constant dense<0.000000e+00> : vector<50x512xf32>
    %dot_general3A_626 = tpu.matmul %get3A_619, %get3A_624, %dot_general3A_625 {dimension_numbers = #tpu.dot_dimension_numbers<[1], [0], [0], [1], [0, 0, 1, 1], [], []>, transpose_lhs_hint = false} : vector<50x128xbf16>, vector<128x512xbf16>, vector<50x512xf32> -> vector<50x512xf32>
    %get3A_627 = arith.index_cast %rem3A_209 : i32 to index
    %get3A_628 = arith.constant 0 : index
    %get3A_629 = arith.constant 0 : index
    %get3A_630 = vector.load %arg17[%get3A_627, %get3A_628, %get3A_629] : memref<8x64x512xbf16, #tpu.memory_space<vmem>>, vector<1x64x512xbf16>
    %get3A_631 = vector.shape_cast %get3A_630 : vector<1x64x512xbf16> to vector<64x512xbf16>
    %dot_general3A_632 = arith.constant dense<0.000000e+00> : vector<1x512xf32>
    %dot_general3A_633 = tpu.matmul %convert_element_type3A_614, %get3A_631, %dot_general3A_632 {dimension_numbers = #tpu.dot_dimension_numbers<[1], [0], [0], [1], [0, 0, 1, 1], [], []>, transpose_lhs_hint = false} : vector<1x64xbf16>, vector<64x512xbf16>, vector<1x512xf32> -> vector<1x512xf32>
    %add3A_634 = vector.broadcast %dot_general3A_633 : vector<1x512xf32> to vector<50x512xf32>
    %add3A_635 = arith.addf %dot_general3A_626, %add3A_634 : vector<50x512xf32>
    %get3A_636 = arith.index_cast %rem3A_209 : i32 to index
    %get3A_637 = arith.constant 0 : index
    %get3A_638 = arith.constant 0 : index
    %get3A_639 = vector.load %arg18[%get3A_636, %get3A_637, %get3A_638] : memref<8x1x512xf32, #tpu.memory_space<vmem>>, vector<1x1x512xf32>
    %get3A_640 = vector.shape_cast %get3A_639 : vector<1x1x512xf32> to vector<1x512xf32>
    %add3A_641 = vector.broadcast %get3A_640 : vector<1x512xf32> to vector<50x512xf32>
    %add3A_642 = arith.addf %add3A_635, %add3A_641 : vector<50x512xf32>
    %exp3A_643 = math.exp %add3A_642 : vector<50x512xf32>
    %convert_element_type3A_644 = arith.truncf %exp3A_643 : vector<50x512xf32> to vector<50x512xbf16>
    %swap3A_645 = arith.constant 9 : index
    %swap3A_646 = arith.constant 0 : index
    %swap3A_647 = arith.constant 0 : index
    %swap3A_648 = vector.load %arg15[%swap3A_645, %swap3A_646, %swap3A_647] : memref<32x50x512xbf16, #tpu.memory_space<vmem>>, vector<1x50x512xbf16>
    %swap3A_649 = vector.shape_cast %swap3A_648 : vector<1x50x512xbf16> to vector<50x512xbf16>
    %swap3A_650 = vector.shape_cast %convert_element_type3A_644 : vector<50x512xbf16> to vector<1x50x512xbf16>
    tpu.vector_store %arg15[%swap3A_645, %swap3A_646, %swap3A_647], %swap3A_650 {strides = array<i32>} : memref<32x50x512xbf16, #tpu.memory_space<vmem>>, vector<1x50x512xbf16>,
    %get3A_651 = arith.constant 10 : index
    %get3A_652 = arith.constant 0 : index
    %get3A_653 = vector.load %arg2[%get3A_651, %get3A_652] : memref<32x64xf32, #tpu.memory_space<vmem>>, vector<1x64xf32>
    %convert_element_type3A_654 = arith.truncf %get3A_653 : vector<1x64xf32> to vector<1x64xbf16>
    %get3A_655 = arith.constant 10 : index
    %get3A_656 = arith.constant 0 : index
    %get3A_657 = arith.constant 0 : index
    %get3A_658 = vector.load %arg3[%get3A_655, %get3A_656, %get3A_657] : memref<32x50x128xbf16, #tpu.memory_space<vmem>>, vector<1x50x128xbf16>
    %get3A_659 = vector.shape_cast %get3A_658 : vector<1x50x128xbf16> to vector<50x128xbf16>
    %get3A_660 = arith.index_cast %rem3A_211 : i32 to index
    %get3A_661 = arith.constant 0 : index
    %get3A_662 = arith.constant 0 : index
    %get3A_663 = vector.load %arg16[%get3A_660, %get3A_661, %get3A_662] : memref<8x128x512xbf16, #tpu.memory_space<vmem>>, vector<1x128x512xbf16>
    %get3A_664 = vector.shape_cast %get3A_663 : vector<1x128x512xbf16> to vector<128x512xbf16>
    %dot_general3A_665 = arith.constant dense<0.000000e+00> : vector<50x512xf32>
    %dot_general3A_666 = tpu.matmul %get3A_659, %get3A_664, %dot_general3A_665 {dimension_numbers = #tpu.dot_dimension_numbers<[1], [0], [0], [1], [0, 0, 1, 1], [], []>, transpose_lhs_hint = false} : vector<50x128xbf16>, vector<128x512xbf16>, vector<50x512xf32> -> vector<50x512xf32>
    %get3A_667 = arith.index_cast %rem3A_211 : i32 to index
    %get3A_668 = arith.constant 0 : index
    %get3A_669 = arith.constant 0 : index
    %get3A_670 = vector.load %arg17[%get3A_667, %get3A_668, %get3A_669] : memref<8x64x512xbf16, #tpu.memory_space<vmem>>, vector<1x64x512xbf16>
    %get3A_671 = vector.shape_cast %get3A_670 : vector<1x64x512xbf16> to vector<64x512xbf16>
    %dot_general3A_672 = arith.constant dense<0.000000e+00> : vector<1x512xf32>
    %dot_general3A_673 = tpu.matmul %convert_element_type3A_654, %get3A_671, %dot_general3A_672 {dimension_numbers = #tpu.dot_dimension_numbers<[1], [0], [0], [1], [0, 0, 1, 1], [], []>, transpose_lhs_hint = false} : vector<1x64xbf16>, vector<64x512xbf16>, vector<1x512xf32> -> vector<1x512xf32>
    %add3A_674 = vector.broadcast %dot_general3A_673 : vector<1x512xf32> to vector<50x512xf32>
    %add3A_675 = arith.addf %dot_general3A_666, %add3A_674 : vector<50x512xf32>
    %get3A_676 = arith.index_cast %rem3A_211 : i32 to index
    %get3A_677 = arith.constant 0 : index
    %get3A_678 = arith.constant 0 : index
    %get3A_679 = vector.load %arg18[%get3A_676, %get3A_677, %get3A_678] : memref<8x1x512xf32, #tpu.memory_space<vmem>>, vector<1x1x512xf32>
    %get3A_680 = vector.shape_cast %get3A_679 : vector<1x1x512xf32> to vector<1x512xf32>
    %add3A_681 = vector.broadcast %get3A_680 : vector<1x512xf32> to vector<50x512xf32>
    %add3A_682 = arith.addf %add3A_675, %add3A_681 : vector<50x512xf32>
    %exp3A_683 = math.exp %add3A_682 : vector<50x512xf32>
    %convert_element_type3A_684 = arith.truncf %exp3A_683 : vector<50x512xf32> to vector<50x512xbf16>
    %swap3A_685 = arith.constant 10 : index
    %swap3A_686 = arith.constant 0 : index
    %swap3A_687 = arith.constant 0 : index
    %swap3A_688 = vector.load %arg15[%swap3A_685, %swap3A_686, %swap3A_687] : memref<32x50x512xbf16, #tpu.memory_space<vmem>>, vector<1x50x512xbf16>
    %swap3A_689 = vector.shape_cast %swap3A_688 : vector<1x50x512xbf16> to vector<50x512xbf16>
    %swap3A_690 = vector.shape_cast %convert_element_type3A_684 : vector<50x512xbf16> to vector<1x50x512xbf16>
    tpu.vector_store %arg15[%swap3A_685, %swap3A_686, %swap3A_687], %swap3A_690 {strides = array<i32>} : memref<32x50x512xbf16, #tpu.memory_space<vmem>>, vector<1x50x512xbf16>,
    %get3A_691 = arith.constant 11 : index
    %get3A_692 = arith.constant 0 : index
    %get3A_693 = vector.load %arg2[%get3A_691, %get3A_692] : memref<32x64xf32, #tpu.memory_space<vmem>>, vector<1x64xf32>
    %convert_element_type3A_694 = arith.truncf %get3A_693 : vector<1x64xf32> to vector<1x64xbf16>
    %get3A_695 = arith.constant 11 : index
    %get3A_696 = arith.constant 0 : index
    %get3A_697 = arith.constant 0 : index
    %get3A_698 = vector.load %arg3[%get3A_695, %get3A_696, %get3A_697] : memref<32x50x128xbf16, #tpu.memory_space<vmem>>, vector<1x50x128xbf16>
    %get3A_699 = vector.shape_cast %get3A_698 : vector<1x50x128xbf16> to vector<50x128xbf16>
    %get3A_700 = arith.index_cast %rem3A_213 : i32 to index
    %get3A_701 = arith.constant 0 : index
    %get3A_702 = arith.constant 0 : index
    %get3A_703 = vector.load %arg16[%get3A_700, %get3A_701, %get3A_702] : memref<8x128x512xbf16, #tpu.memory_space<vmem>>, vector<1x128x512xbf16>
    %get3A_704 = vector.shape_cast %get3A_703 : vector<1x128x512xbf16> to vector<128x512xbf16>
    %dot_general3A_705 = arith.constant dense<0.000000e+00> : vector<50x512xf32>
    %dot_general3A_706 = tpu.matmul %get3A_699, %get3A_704, %dot_general3A_705 {dimension_numbers = #tpu.dot_dimension_numbers<[1], [0], [0], [1], [0, 0, 1, 1], [], []>, transpose_lhs_hint = false} : vector<50x128xbf16>, vector<128x512xbf16>, vector<50x512xf32> -> vector<50x512xf32>
    %get3A_707 = arith.index_cast %rem3A_213 : i32 to index
    %get3A_708 = arith.constant 0 : index
    %get3A_709 = arith.constant 0 : index
    %get3A_710 = vector.load %arg17[%get3A_707, %get3A_708, %get3A_709] : memref<8x64x512xbf16, #tpu.memory_space<vmem>>, vector<1x64x512xbf16>
    %get3A_711 = vector.shape_cast %get3A_710 : vector<1x64x512xbf16> to vector<64x512xbf16>
    %dot_general3A_712 = arith.constant dense<0.000000e+00> : vector<1x512xf32>
    %dot_general3A_713 = tpu.matmul %convert_element_type3A_694, %get3A_711, %dot_general3A_712 {dimension_numbers = #tpu.dot_dimension_numbers<[1], [0], [0], [1], [0, 0, 1, 1], [], []>, transpose_lhs_hint = false} : vector<1x64xbf16>, vector<64x512xbf16>, vector<1x512xf32> -> vector<1x512xf32>
    %add3A_714 = vector.broadcast %dot_general3A_713 : vector<1x512xf32> to vector<50x512xf32>
    %add3A_715 = arith.addf %dot_general3A_706, %add3A_714 : vector<50x512xf32>
    %get3A_716 = arith.index_cast %rem3A_213 : i32 to index
    %get3A_717 = arith.constant 0 : index
    %get3A_718 = arith.constant 0 : index
    %get3A_719 = vector.load %arg18[%get3A_716, %get3A_717, %get3A_718] : memref<8x1x512xf32, #tpu.memory_space<vmem>>, vector<1x1x512xf32>
    %get3A_720 = vector.shape_cast %get3A_719 : vector<1x1x512xf32> to vector<1x512xf32>
    %add3A_721 = vector.broadcast %get3A_720 : vector<1x512xf32> to vector<50x512xf32>
    %add3A_722 = arith.addf %add3A_715, %add3A_721 : vector<50x512xf32>
    %exp3A_723 = math.exp %add3A_722 : vector<50x512xf32>
    %convert_element_type3A_724 = arith.truncf %exp3A_723 : vector<50x512xf32> to vector<50x512xbf16>
    %swap3A_725 = arith.constant 11 : index
    %swap3A_726 = arith.constant 0 : index
    %swap3A_727 = arith.constant 0 : index
    %swap3A_728 = vector.load %arg15[%swap3A_725, %swap3A_726, %swap3A_727] : memref<32x50x512xbf16, #tpu.memory_space<vmem>>, vector<1x50x512xbf16>
    %swap3A_729 = vector.shape_cast %swap3A_728 : vector<1x50x512xbf16> to vector<50x512xbf16>
    %swap3A_730 = vector.shape_cast %convert_element_type3A_724 : vector<50x512xbf16> to vector<1x50x512xbf16>
    tpu.vector_store %arg15[%swap3A_725, %swap3A_726, %swap3A_727], %swap3A_730 {strides = array<i32>} : memref<32x50x512xbf16, #tpu.memory_space<vmem>>, vector<1x50x512xbf16>,
    %get3A_731 = arith.constant 12 : index
    %get3A_732 = arith.constant 0 : index
    %get3A_733 = vector.load %arg2[%get3A_731, %get3A_732] : memref<32x64xf32, #tpu.memory_space<vmem>>, vector<1x64xf32>
    %convert_element_type3A_734 = arith.truncf %get3A_733 : vector<1x64xf32> to vector<1x64xbf16>
    %get3A_735 = arith.constant 12 : index
    %get3A_736 = arith.constant 0 : index
    %get3A_737 = arith.constant 0 : index
    %get3A_738 = vector.load %arg3[%get3A_735, %get3A_736, %get3A_737] : memref<32x50x128xbf16, #tpu.memory_space<vmem>>, vector<1x50x128xbf16>
    %get3A_739 = vector.shape_cast %get3A_738 : vector<1x50x128xbf16> to vector<50x128xbf16>
    %get3A_740 = arith.index_cast %rem3A_215 : i32 to index
    %get3A_741 = arith.constant 0 : index
    %get3A_742 = arith.constant 0 : index
    %get3A_743 = vector.load %arg16[%get3A_740, %get3A_741, %get3A_742] : memref<8x128x512xbf16, #tpu.memory_space<vmem>>, vector<1x128x512xbf16>
    %get3A_744 = vector.shape_cast %get3A_743 : vector<1x128x512xbf16> to vector<128x512xbf16>
    %dot_general3A_745 = arith.constant dense<0.000000e+00> : vector<50x512xf32>
    %dot_general3A_746 = tpu.matmul %get3A_739, %get3A_744, %dot_general3A_745 {dimension_numbers = #tpu.dot_dimension_numbers<[1], [0], [0], [1], [0, 0, 1, 1], [], []>, transpose_lhs_hint = false} : vector<50x128xbf16>, vector<128x512xbf16>, vector<50x512xf32> -> vector<50x512xf32>
    %get3A_747 = arith.index_cast %rem3A_215 : i32 to index
    %get3A_748 = arith.constant 0 : index
    %get3A_749 = arith.constant 0 : index
    %get3A_750 = vector.load %arg17[%get3A_747, %get3A_748, %get3A_749] : memref<8x64x512xbf16, #tpu.memory_space<vmem>>, vector<1x64x512xbf16>
    %get3A_751 = vector.shape_cast %get3A_750 : vector<1x64x512xbf16> to vector<64x512xbf16>
    %dot_general3A_752 = arith.constant dense<0.000000e+00> : vector<1x512xf32>
    %dot_general3A_753 = tpu.matmul %convert_element_type3A_734, %get3A_751, %dot_general3A_752 {dimension_numbers = #tpu.dot_dimension_numbers<[1], [0], [0], [1], [0, 0, 1, 1], [], []>, transpose_lhs_hint = false} : vector<1x64xbf16>, vector<64x512xbf16>, vector<1x512xf32> -> vector<1x512xf32>
    %add3A_754 = vector.broadcast %dot_general3A_753 : vector<1x512xf32> to vector<50x512xf32>
    %add3A_755 = arith.addf %dot_general3A_746, %add3A_754 : vector<50x512xf32>
    %get3A_756 = arith.index_cast %rem3A_215 : i32 to index
    %get3A_757 = arith.constant 0 : index
    %get3A_758 = arith.constant 0 : index
    %get3A_759 = vector.load %arg18[%get3A_756, %get3A_757, %get3A_758] : memref<8x1x512xf32, #tpu.memory_space<vmem>>, vector<1x1x512xf32>
    %get3A_760 = vector.shape_cast %get3A_759 : vector<1x1x512xf32> to vector<1x512xf32>
    %add3A_761 = vector.broadcast %get3A_760 : vector<1x512xf32> to vector<50x512xf32>
    %add3A_762 = arith.addf %add3A_755, %add3A_761 : vector<50x512xf32>
    %exp3A_763 = math.exp %add3A_762 : vector<50x512xf32>
    %convert_element_type3A_764 = arith.truncf %exp3A_763 : vector<50x512xf32> to vector<50x512xbf16>
    %swap3A_765 = arith.constant 12 : index
    %swap3A_766 = arith.constant 0 : index
    %swap3A_767 = arith.constant 0 : index
    %swap3A_768 = vector.load %arg15[%swap3A_765, %swap3A_766, %swap3A_767] : memref<32x50x512xbf16, #tpu.memory_space<vmem>>, vector<1x50x512xbf16>
    %swap3A_769 = vector.shape_cast %swap3A_768 : vector<1x50x512xbf16> to vector<50x512xbf16>
    %swap3A_770 = vector.shape_cast %convert_element_type3A_764 : vector<50x512xbf16> to vector<1x50x512xbf16>
    tpu.vector_store %arg15[%swap3A_765, %swap3A_766, %swap3A_767], %swap3A_770 {strides = array<i32>} : memref<32x50x512xbf16, #tpu.memory_space<vmem>>, vector<1x50x512xbf16>,
    %get3A_771 = arith.constant 13 : index
    %get3A_772 = arith.constant 0 : index
    %get3A_773 = vector.load %arg2[%get3A_771, %get3A_772] : memref<32x64xf32, #tpu.memory_space<vmem>>, vector<1x64xf32>
    %convert_element_type3A_774 = arith.truncf %get3A_773 : vector<1x64xf32> to vector<1x64xbf16>
    %get3A_775 = arith.constant 13 : index
    %get3A_776 = arith.constant 0 : index
    %get3A_777 = arith.constant 0 : index
    %get3A_778 = vector.load %arg3[%get3A_775, %get3A_776, %get3A_777] : memref<32x50x128xbf16, #tpu.memory_space<vmem>>, vector<1x50x128xbf16>
    %get3A_779 = vector.shape_cast %get3A_778 : vector<1x50x128xbf16> to vector<50x128xbf16>
    %get3A_780 = arith.index_cast %rem3A_217 : i32 to index
    %get3A_781 = arith.constant 0 : index
    %get3A_782 = arith.constant 0 : index
    %get3A_783 = vector.load %arg16[%get3A_780, %get3A_781, %get3A_782] : memref<8x128x512xbf16, #tpu.memory_space<vmem>>, vector<1x128x512xbf16>
    %get3A_784 = vector.shape_cast %get3A_783 : vector<1x128x512xbf16> to vector<128x512xbf16>
    %dot_general3A_785 = arith.constant dense<0.000000e+00> : vector<50x512xf32>
    %dot_general3A_786 = tpu.matmul %get3A_779, %get3A_784, %dot_general3A_785 {dimension_numbers = #tpu.dot_dimension_numbers<[1], [0], [0], [1], [0, 0, 1, 1], [], []>, transpose_lhs_hint = false} : vector<50x128xbf16>, vector<128x512xbf16>, vector<50x512xf32> -> vector<50x512xf32>
    %get3A_787 = arith.index_cast %rem3A_217 : i32 to index
    %get3A_788 = arith.constant 0 : index
    %get3A_789 = arith.constant 0 : index
    %get3A_790 = vector.load %arg17[%get3A_787, %get3A_788, %get3A_789] : memref<8x64x512xbf16, #tpu.memory_space<vmem>>, vector<1x64x512xbf16>
    %get3A_791 = vector.shape_cast %get3A_790 : vector<1x64x512xbf16> to vector<64x512xbf16>
    %dot_general3A_792 = arith.constant dense<0.000000e+00> : vector<1x512xf32>
    %dot_general3A_793 = tpu.matmul %convert_element_type3A_774, %get3A_791, %dot_general3A_792 {dimension_numbers = #tpu.dot_dimension_numbers<[1], [0], [0], [1], [0, 0, 1, 1], [], []>, transpose_lhs_hint = false} : vector<1x64xbf16>, vector<64x512xbf16>, vector<1x512xf32> -> vector<1x512xf32>
    %add3A_794 = vector.broadcast %dot_general3A_793 : vector<1x512xf32> to vector<50x512xf32>
    %add3A_795 = arith.addf %dot_general3A_786, %add3A_794 : vector<50x512xf32>
    %get3A_796 = arith.index_cast %rem3A_217 : i32 to index
    %get3A_797 = arith.constant 0 : index
    %get3A_798 = arith.constant 0 : index
    %get3A_799 = vector.load %arg18[%get3A_796, %get3A_797, %get3A_798] : memref<8x1x512xf32, #tpu.memory_space<vmem>>, vector<1x1x512xf32>
    %get3A_800 = vector.shape_cast %get3A_799 : vector<1x1x512xf32> to vector<1x512xf32>
    %add3A_801 = vector.broadcast %get3A_800 : vector<1x512xf32> to vector<50x512xf32>
    %add3A_802 = arith.addf %add3A_795, %add3A_801 : vector<50x512xf32>
    %exp3A_803 = math.exp %add3A_802 : vector<50x512xf32>
    %convert_element_type3A_804 = arith.truncf %exp3A_803 : vector<50x512xf32> to vector<50x512xbf16>
    %swap3A_805 = arith.constant 13 : index
    %swap3A_806 = arith.constant 0 : index
    %swap3A_807 = arith.constant 0 : index
    %swap3A_808 = vector.load %arg15[%swap3A_805, %swap3A_806, %swap3A_807] : memref<32x50x512xbf16, #tpu.memory_space<vmem>>, vector<1x50x512xbf16>
    %swap3A_809 = vector.shape_cast %swap3A_808 : vector<1x50x512xbf16> to vector<50x512xbf16>
    %swap3A_810 = vector.shape_cast %convert_element_type3A_804 : vector<50x512xbf16> to vector<1x50x512xbf16>
    tpu.vector_store %arg15[%swap3A_805, %swap3A_806, %swap3A_807], %swap3A_810 {strides = array<i32>} : memref<32x50x512xbf16, #tpu.memory_space<vmem>>, vector<1x50x512xbf16>,
    %get3A_811 = arith.constant 14 : index
    %get3A_812 = arith.constant 0 : index
    %get3A_813 = vector.load %arg2[%get3A_811, %get3A_812] : memref<32x64xf32, #tpu.memory_space<vmem>>, vector<1x64xf32>
    %convert_element_type3A_814 = arith.truncf %get3A_813 : vector<1x64xf32> to vector<1x64xbf16>
    %get3A_815 = arith.constant 14 : index
    %get3A_816 = arith.constant 0 : index
    %get3A_817 = arith.constant 0 : index
    %get3A_818 = vector.load %arg3[%get3A_815, %get3A_816, %get3A_817] : memref<32x50x128xbf16, #tpu.memory_space<vmem>>, vector<1x50x128xbf16>
    %get3A_819 = vector.shape_cast %get3A_818 : vector<1x50x128xbf16> to vector<50x128xbf16>
    %get3A_820 = arith.index_cast %rem3A_219 : i32 to index
    %get3A_821 = arith.constant 0 : index
    %get3A_822 = arith.constant 0 : index
    %get3A_823 = vector.load %arg16[%get3A_820, %get3A_821, %get3A_822] : memref<8x128x512xbf16, #tpu.memory_space<vmem>>, vector<1x128x512xbf16>
    %get3A_824 = vector.shape_cast %get3A_823 : vector<1x128x512xbf16> to vector<128x512xbf16>
    %dot_general3A_825 = arith.constant dense<0.000000e+00> : vector<50x512xf32>
    %dot_general3A_826 = tpu.matmul %get3A_819, %get3A_824, %dot_general3A_825 {dimension_numbers = #tpu.dot_dimension_numbers<[1], [0], [0], [1], [0, 0, 1, 1], [], []>, transpose_lhs_hint = false} : vector<50x128xbf16>, vector<128x512xbf16>, vector<50x512xf32> -> vector<50x512xf32>
    %get3A_827 = arith.index_cast %rem3A_219 : i32 to index
    %get3A_828 = arith.constant 0 : index
    %get3A_829 = arith.constant 0 : index
    %get3A_830 = vector.load %arg17[%get3A_827, %get3A_828, %get3A_829] : memref<8x64x512xbf16, #tpu.memory_space<vmem>>, vector<1x64x512xbf16>
    %get3A_831 = vector.shape_cast %get3A_830 : vector<1x64x512xbf16> to vector<64x512xbf16>
    %dot_general3A_832 = arith.constant dense<0.000000e+00> : vector<1x512xf32>
    %dot_general3A_833 = tpu.matmul %convert_element_type3A_814, %get3A_831, %dot_general3A_832 {dimension_numbers = #tpu.dot_dimension_numbers<[1], [0], [0], [1], [0, 0, 1, 1], [], []>, transpose_lhs_hint = false} : vector<1x64xbf16>, vector<64x512xbf16>, vector<1x512xf32> -> vector<1x512xf32>
    %add3A_834 = vector.broadcast %dot_general3A_833 : vector<1x512xf32> to vector<50x512xf32>
    %add3A_835 = arith.addf %dot_general3A_826, %add3A_834 : vector<50x512xf32>
    %get3A_836 = arith.index_cast %rem3A_219 : i32 to index
    %get3A_837 = arith.constant 0 : index
    %get3A_838 = arith.constant 0 : index
    %get3A_839 = vector.load %arg18[%get3A_836, %get3A_837, %get3A_838] : memref<8x1x512xf32, #tpu.memory_space<vmem>>, vector<1x1x512xf32>
    %get3A_840 = vector.shape_cast %get3A_839 : vector<1x1x512xf32> to vector<1x512xf32>
    %add3A_841 = vector.broadcast %get3A_840 : vector<1x512xf32> to vector<50x512xf32>
    %add3A_842 = arith.addf %add3A_835, %add3A_841 : vector<50x512xf32>
    %exp3A_843 = math.exp %add3A_842 : vector<50x512xf32>
    %convert_element_type3A_844 = arith.truncf %exp3A_843 : vector<50x512xf32> to vector<50x512xbf16>
    %swap3A_845 = arith.constant 14 : index
    %swap3A_846 = arith.constant 0 : index
    %swap3A_847 = arith.constant 0 : index
    %swap3A_848 = vector.load %arg15[%swap3A_845, %swap3A_846, %swap3A_847] : memref<32x50x512xbf16, #tpu.memory_space<vmem>>, vector<1x50x512xbf16>
    %swap3A_849 = vector.shape_cast %swap3A_848 : vector<1x50x512xbf16> to vector<50x512xbf16>
    %swap3A_850 = vector.shape_cast %convert_element_type3A_844 : vector<50x512xbf16> to vector<1x50x512xbf16>
    tpu.vector_store %arg15[%swap3A_845, %swap3A_846, %swap3A_847], %swap3A_850 {strides = array<i32>} : memref<32x50x512xbf16, #tpu.memory_space<vmem>>, vector<1x50x512xbf16>,
    %get3A_851 = arith.constant 15 : index
    %get3A_852 = arith.constant 0 : index
    %get3A_853 = vector.load %arg2[%get3A_851, %get3A_852] : memref<32x64xf32, #tpu.memory_space<vmem>>, vector<1x64xf32>
    %convert_element_type3A_854 = arith.truncf %get3A_853 : vector<1x64xf32> to vector<1x64xbf16>
    %get3A_855 = arith.constant 15 : index
    %get3A_856 = arith.constant 0 : index
    %get3A_857 = arith.constant 0 : index
    %get3A_858 = vector.load %arg3[%get3A_855, %get3A_856, %get3A_857] : memref<32x50x128xbf16, #tpu.memory_space<vmem>>, vector<1x50x128xbf16>
    %get3A_859 = vector.shape_cast %get3A_858 : vector<1x50x128xbf16> to vector<50x128xbf16>
    %get3A_860 = arith.index_cast %rem3A_221 : i32 to index
    %get3A_861 = arith.constant 0 : index
    %get3A_862 = arith.constant 0 : index
    %get3A_863 = vector.load %arg16[%get3A_860, %get3A_861, %get3A_862] : memref<8x128x512xbf16, #tpu.memory_space<vmem>>, vector<1x128x512xbf16>
    %get3A_864 = vector.shape_cast %get3A_863 : vector<1x128x512xbf16> to vector<128x512xbf16>
    %dot_general3A_865 = arith.constant dense<0.000000e+00> : vector<50x512xf32>
    %dot_general3A_866 = tpu.matmul %get3A_859, %get3A_864, %dot_general3A_865 {dimension_numbers = #tpu.dot_dimension_numbers<[1], [0], [0], [1], [0, 0, 1, 1], [], []>, transpose_lhs_hint = false} : vector<50x128xbf16>, vector<128x512xbf16>, vector<50x512xf32> -> vector<50x512xf32>
    %get3A_867 = arith.index_cast %rem3A_221 : i32 to index
    %get3A_868 = arith.constant 0 : index
    %get3A_869 = arith.constant 0 : index
    %get3A_870 = vector.load %arg17[%get3A_867, %get3A_868, %get3A_869] : memref<8x64x512xbf16, #tpu.memory_space<vmem>>, vector<1x64x512xbf16>
    %get3A_871 = vector.shape_cast %get3A_870 : vector<1x64x512xbf16> to vector<64x512xbf16>
    %dot_general3A_872 = arith.constant dense<0.000000e+00> : vector<1x512xf32>
    %dot_general3A_873 = tpu.matmul %convert_element_type3A_854, %get3A_871, %dot_general3A_872 {dimension_numbers = #tpu.dot_dimension_numbers<[1], [0], [0], [1], [0, 0, 1, 1], [], []>, transpose_lhs_hint = false} : vector<1x64xbf16>, vector<64x512xbf16>, vector<1x512xf32> -> vector<1x512xf32>
    %add3A_874 = vector.broadcast %dot_general3A_873 : vector<1x512xf32> to vector<50x512xf32>
    %add3A_875 = arith.addf %dot_general3A_866, %add3A_874 : vector<50x512xf32>
    %get3A_876 = arith.index_cast %rem3A_221 : i32 to index
    %get3A_877 = arith.constant 0 : index
    %get3A_878 = arith.constant 0 : index
    %get3A_879 = vector.load %arg18[%get3A_876, %get3A_877, %get3A_878] : memref<8x1x512xf32, #tpu.memory_space<vmem>>, vector<1x1x512xf32>
    %get3A_880 = vector.shape_cast %get3A_879 : vector<1x1x512xf32> to vector<1x512xf32>
    %add3A_881 = vector.broadcast %get3A_880 : vector<1x512xf32> to vector<50x512xf32>
    %add3A_882 = arith.addf %add3A_875, %add3A_881 : vector<50x512xf32>
    %exp3A_883 = math.exp %add3A_882 : vector<50x512xf32>
    %convert_element_type3A_884 = arith.truncf %exp3A_883 : vector<50x512xf32> to vector<50x512xbf16>
    %swap3A_885 = arith.constant 15 : index
    %swap3A_886 = arith.constant 0 : index
    %swap3A_887 = arith.constant 0 : index
    %swap3A_888 = vector.load %arg15[%swap3A_885, %swap3A_886, %swap3A_887] : memref<32x50x512xbf16, #tpu.memory_space<vmem>>, vector<1x50x512xbf16>
    %swap3A_889 = vector.shape_cast %swap3A_888 : vector<1x50x512xbf16> to vector<50x512xbf16>
    %swap3A_890 = vector.shape_cast %convert_element_type3A_884 : vector<50x512xbf16> to vector<1x50x512xbf16>
    tpu.vector_store %arg15[%swap3A_885, %swap3A_886, %swap3A_887], %swap3A_890 {strides = array<i32>} : memref<32x50x512xbf16, #tpu.memory_space<vmem>>, vector<1x50x512xbf16>,
    %get3A_891 = arith.constant 16 : index
    %get3A_892 = arith.constant 0 : index
    %get3A_893 = vector.load %arg2[%get3A_891, %get3A_892] : memref<32x64xf32, #tpu.memory_space<vmem>>, vector<1x64xf32>
    %convert_element_type3A_894 = arith.truncf %get3A_893 : vector<1x64xf32> to vector<1x64xbf16>
    %get3A_895 = arith.constant 16 : index
    %get3A_896 = arith.constant 0 : index
    %get3A_897 = arith.constant 0 : index
    %get3A_898 = vector.load %arg3[%get3A_895, %get3A_896, %get3A_897] : memref<32x50x128xbf16, #tpu.memory_space<vmem>>, vector<1x50x128xbf16>
    %get3A_899 = vector.shape_cast %get3A_898 : vector<1x50x128xbf16> to vector<50x128xbf16>
    %get3A_900 = arith.index_cast %rem3A_223 : i32 to index
    %get3A_901 = arith.constant 0 : index
    %get3A_902 = arith.constant 0 : index
    %get3A_903 = vector.load %arg16[%get3A_900, %get3A_901, %get3A_902] : memref<8x128x512xbf16, #tpu.memory_space<vmem>>, vector<1x128x512xbf16>
    %get3A_904 = vector.shape_cast %get3A_903 : vector<1x128x512xbf16> to vector<128x512xbf16>
    %dot_general3A_905 = arith.constant dense<0.000000e+00> : vector<50x512xf32>
    %dot_general3A_906 = tpu.matmul %get3A_899, %get3A_904, %dot_general3A_905 {dimension_numbers = #tpu.dot_dimension_numbers<[1], [0], [0], [1], [0, 0, 1, 1], [], []>, transpose_lhs_hint = false} : vector<50x128xbf16>, vector<128x512xbf16>, vector<50x512xf32> -> vector<50x512xf32>
    %get3A_907 = arith.index_cast %rem3A_223 : i32 to index
    %get3A_908 = arith.constant 0 : index
    %get3A_909 = arith.constant 0 : index
    %get3A_910 = vector.load %arg17[%get3A_907, %get3A_908, %get3A_909] : memref<8x64x512xbf16, #tpu.memory_space<vmem>>, vector<1x64x512xbf16>
    %get3A_911 = vector.shape_cast %get3A_910 : vector<1x64x512xbf16> to vector<64x512xbf16>
    %dot_general3A_912 = arith.constant dense<0.000000e+00> : vector<1x512xf32>
    %dot_general3A_913 = tpu.matmul %convert_element_type3A_894, %get3A_911, %dot_general3A_912 {dimension_numbers = #tpu.dot_dimension_numbers<[1], [0], [0], [1], [0, 0, 1, 1], [], []>, transpose_lhs_hint = false} : vector<1x64xbf16>, vector<64x512xbf16>, vector<1x512xf32> -> vector<1x512xf32>
    %add3A_914 = vector.broadcast %dot_general3A_913 : vector<1x512xf32> to vector<50x512xf32>
    %add3A_915 = arith.addf %dot_general3A_906, %add3A_914 : vector<50x512xf32>
    %get3A_916 = arith.index_cast %rem3A_223 : i32 to index
    %get3A_917 = arith.constant 0 : index
    %get3A_918 = arith.constant 0 : index
    %get3A_919 = vector.load %arg18[%get3A_916, %get3A_917, %get3A_918] : memref<8x1x512xf32, #tpu.memory_space<vmem>>, vector<1x1x512xf32>
    %get3A_920 = vector.shape_cast %get3A_919 : vector<1x1x512xf32> to vector<1x512xf32>
    %add3A_921 = vector.broadcast %get3A_920 : vector<1x512xf32> to vector<50x512xf32>
    %add3A_922 = arith.addf %add3A_915, %add3A_921 : vector<50x512xf32>
    %exp3A_923 = math.exp %add3A_922 : vector<50x512xf32>
    %convert_element_type3A_924 = arith.truncf %exp3A_923 : vector<50x512xf32> to vector<50x512xbf16>
    %swap3A_925 = arith.constant 16 : index
    %swap3A_926 = arith.constant 0 : index
    %swap3A_927 = arith.constant 0 : index
    %swap3A_928 = vector.load %arg15[%swap3A_925, %swap3A_926, %swap3A_927] : memref<32x50x512xbf16, #tpu.memory_space<vmem>>, vector<1x50x512xbf16>
    %swap3A_929 = vector.shape_cast %swap3A_928 : vector<1x50x512xbf16> to vector<50x512xbf16>
    %swap3A_930 = vector.shape_cast %convert_element_type3A_924 : vector<50x512xbf16> to vector<1x50x512xbf16>
    tpu.vector_store %arg15[%swap3A_925, %swap3A_926, %swap3A_927], %swap3A_930 {strides = array<i32>} : memref<32x50x512xbf16, #tpu.memory_space<vmem>>, vector<1x50x512xbf16>,
    %get3A_931 = arith.constant 17 : index
    %get3A_932 = arith.constant 0 : index
    %get3A_933 = vector.load %arg2[%get3A_931, %get3A_932] : memref<32x64xf32, #tpu.memory_space<vmem>>, vector<1x64xf32>
    %convert_element_type3A_934 = arith.truncf %get3A_933 : vector<1x64xf32> to vector<1x64xbf16>
    %get3A_935 = arith.constant 17 : index
    %get3A_936 = arith.constant 0 : index
    %get3A_937 = arith.constant 0 : index
    %get3A_938 = vector.load %arg3[%get3A_935, %get3A_936, %get3A_937] : memref<32x50x128xbf16, #tpu.memory_space<vmem>>, vector<1x50x128xbf16>
    %get3A_939 = vector.shape_cast %get3A_938 : vector<1x50x128xbf16> to vector<50x128xbf16>
    %get3A_940 = arith.index_cast %rem3A_225 : i32 to index
    %get3A_941 = arith.constant 0 : index
    %get3A_942 = arith.constant 0 : index
    %get3A_943 = vector.load %arg16[%get3A_940, %get3A_941, %get3A_942] : memref<8x128x512xbf16, #tpu.memory_space<vmem>>, vector<1x128x512xbf16>
    %get3A_944 = vector.shape_cast %get3A_943 : vector<1x128x512xbf16> to vector<128x512xbf16>
    %dot_general3A_945 = arith.constant dense<0.000000e+00> : vector<50x512xf32>
    %dot_general3A_946 = tpu.matmul %get3A_939, %get3A_944, %dot_general3A_945 {dimension_numbers = #tpu.dot_dimension_numbers<[1], [0], [0], [1], [0, 0, 1, 1], [], []>, transpose_lhs_hint = false} : vector<50x128xbf16>, vector<128x512xbf16>, vector<50x512xf32> -> vector<50x512xf32>
    %get3A_947 = arith.index_cast %rem3A_225 : i32 to index
    %get3A_948 = arith.constant 0 : index
    %get3A_949 = arith.constant 0 : index
    %get3A_950 = vector.load %arg17[%get3A_947, %get3A_948, %get3A_949] : memref<8x64x512xbf16, #tpu.memory_space<vmem>>, vector<1x64x512xbf16>
    %get3A_951 = vector.shape_cast %get3A_950 : vector<1x64x512xbf16> to vector<64x512xbf16>
    %dot_general3A_952 = arith.constant dense<0.000000e+00> : vector<1x512xf32>
    %dot_general3A_953 = tpu.matmul %convert_element_type3A_934, %get3A_951, %dot_general3A_952 {dimension_numbers = #tpu.dot_dimension_numbers<[1], [0], [0], [1], [0, 0, 1, 1], [], []>, transpose_lhs_hint = false} : vector<1x64xbf16>, vector<64x512xbf16>, vector<1x512xf32> -> vector<1x512xf32>
    %add3A_954 = vector.broadcast %dot_general3A_953 : vector<1x512xf32> to vector<50x512xf32>
    %add3A_955 = arith.addf %dot_general3A_946, %add3A_954 : vector<50x512xf32>
    %get3A_956 = arith.index_cast %rem3A_225 : i32 to index
    %get3A_957 = arith.constant 0 : index
    %get3A_958 = arith.constant 0 : index
    %get3A_959 = vector.load %arg18[%get3A_956, %get3A_957, %get3A_958] : memref<8x1x512xf32, #tpu.memory_space<vmem>>, vector<1x1x512xf32>
    %get3A_960 = vector.shape_cast %get3A_959 : vector<1x1x512xf32> to vector<1x512xf32>
    %add3A_961 = vector.broadcast %get3A_960 : vector<1x512xf32> to vector<50x512xf32>
    %add3A_962 = arith.addf %add3A_955, %add3A_961 : vector<50x512xf32>
    %exp3A_963 = math.exp %add3A_962 : vector<50x512xf32>
    %convert_element_type3A_964 = arith.truncf %exp3A_963 : vector<50x512xf32> to vector<50x512xbf16>
    %swap3A_965 = arith.constant 17 : index
    %swap3A_966 = arith.constant 0 : index
    %swap3A_967 = arith.constant 0 : index
    %swap3A_968 = vector.load %arg15[%swap3A_965, %swap3A_966, %swap3A_967] : memref<32x50x512xbf16, #tpu.memory_space<vmem>>, vector<1x50x512xbf16>
    %swap3A_969 = vector.shape_cast %swap3A_968 : vector<1x50x512xbf16> to vector<50x512xbf16>
    %swap3A_970 = vector.shape_cast %convert_element_type3A_964 : vector<50x512xbf16> to vector<1x50x512xbf16>
    tpu.vector_store %arg15[%swap3A_965, %swap3A_966, %swap3A_967], %swap3A_970 {strides = array<i32>} : memref<32x50x512xbf16, #tpu.memory_space<vmem>>, vector<1x50x512xbf16>,
    %get3A_971 = arith.constant 18 : index
    %get3A_972 = arith.constant 0 : index
    %get3A_973 = vector.load %arg2[%get3A_971, %get3A_972] : memref<32x64xf32, #tpu.memory_space<vmem>>, vector<1x64xf32>
    %convert_element_type3A_974 = arith.truncf %get3A_973 : vector<1x64xf32> to vector<1x64xbf16>
    %get3A_975 = arith.constant 18 : index
    %get3A_976 = arith.constant 0 : index
    %get3A_977 = arith.constant 0 : index
    %get3A_978 = vector.load %arg3[%get3A_975, %get3A_976, %get3A_977] : memref<32x50x128xbf16, #tpu.memory_space<vmem>>, vector<1x50x128xbf16>
    %get3A_979 = vector.shape_cast %get3A_978 : vector<1x50x128xbf16> to vector<50x128xbf16>
    %get3A_980 = arith.index_cast %rem3A_227 : i32 to index
    %get3A_981 = arith.constant 0 : index
    %get3A_982 = arith.constant 0 : index
    %get3A_983 = vector.load %arg16[%get3A_980, %get3A_981, %get3A_982] : memref<8x128x512xbf16, #tpu.memory_space<vmem>>, vector<1x128x512xbf16>
    %get3A_984 = vector.shape_cast %get3A_983 : vector<1x128x512xbf16> to vector<128x512xbf16>
    %dot_general3A_985 = arith.constant dense<0.000000e+00> : vector<50x512xf32>
    %dot_general3A_986 = tpu.matmul %get3A_979, %get3A_984, %dot_general3A_985 {dimension_numbers = #tpu.dot_dimension_numbers<[1], [0], [0], [1], [0, 0, 1, 1], [], []>, transpose_lhs_hint = false} : vector<50x128xbf16>, vector<128x512xbf16>, vector<50x512xf32> -> vector<50x512xf32>
    %get3A_987 = arith.index_cast %rem3A_227 : i32 to index
    %get3A_988 = arith.constant 0 : index
    %get3A_989 = arith.constant 0 : index
    %get3A_990 = vector.load %arg17[%get3A_987, %get3A_988, %get3A_989] : memref<8x64x512xbf16, #tpu.memory_space<vmem>>, vector<1x64x512xbf16>
    %get3A_991 = vector.shape_cast %get3A_990 : vector<1x64x512xbf16> to vector<64x512xbf16>
    %dot_general3A_992 = arith.constant dense<0.000000e+00> : vector<1x512xf32>
    %dot_general3A_993 = tpu.matmul %convert_element_type3A_974, %get3A_991, %dot_general3A_992 {dimension_numbers = #tpu.dot_dimension_numbers<[1], [0], [0], [1], [0, 0, 1, 1], [], []>, transpose_lhs_hint = false} : vector<1x64xbf16>, vector<64x512xbf16>, vector<1x512xf32> -> vector<1x512xf32>
    %add3A_994 = vector.broadcast %dot_general3A_993 : vector<1x512xf32> to vector<50x512xf32>
    %add3A_995 = arith.addf %dot_general3A_986, %add3A_994 : vector<50x512xf32>
    %get3A_996 = arith.index_cast %rem3A_227 : i32 to index
    %get3A_997 = arith.constant 0 : index
    %get3A_998 = arith.constant 0 : index
    %get3A_999 = vector.load %arg18[%get3A_996, %get3A_997, %get3A_998] : memref<8x1x512xf32, #tpu.memory_space<vmem>>, vector<1x1x512xf32>
    %get3A_1000 = vector.shape_cast %get3A_999 : vector<1x1x512xf32> to vector<1x512xf32>
    %add3A_1001 = vector.broadcast %get3A_1000 : vector<1x512xf32> to vector<50x512xf32>
    %add3A_1002 = arith.addf %add3A_995, %add3A_1001 : vector<50x512xf32>
    %exp3A_1003 = math.exp %add3A_1002 : vector<50x512xf32>
    %convert_element_type3A_1004 = arith.truncf %exp3A_1003 : vector<50x512xf32> to vector<50x512xbf16>
    %swap3A_1005 = arith.constant 18 : index
    %swap3A_1006 = arith.constant 0 : index
    %swap3A_1007 = arith.constant 0 : index
    %swap3A_1008 = vector.load %arg15[%swap3A_1005, %swap3A_1006, %swap3A_1007] : memref<32x50x512xbf16, #tpu.memory_space<vmem>>, vector<1x50x512xbf16>
    %swap3A_1009 = vector.shape_cast %swap3A_1008 : vector<1x50x512xbf16> to vector<50x512xbf16>
    %swap3A_1010 = vector.shape_cast %convert_element_type3A_1004 : vector<50x512xbf16> to vector<1x50x512xbf16>
    tpu.vector_store %arg15[%swap3A_1005, %swap3A_1006, %swap3A_1007], %swap3A_1010 {strides = array<i32>} : memref<32x50x512xbf16, #tpu.memory_space<vmem>>, vector<1x50x512xbf16>,
    %get3A_1011 = arith.constant 19 : index
    %get3A_1012 = arith.constant 0 : index
    %get3A_1013 = vector.load %arg2[%get3A_1011, %get3A_1012] : memref<32x64xf32, #tpu.memory_space<vmem>>, vector<1x64xf32>
    %convert_element_type3A_1014 = arith.truncf %get3A_1013 : vector<1x64xf32> to vector<1x64xbf16>
    %get3A_1015 = arith.constant 19 : index
    %get3A_1016 = arith.constant 0 : index
    %get3A_1017 = arith.constant 0 : index
    %get3A_1018 = vector.load %arg3[%get3A_1015, %get3A_1016, %get3A_1017] : memref<32x50x128xbf16, #tpu.memory_space<vmem>>, vector<1x50x128xbf16>
    %get3A_1019 = vector.shape_cast %get3A_1018 : vector<1x50x128xbf16> to vector<50x128xbf16>
    %get3A_1020 = arith.index_cast %rem3A_229 : i32 to index
    %get3A_1021 = arith.constant 0 : index
    %get3A_1022 = arith.constant 0 : index
    %get3A_1023 = vector.load %arg16[%get3A_1020, %get3A_1021, %get3A_1022] : memref<8x128x512xbf16, #tpu.memory_space<vmem>>, vector<1x128x512xbf16>
    %get3A_1024 = vector.shape_cast %get3A_1023 : vector<1x128x512xbf16> to vector<128x512xbf16>
    %dot_general3A_1025 = arith.constant dense<0.000000e+00> : vector<50x512xf32>
    %dot_general3A_1026 = tpu.matmul %get3A_1019, %get3A_1024, %dot_general3A_1025 {dimension_numbers = #tpu.dot_dimension_numbers<[1], [0], [0], [1], [0, 0, 1, 1], [], []>, transpose_lhs_hint = false} : vector<50x128xbf16>, vector<128x512xbf16>, vector<50x512xf32> -> vector<50x512xf32>
    %get3A_1027 = arith.index_cast %rem3A_229 : i32 to index
    %get3A_1028 = arith.constant 0 : index
    %get3A_1029 = arith.constant 0 : index
    %get3A_1030 = vector.load %arg17[%get3A_1027, %get3A_1028, %get3A_1029] : memref<8x64x512xbf16, #tpu.memory_space<vmem>>, vector<1x64x512xbf16>
    %get3A_1031 = vector.shape_cast %get3A_1030 : vector<1x64x512xbf16> to vector<64x512xbf16>
    %dot_general3A_1032 = arith.constant dense<0.000000e+00> : vector<1x512xf32>
    %dot_general3A_1033 = tpu.matmul %convert_element_type3A_1014, %get3A_1031, %dot_general3A_1032 {dimension_numbers = #tpu.dot_dimension_numbers<[1], [0], [0], [1], [0, 0, 1, 1], [], []>, transpose_lhs_hint = false} : vector<1x64xbf16>, vector<64x512xbf16>, vector<1x512xf32> -> vector<1x512xf32>
    %add3A_1034 = vector.broadcast %dot_general3A_1033 : vector<1x512xf32> to vector<50x512xf32>
    %add3A_1035 = arith.addf %dot_general3A_1026, %add3A_1034 : vector<50x512xf32>
    %get3A_1036 = arith.index_cast %rem3A_229 : i32 to index
    %get3A_1037 = arith.constant 0 : index
    %get3A_1038 = arith.constant 0 : index
    %get3A_1039 = vector.load %arg18[%get3A_1036, %get3A_1037, %get3A_1038] : memref<8x1x512xf32, #tpu.memory_space<vmem>>, vector<1x1x512xf32>
    %get3A_1040 = vector.shape_cast %get3A_1039 : vector<1x1x512xf32> to vector<1x512xf32>
    %add3A_1041 = vector.broadcast %get3A_1040 : vector<1x512xf32> to vector<50x512xf32>
    %add3A_1042 = arith.addf %add3A_1035, %add3A_1041 : vector<50x512xf32>
    %exp3A_1043 = math.exp %add3A_1042 : vector<50x512xf32>
    %convert_element_type3A_1044 = arith.truncf %exp3A_1043 : vector<50x512xf32> to vector<50x512xbf16>
    %swap3A_1045 = arith.constant 19 : index
    %swap3A_1046 = arith.constant 0 : index
    %swap3A_1047 = arith.constant 0 : index
    %swap3A_1048 = vector.load %arg15[%swap3A_1045, %swap3A_1046, %swap3A_1047] : memref<32x50x512xbf16, #tpu.memory_space<vmem>>, vector<1x50x512xbf16>
    %swap3A_1049 = vector.shape_cast %swap3A_1048 : vector<1x50x512xbf16> to vector<50x512xbf16>
    %swap3A_1050 = vector.shape_cast %convert_element_type3A_1044 : vector<50x512xbf16> to vector<1x50x512xbf16>
    tpu.vector_store %arg15[%swap3A_1045, %swap3A_1046, %swap3A_1047], %swap3A_1050 {strides = array<i32>} : memref<32x50x512xbf16, #tpu.memory_space<vmem>>, vector<1x50x512xbf16>,
    %get3A_1051 = arith.constant 20 : index
    %get3A_1052 = arith.constant 0 : index
    %get3A_1053 = vector.load %arg2[%get3A_1051, %get3A_1052] : memref<32x64xf32, #tpu.memory_space<vmem>>, vector<1x64xf32>
    %convert_element_type3A_1054 = arith.truncf %get3A_1053 : vector<1x64xf32> to vector<1x64xbf16>
    %get3A_1055 = arith.constant 20 : index
    %get3A_1056 = arith.constant 0 : index
    %get3A_1057 = arith.constant 0 : index
    %get3A_1058 = vector.load %arg3[%get3A_1055, %get3A_1056, %get3A_1057] : memref<32x50x128xbf16, #tpu.memory_space<vmem>>, vector<1x50x128xbf16>
    %get3A_1059 = vector.shape_cast %get3A_1058 : vector<1x50x128xbf16> to vector<50x128xbf16>
    %get3A_1060 = arith.index_cast %rem3A_231 : i32 to index
    %get3A_1061 = arith.constant 0 : index
    %get3A_1062 = arith.constant 0 : index
    %get3A_1063 = vector.load %arg16[%get3A_1060, %get3A_1061, %get3A_1062] : memref<8x128x512xbf16, #tpu.memory_space<vmem>>, vector<1x128x512xbf16>
    %get3A_1064 = vector.shape_cast %get3A_1063 : vector<1x128x512xbf16> to vector<128x512xbf16>
    %dot_general3A_1065 = arith.constant dense<0.000000e+00> : vector<50x512xf32>
    %dot_general3A_1066 = tpu.matmul %get3A_1059, %get3A_1064, %dot_general3A_1065 {dimension_numbers = #tpu.dot_dimension_numbers<[1], [0], [0], [1], [0, 0, 1, 1], [], []>, transpose_lhs_hint = false} : vector<50x128xbf16>, vector<128x512xbf16>, vector<50x512xf32> -> vector<50x512xf32>
    %get3A_1067 = arith.index_cast %rem3A_231 : i32 to index
    %get3A_1068 = arith.constant 0 : index
    %get3A_1069 = arith.constant 0 : index
    %get3A_1070 = vector.load %arg17[%get3A_1067, %get3A_1068, %get3A_1069] : memref<8x64x512xbf16, #tpu.memory_space<vmem>>, vector<1x64x512xbf16>
    %get3A_1071 = vector.shape_cast %get3A_1070 : vector<1x64x512xbf16> to vector<64x512xbf16>
    %dot_general3A_1072 = arith.constant dense<0.000000e+00> : vector<1x512xf32>
    %dot_general3A_1073 = tpu.matmul %convert_element_type3A_1054, %get3A_1071, %dot_general3A_1072 {dimension_numbers = #tpu.dot_dimension_numbers<[1], [0], [0], [1], [0, 0, 1, 1], [], []>, transpose_lhs_hint = false} : vector<1x64xbf16>, vector<64x512xbf16>, vector<1x512xf32> -> vector<1x512xf32>
    %add3A_1074 = vector.broadcast %dot_general3A_1073 : vector<1x512xf32> to vector<50x512xf32>
    %add3A_1075 = arith.addf %dot_general3A_1066, %add3A_1074 : vector<50x512xf32>
    %get3A_1076 = arith.index_cast %rem3A_231 : i32 to index
    %get3A_1077 = arith.constant 0 : index
    %get3A_1078 = arith.constant 0 : index
    %get3A_1079 = vector.load %arg18[%get3A_1076, %get3A_1077, %get3A_1078] : memref<8x1x512xf32, #tpu.memory_space<vmem>>, vector<1x1x512xf32>
    %get3A_1080 = vector.shape_cast %get3A_1079 : vector<1x1x512xf32> to vector<1x512xf32>
    %add3A_1081 = vector.broadcast %get3A_1080 : vector<1x512xf32> to vector<50x512xf32>
    %add3A_1082 = arith.addf %add3A_1075, %add3A_1081 : vector<50x512xf32>
    %exp3A_1083 = math.exp %add3A_1082 : vector<50x512xf32>
    %convert_element_type3A_1084 = arith.truncf %exp3A_1083 : vector<50x512xf32> to vector<50x512xbf16>
    %swap3A_1085 = arith.constant 20 : index
    %swap3A_1086 = arith.constant 0 : index
    %swap3A_1087 = arith.constant 0 : index
    %swap3A_1088 = vector.load %arg15[%swap3A_1085, %swap3A_1086, %swap3A_1087] : memref<32x50x512xbf16, #tpu.memory_space<vmem>>, vector<1x50x512xbf16>
    %swap3A_1089 = vector.shape_cast %swap3A_1088 : vector<1x50x512xbf16> to vector<50x512xbf16>
    %swap3A_1090 = vector.shape_cast %convert_element_type3A_1084 : vector<50x512xbf16> to vector<1x50x512xbf16>
    tpu.vector_store %arg15[%swap3A_1085, %swap3A_1086, %swap3A_1087], %swap3A_1090 {strides = array<i32>} : memref<32x50x512xbf16, #tpu.memory_space<vmem>>, vector<1x50x512xbf16>,
    %get3A_1091 = arith.constant 21 : index
    %get3A_1092 = arith.constant 0 : index
    %get3A_1093 = vector.load %arg2[%get3A_1091, %get3A_1092] : memref<32x64xf32, #tpu.memory_space<vmem>>, vector<1x64xf32>
    %convert_element_type3A_1094 = arith.truncf %get3A_1093 : vector<1x64xf32> to vector<1x64xbf16>
    %get3A_1095 = arith.constant 21 : index
    %get3A_1096 = arith.constant 0 : index
    %get3A_1097 = arith.constant 0 : index
    %get3A_1098 = vector.load %arg3[%get3A_1095, %get3A_1096, %get3A_1097] : memref<32x50x128xbf16, #tpu.memory_space<vmem>>, vector<1x50x128xbf16>
    %get3A_1099 = vector.shape_cast %get3A_1098 : vector<1x50x128xbf16> to vector<50x128xbf16>
    %get3A_1100 = arith.index_cast %rem3A_233 : i32 to index
    %get3A_1101 = arith.constant 0 : index
    %get3A_1102 = arith.constant 0 : index
    %get3A_1103 = vector.load %arg16[%get3A_1100, %get3A_1101, %get3A_1102] : memref<8x128x512xbf16, #tpu.memory_space<vmem>>, vector<1x128x512xbf16>
    %get3A_1104 = vector.shape_cast %get3A_1103 : vector<1x128x512xbf16> to vector<128x512xbf16>
    %dot_general3A_1105 = arith.constant dense<0.000000e+00> : vector<50x512xf32>
    %dot_general3A_1106 = tpu.matmul %get3A_1099, %get3A_1104, %dot_general3A_1105 {dimension_numbers = #tpu.dot_dimension_numbers<[1], [0], [0], [1], [0, 0, 1, 1], [], []>, transpose_lhs_hint = false} : vector<50x128xbf16>, vector<128x512xbf16>, vector<50x512xf32> -> vector<50x512xf32>
    %get3A_1107 = arith.index_cast %rem3A_233 : i32 to index
    %get3A_1108 = arith.constant 0 : index
    %get3A_1109 = arith.constant 0 : index
    %get3A_1110 = vector.load %arg17[%get3A_1107, %get3A_1108, %get3A_1109] : memref<8x64x512xbf16, #tpu.memory_space<vmem>>, vector<1x64x512xbf16>
    %get3A_1111 = vector.shape_cast %get3A_1110 : vector<1x64x512xbf16> to vector<64x512xbf16>
    %dot_general3A_1112 = arith.constant dense<0.000000e+00> : vector<1x512xf32>
    %dot_general3A_1113 = tpu.matmul %convert_element_type3A_1094, %get3A_1111, %dot_general3A_1112 {dimension_numbers = #tpu.dot_dimension_numbers<[1], [0], [0], [1], [0, 0, 1, 1], [], []>, transpose_lhs_hint = false} : vector<1x64xbf16>, vector<64x512xbf16>, vector<1x512xf32> -> vector<1x512xf32>
    %add3A_1114 = vector.broadcast %dot_general3A_1113 : vector<1x512xf32> to vector<50x512xf32>
    %add3A_1115 = arith.addf %dot_general3A_1106, %add3A_1114 : vector<50x512xf32>
    %get3A_1116 = arith.index_cast %rem3A_233 : i32 to index
    %get3A_1117 = arith.constant 0 : index
    %get3A_1118 = arith.constant 0 : index
    %get3A_1119 = vector.load %arg18[%get3A_1116, %get3A_1117, %get3A_1118] : memref<8x1x512xf32, #tpu.memory_space<vmem>>, vector<1x1x512xf32>
    %get3A_1120 = vector.shape_cast %get3A_1119 : vector<1x1x512xf32> to vector<1x512xf32>
    %add3A_1121 = vector.broadcast %get3A_1120 : vector<1x512xf32> to vector<50x512xf32>
    %add3A_1122 = arith.addf %add3A_1115, %add3A_1121 : vector<50x512xf32>
    %exp3A_1123 = math.exp %add3A_1122 : vector<50x512xf32>
    %convert_element_type3A_1124 = arith.truncf %exp3A_1123 : vector<50x512xf32> to vector<50x512xbf16>
    %swap3A_1125 = arith.constant 21 : index
    %swap3A_1126 = arith.constant 0 : index
    %swap3A_1127 = arith.constant 0 : index
    %swap3A_1128 = vector.load %arg15[%swap3A_1125, %swap3A_1126, %swap3A_1127] : memref<32x50x512xbf16, #tpu.memory_space<vmem>>, vector<1x50x512xbf16>
    %swap3A_1129 = vector.shape_cast %swap3A_1128 : vector<1x50x512xbf16> to vector<50x512xbf16>
    %swap3A_1130 = vector.shape_cast %convert_element_type3A_1124 : vector<50x512xbf16> to vector<1x50x512xbf16>
    tpu.vector_store %arg15[%swap3A_1125, %swap3A_1126, %swap3A_1127], %swap3A_1130 {strides = array<i32>} : memref<32x50x512xbf16, #tpu.memory_space<vmem>>, vector<1x50x512xbf16>,
    %get3A_1131 = arith.constant 22 : index
    %get3A_1132 = arith.constant 0 : index
    %get3A_1133 = vector.load %arg2[%get3A_1131, %get3A_1132] : memref<32x64xf32, #tpu.memory_space<vmem>>, vector<1x64xf32>
    %convert_element_type3A_1134 = arith.truncf %get3A_1133 : vector<1x64xf32> to vector<1x64xbf16>
    %get3A_1135 = arith.constant 22 : index
    %get3A_1136 = arith.constant 0 : index
    %get3A_1137 = arith.constant 0 : index
    %get3A_1138 = vector.load %arg3[%get3A_1135, %get3A_1136, %get3A_1137] : memref<32x50x128xbf16, #tpu.memory_space<vmem>>, vector<1x50x128xbf16>
    %get3A_1139 = vector.shape_cast %get3A_1138 : vector<1x50x128xbf16> to vector<50x128xbf16>
    %get3A_1140 = arith.index_cast %rem3A_235 : i32 to index
    %get3A_1141 = arith.constant 0 : index
    %get3A_1142 = arith.constant 0 : index
    %get3A_1143 = vector.load %arg16[%get3A_1140, %get3A_1141, %get3A_1142] : memref<8x128x512xbf16, #tpu.memory_space<vmem>>, vector<1x128x512xbf16>
    %get3A_1144 = vector.shape_cast %get3A_1143 : vector<1x128x512xbf16> to vector<128x512xbf16>
    %dot_general3A_1145 = arith.constant dense<0.000000e+00> : vector<50x512xf32>
    %dot_general3A_1146 = tpu.matmul %get3A_1139, %get3A_1144, %dot_general3A_1145 {dimension_numbers = #tpu.dot_dimension_numbers<[1], [0], [0], [1], [0, 0, 1, 1], [], []>, transpose_lhs_hint = false} : vector<50x128xbf16>, vector<128x512xbf16>, vector<50x512xf32> -> vector<50x512xf32>
    %get3A_1147 = arith.index_cast %rem3A_235 : i32 to index
    %get3A_1148 = arith.constant 0 : index
    %get3A_1149 = arith.constant 0 : index
    %get3A_1150 = vector.load %arg17[%get3A_1147, %get3A_1148, %get3A_1149] : memref<8x64x512xbf16, #tpu.memory_space<vmem>>, vector<1x64x512xbf16>
    %get3A_1151 = vector.shape_cast %get3A_1150 : vector<1x64x512xbf16> to vector<64x512xbf16>
    %dot_general3A_1152 = arith.constant dense<0.000000e+00> : vector<1x512xf32>
    %dot_general3A_1153 = tpu.matmul %convert_element_type3A_1134, %get3A_1151, %dot_general3A_1152 {dimension_numbers = #tpu.dot_dimension_numbers<[1], [0], [0], [1], [0, 0, 1, 1], [], []>, transpose_lhs_hint = false} : vector<1x64xbf16>, vector<64x512xbf16>, vector<1x512xf32> -> vector<1x512xf32>
    %add3A_1154 = vector.broadcast %dot_general3A_1153 : vector<1x512xf32> to vector<50x512xf32>
    %add3A_1155 = arith.addf %dot_general3A_1146, %add3A_1154 : vector<50x512xf32>
    %get3A_1156 = arith.index_cast %rem3A_235 : i32 to index
    %get3A_1157 = arith.constant 0 : index
    %get3A_1158 = arith.constant 0 : index
    %get3A_1159 = vector.load %arg18[%get3A_1156, %get3A_1157, %get3A_1158] : memref<8x1x512xf32, #tpu.memory_space<vmem>>, vector<1x1x512xf32>
    %get3A_1160 = vector.shape_cast %get3A_1159 : vector<1x1x512xf32> to vector<1x512xf32>
    %add3A_1161 = vector.broadcast %get3A_1160 : vector<1x512xf32> to vector<50x512xf32>
    %add3A_1162 = arith.addf %add3A_1155, %add3A_1161 : vector<50x512xf32>
    %exp3A_1163 = math.exp %add3A_1162 : vector<50x512xf32>
    %convert_element_type3A_1164 = arith.truncf %exp3A_1163 : vector<50x512xf32> to vector<50x512xbf16>
    %swap3A_1165 = arith.constant 22 : index
    %swap3A_1166 = arith.constant 0 : index
    %swap3A_1167 = arith.constant 0 : index
    %swap3A_1168 = vector.load %arg15[%swap3A_1165, %swap3A_1166, %swap3A_1167] : memref<32x50x512xbf16, #tpu.memory_space<vmem>>, vector<1x50x512xbf16>
    %swap3A_1169 = vector.shape_cast %swap3A_1168 : vector<1x50x512xbf16> to vector<50x512xbf16>
    %swap3A_1170 = vector.shape_cast %convert_element_type3A_1164 : vector<50x512xbf16> to vector<1x50x512xbf16>
    tpu.vector_store %arg15[%swap3A_1165, %swap3A_1166, %swap3A_1167], %swap3A_1170 {strides = array<i32>} : memref<32x50x512xbf16, #tpu.memory_space<vmem>>, vector<1x50x512xbf16>,
    %get3A_1171 = arith.constant 23 : index
    %get3A_1172 = arith.constant 0 : index
    %get3A_1173 = vector.load %arg2[%get3A_1171, %get3A_1172] : memref<32x64xf32, #tpu.memory_space<vmem>>, vector<1x64xf32>
    %convert_element_type3A_1174 = arith.truncf %get3A_1173 : vector<1x64xf32> to vector<1x64xbf16>
    %get3A_1175 = arith.constant 23 : index
    %get3A_1176 = arith.constant 0 : index
    %get3A_1177 = arith.constant 0 : index
    %get3A_1178 = vector.load %arg3[%get3A_1175, %get3A_1176, %get3A_1177] : memref<32x50x128xbf16, #tpu.memory_space<vmem>>, vector<1x50x128xbf16>
    %get3A_1179 = vector.shape_cast %get3A_1178 : vector<1x50x128xbf16> to vector<50x128xbf16>
    %get3A_1180 = arith.index_cast %rem3A_237 : i32 to index
    %get3A_1181 = arith.constant 0 : index
    %get3A_1182 = arith.constant 0 : index
    %get3A_1183 = vector.load %arg16[%get3A_1180, %get3A_1181, %get3A_1182] : memref<8x128x512xbf16, #tpu.memory_space<vmem>>, vector<1x128x512xbf16>
    %get3A_1184 = vector.shape_cast %get3A_1183 : vector<1x128x512xbf16> to vector<128x512xbf16>
    %dot_general3A_1185 = arith.constant dense<0.000000e+00> : vector<50x512xf32>
    %dot_general3A_1186 = tpu.matmul %get3A_1179, %get3A_1184, %dot_general3A_1185 {dimension_numbers = #tpu.dot_dimension_numbers<[1], [0], [0], [1], [0, 0, 1, 1], [], []>, transpose_lhs_hint = false} : vector<50x128xbf16>, vector<128x512xbf16>, vector<50x512xf32> -> vector<50x512xf32>
    %get3A_1187 = arith.index_cast %rem3A_237 : i32 to index
    %get3A_1188 = arith.constant 0 : index
    %get3A_1189 = arith.constant 0 : index
    %get3A_1190 = vector.load %arg17[%get3A_1187, %get3A_1188, %get3A_1189] : memref<8x64x512xbf16, #tpu.memory_space<vmem>>, vector<1x64x512xbf16>
    %get3A_1191 = vector.shape_cast %get3A_1190 : vector<1x64x512xbf16> to vector<64x512xbf16>
    %dot_general3A_1192 = arith.constant dense<0.000000e+00> : vector<1x512xf32>
    %dot_general3A_1193 = tpu.matmul %convert_element_type3A_1174, %get3A_1191, %dot_general3A_1192 {dimension_numbers = #tpu.dot_dimension_numbers<[1], [0], [0], [1], [0, 0, 1, 1], [], []>, transpose_lhs_hint = false} : vector<1x64xbf16>, vector<64x512xbf16>, vector<1x512xf32> -> vector<1x512xf32>
    %add3A_1194 = vector.broadcast %dot_general3A_1193 : vector<1x512xf32> to vector<50x512xf32>
    %add3A_1195 = arith.addf %dot_general3A_1186, %add3A_1194 : vector<50x512xf32>
    %get3A_1196 = arith.index_cast %rem3A_237 : i32 to index
    %get3A_1197 = arith.constant 0 : index
    %get3A_1198 = arith.constant 0 : index
    %get3A_1199 = vector.load %arg18[%get3A_1196, %get3A_1197, %get3A_1198] : memref<8x1x512xf32, #tpu.memory_space<vmem>>, vector<1x1x512xf32>
    %get3A_1200 = vector.shape_cast %get3A_1199 : vector<1x1x512xf32> to vector<1x512xf32>
    %add3A_1201 = vector.broadcast %get3A_1200 : vector<1x512xf32> to vector<50x512xf32>
    %add3A_1202 = arith.addf %add3A_1195, %add3A_1201 : vector<50x512xf32>
    %exp3A_1203 = math.exp %add3A_1202 : vector<50x512xf32>
    %convert_element_type3A_1204 = arith.truncf %exp3A_1203 : vector<50x512xf32> to vector<50x512xbf16>
    %swap3A_1205 = arith.constant 23 : index
    %swap3A_1206 = arith.constant 0 : index
    %swap3A_1207 = arith.constant 0 : index
    %swap3A_1208 = vector.load %arg15[%swap3A_1205, %swap3A_1206, %swap3A_1207] : memref<32x50x512xbf16, #tpu.memory_space<vmem>>, vector<1x50x512xbf16>
    %swap3A_1209 = vector.shape_cast %swap3A_1208 : vector<1x50x512xbf16> to vector<50x512xbf16>
    %swap3A_1210 = vector.shape_cast %convert_element_type3A_1204 : vector<50x512xbf16> to vector<1x50x512xbf16>
    tpu.vector_store %arg15[%swap3A_1205, %swap3A_1206, %swap3A_1207], %swap3A_1210 {strides = array<i32>} : memref<32x50x512xbf16, #tpu.memory_space<vmem>>, vector<1x50x512xbf16>,
    %get3A_1211 = arith.constant 24 : index
    %get3A_1212 = arith.constant 0 : index
    %get3A_1213 = vector.load %arg2[%get3A_1211, %get3A_1212] : memref<32x64xf32, #tpu.memory_space<vmem>>, vector<1x64xf32>
    %convert_element_type3A_1214 = arith.truncf %get3A_1213 : vector<1x64xf32> to vector<1x64xbf16>
    %get3A_1215 = arith.constant 24 : index
    %get3A_1216 = arith.constant 0 : index
    %get3A_1217 = arith.constant 0 : index
    %get3A_1218 = vector.load %arg3[%get3A_1215, %get3A_1216, %get3A_1217] : memref<32x50x128xbf16, #tpu.memory_space<vmem>>, vector<1x50x128xbf16>
    %get3A_1219 = vector.shape_cast %get3A_1218 : vector<1x50x128xbf16> to vector<50x128xbf16>
    %get3A_1220 = arith.index_cast %rem3A_239 : i32 to index
    %get3A_1221 = arith.constant 0 : index
    %get3A_1222 = arith.constant 0 : index
    %get3A_1223 = vector.load %arg16[%get3A_1220, %get3A_1221, %get3A_1222] : memref<8x128x512xbf16, #tpu.memory_space<vmem>>, vector<1x128x512xbf16>
    %get3A_1224 = vector.shape_cast %get3A_1223 : vector<1x128x512xbf16> to vector<128x512xbf16>
    %dot_general3A_1225 = arith.constant dense<0.000000e+00> : vector<50x512xf32>
    %dot_general3A_1226 = tpu.matmul %get3A_1219, %get3A_1224, %dot_general3A_1225 {dimension_numbers = #tpu.dot_dimension_numbers<[1], [0], [0], [1], [0, 0, 1, 1], [], []>, transpose_lhs_hint = false} : vector<50x128xbf16>, vector<128x512xbf16>, vector<50x512xf32> -> vector<50x512xf32>
    %get3A_1227 = arith.index_cast %rem3A_239 : i32 to index
    %get3A_1228 = arith.constant 0 : index
    %get3A_1229 = arith.constant 0 : index
    %get3A_1230 = vector.load %arg17[%get3A_1227, %get3A_1228, %get3A_1229] : memref<8x64x512xbf16, #tpu.memory_space<vmem>>, vector<1x64x512xbf16>
    %get3A_1231 = vector.shape_cast %get3A_1230 : vector<1x64x512xbf16> to vector<64x512xbf16>
    %dot_general3A_1232 = arith.constant dense<0.000000e+00> : vector<1x512xf32>
    %dot_general3A_1233 = tpu.matmul %convert_element_type3A_1214, %get3A_1231, %dot_general3A_1232 {dimension_numbers = #tpu.dot_dimension_numbers<[1], [0], [0], [1], [0, 0, 1, 1], [], []>, transpose_lhs_hint = false} : vector<1x64xbf16>, vector<64x512xbf16>, vector<1x512xf32> -> vector<1x512xf32>
    %add3A_1234 = vector.broadcast %dot_general3A_1233 : vector<1x512xf32> to vector<50x512xf32>
    %add3A_1235 = arith.addf %dot_general3A_1226, %add3A_1234 : vector<50x512xf32>
    %get3A_1236 = arith.index_cast %rem3A_239 : i32 to index
    %get3A_1237 = arith.constant 0 : index
    %get3A_1238 = arith.constant 0 : index
    %get3A_1239 = vector.load %arg18[%get3A_1236, %get3A_1237, %get3A_1238] : memref<8x1x512xf32, #tpu.memory_space<vmem>>, vector<1x1x512xf32>
    %get3A_1240 = vector.shape_cast %get3A_1239 : vector<1x1x512xf32> to vector<1x512xf32>
    %add3A_1241 = vector.broadcast %get3A_1240 : vector<1x512xf32> to vector<50x512xf32>
    %add3A_1242 = arith.addf %add3A_1235, %add3A_1241 : vector<50x512xf32>
    %exp3A_1243 = math.exp %add3A_1242 : vector<50x512xf32>
    %convert_element_type3A_1244 = arith.truncf %exp3A_1243 : vector<50x512xf32> to vector<50x512xbf16>
    %swap3A_1245 = arith.constant 24 : index
    %swap3A_1246 = arith.constant 0 : index
    %swap3A_1247 = arith.constant 0 : index
    %swap3A_1248 = vector.load %arg15[%swap3A_1245, %swap3A_1246, %swap3A_1247] : memref<32x50x512xbf16, #tpu.memory_space<vmem>>, vector<1x50x512xbf16>
    %swap3A_1249 = vector.shape_cast %swap3A_1248 : vector<1x50x512xbf16> to vector<50x512xbf16>
    %swap3A_1250 = vector.shape_cast %convert_element_type3A_1244 : vector<50x512xbf16> to vector<1x50x512xbf16>
    tpu.vector_store %arg15[%swap3A_1245, %swap3A_1246, %swap3A_1247], %swap3A_1250 {strides = array<i32>} : memref<32x50x512xbf16, #tpu.memory_space<vmem>>, vector<1x50x512xbf16>,
    %get3A_1251 = arith.constant 25 : index
    %get3A_1252 = arith.constant 0 : index
    %get3A_1253 = vector.load %arg2[%get3A_1251, %get3A_1252] : memref<32x64xf32, #tpu.memory_space<vmem>>, vector<1x64xf32>
    %convert_element_type3A_1254 = arith.truncf %get3A_1253 : vector<1x64xf32> to vector<1x64xbf16>
    %get3A_1255 = arith.constant 25 : index
    %get3A_1256 = arith.constant 0 : index
    %get3A_1257 = arith.constant 0 : index
    %get3A_1258 = vector.load %arg3[%get3A_1255, %get3A_1256, %get3A_1257] : memref<32x50x128xbf16, #tpu.memory_space<vmem>>, vector<1x50x128xbf16>
    %get3A_1259 = vector.shape_cast %get3A_1258 : vector<1x50x128xbf16> to vector<50x128xbf16>
    %get3A_1260 = arith.index_cast %rem3A_241 : i32 to index
    %get3A_1261 = arith.constant 0 : index
    %get3A_1262 = arith.constant 0 : index
    %get3A_1263 = vector.load %arg16[%get3A_1260, %get3A_1261, %get3A_1262] : memref<8x128x512xbf16, #tpu.memory_space<vmem>>, vector<1x128x512xbf16>
    %get3A_1264 = vector.shape_cast %get3A_1263 : vector<1x128x512xbf16> to vector<128x512xbf16>
    %dot_general3A_1265 = arith.constant dense<0.000000e+00> : vector<50x512xf32>
    %dot_general3A_1266 = tpu.matmul %get3A_1259, %get3A_1264, %dot_general3A_1265 {dimension_numbers = #tpu.dot_dimension_numbers<[1], [0], [0], [1], [0, 0, 1, 1], [], []>, transpose_lhs_hint = false} : vector<50x128xbf16>, vector<128x512xbf16>, vector<50x512xf32> -> vector<50x512xf32>
    %get3A_1267 = arith.index_cast %rem3A_241 : i32 to index
    %get3A_1268 = arith.constant 0 : index
    %get3A_1269 = arith.constant 0 : index
    %get3A_1270 = vector.load %arg17[%get3A_1267, %get3A_1268, %get3A_1269] : memref<8x64x512xbf16, #tpu.memory_space<vmem>>, vector<1x64x512xbf16>
    %get3A_1271 = vector.shape_cast %get3A_1270 : vector<1x64x512xbf16> to vector<64x512xbf16>
    %dot_general3A_1272 = arith.constant dense<0.000000e+00> : vector<1x512xf32>
    %dot_general3A_1273 = tpu.matmul %convert_element_type3A_1254, %get3A_1271, %dot_general3A_1272 {dimension_numbers = #tpu.dot_dimension_numbers<[1], [0], [0], [1], [0, 0, 1, 1], [], []>, transpose_lhs_hint = false} : vector<1x64xbf16>, vector<64x512xbf16>, vector<1x512xf32> -> vector<1x512xf32>
    %add3A_1274 = vector.broadcast %dot_general3A_1273 : vector<1x512xf32> to vector<50x512xf32>
    %add3A_1275 = arith.addf %dot_general3A_1266, %add3A_1274 : vector<50x512xf32>
    %get3A_1276 = arith.index_cast %rem3A_241 : i32 to index
    %get3A_1277 = arith.constant 0 : index
    %get3A_1278 = arith.constant 0 : index
    %get3A_1279 = vector.load %arg18[%get3A_1276, %get3A_1277, %get3A_1278] : memref<8x1x512xf32, #tpu.memory_space<vmem>>, vector<1x1x512xf32>
    %get3A_1280 = vector.shape_cast %get3A_1279 : vector<1x1x512xf32> to vector<1x512xf32>
    %add3A_1281 = vector.broadcast %get3A_1280 : vector<1x512xf32> to vector<50x512xf32>
    %add3A_1282 = arith.addf %add3A_1275, %add3A_1281 : vector<50x512xf32>
    %exp3A_1283 = math.exp %add3A_1282 : vector<50x512xf32>
    %convert_element_type3A_1284 = arith.truncf %exp3A_1283 : vector<50x512xf32> to vector<50x512xbf16>
    %swap3A_1285 = arith.constant 25 : index
    %swap3A_1286 = arith.constant 0 : index
    %swap3A_1287 = arith.constant 0 : index
    %swap3A_1288 = vector.load %arg15[%swap3A_1285, %swap3A_1286, %swap3A_1287] : memref<32x50x512xbf16, #tpu.memory_space<vmem>>, vector<1x50x512xbf16>
    %swap3A_1289 = vector.shape_cast %swap3A_1288 : vector<1x50x512xbf16> to vector<50x512xbf16>
    %swap3A_1290 = vector.shape_cast %convert_element_type3A_1284 : vector<50x512xbf16> to vector<1x50x512xbf16>
    tpu.vector_store %arg15[%swap3A_1285, %swap3A_1286, %swap3A_1287], %swap3A_1290 {strides = array<i32>} : memref<32x50x512xbf16, #tpu.memory_space<vmem>>, vector<1x50x512xbf16>,
    %get3A_1291 = arith.constant 26 : index
    %get3A_1292 = arith.constant 0 : index
    %get3A_1293 = vector.load %arg2[%get3A_1291, %get3A_1292] : memref<32x64xf32, #tpu.memory_space<vmem>>, vector<1x64xf32>
    %convert_element_type3A_1294 = arith.truncf %get3A_1293 : vector<1x64xf32> to vector<1x64xbf16>
    %get3A_1295 = arith.constant 26 : index
    %get3A_1296 = arith.constant 0 : index
    %get3A_1297 = arith.constant 0 : index
    %get3A_1298 = vector.load %arg3[%get3A_1295, %get3A_1296, %get3A_1297] : memref<32x50x128xbf16, #tpu.memory_space<vmem>>, vector<1x50x128xbf16>
    %get3A_1299 = vector.shape_cast %get3A_1298 : vector<1x50x128xbf16> to vector<50x128xbf16>
    %get3A_1300 = arith.index_cast %rem3A_243 : i32 to index
    %get3A_1301 = arith.constant 0 : index
    %get3A_1302 = arith.constant 0 : index
    %get3A_1303 = vector.load %arg16[%get3A_1300, %get3A_1301, %get3A_1302] : memref<8x128x512xbf16, #tpu.memory_space<vmem>>, vector<1x128x512xbf16>
    %get3A_1304 = vector.shape_cast %get3A_1303 : vector<1x128x512xbf16> to vector<128x512xbf16>
    %dot_general3A_1305 = arith.constant dense<0.000000e+00> : vector<50x512xf32>
    %dot_general3A_1306 = tpu.matmul %get3A_1299, %get3A_1304, %dot_general3A_1305 {dimension_numbers = #tpu.dot_dimension_numbers<[1], [0], [0], [1], [0, 0, 1, 1], [], []>, transpose_lhs_hint = false} : vector<50x128xbf16>, vector<128x512xbf16>, vector<50x512xf32> -> vector<50x512xf32>
    %get3A_1307 = arith.index_cast %rem3A_243 : i32 to index
    %get3A_1308 = arith.constant 0 : index
    %get3A_1309 = arith.constant 0 : index
    %get3A_1310 = vector.load %arg17[%get3A_1307, %get3A_1308, %get3A_1309] : memref<8x64x512xbf16, #tpu.memory_space<vmem>>, vector<1x64x512xbf16>
    %get3A_1311 = vector.shape_cast %get3A_1310 : vector<1x64x512xbf16> to vector<64x512xbf16>
    %dot_general3A_1312 = arith.constant dense<0.000000e+00> : vector<1x512xf32>
    %dot_general3A_1313 = tpu.matmul %convert_element_type3A_1294, %get3A_1311, %dot_general3A_1312 {dimension_numbers = #tpu.dot_dimension_numbers<[1], [0], [0], [1], [0, 0, 1, 1], [], []>, transpose_lhs_hint = false} : vector<1x64xbf16>, vector<64x512xbf16>, vector<1x512xf32> -> vector<1x512xf32>
    %add3A_1314 = vector.broadcast %dot_general3A_1313 : vector<1x512xf32> to vector<50x512xf32>
    %add3A_1315 = arith.addf %dot_general3A_1306, %add3A_1314 : vector<50x512xf32>
    %get3A_1316 = arith.index_cast %rem3A_243 : i32 to index
    %get3A_1317 = arith.constant 0 : index
    %get3A_1318 = arith.constant 0 : index
    %get3A_1319 = vector.load %arg18[%get3A_1316, %get3A_1317, %get3A_1318] : memref<8x1x512xf32, #tpu.memory_space<vmem>>, vector<1x1x512xf32>
    %get3A_1320 = vector.shape_cast %get3A_1319 : vector<1x1x512xf32> to vector<1x512xf32>
    %add3A_1321 = vector.broadcast %get3A_1320 : vector<1x512xf32> to vector<50x512xf32>
    %add3A_1322 = arith.addf %add3A_1315, %add3A_1321 : vector<50x512xf32>
    %exp3A_1323 = math.exp %add3A_1322 : vector<50x512xf32>
    %convert_element_type3A_1324 = arith.truncf %exp3A_1323 : vector<50x512xf32> to vector<50x512xbf16>
    %swap3A_1325 = arith.constant 26 : index
    %swap3A_1326 = arith.constant 0 : index
    %swap3A_1327 = arith.constant 0 : index
    %swap3A_1328 = vector.load %arg15[%swap3A_1325, %swap3A_1326, %swap3A_1327] : memref<32x50x512xbf16, #tpu.memory_space<vmem>>, vector<1x50x512xbf16>
    %swap3A_1329 = vector.shape_cast %swap3A_1328 : vector<1x50x512xbf16> to vector<50x512xbf16>
    %swap3A_1330 = vector.shape_cast %convert_element_type3A_1324 : vector<50x512xbf16> to vector<1x50x512xbf16>
    tpu.vector_store %arg15[%swap3A_1325, %swap3A_1326, %swap3A_1327], %swap3A_1330 {strides = array<i32>} : memref<32x50x512xbf16, #tpu.memory_space<vmem>>, vector<1x50x512xbf16>,
    %get3A_1331 = arith.constant 27 : index
    %get3A_1332 = arith.constant 0 : index
    %get3A_1333 = vector.load %arg2[%get3A_1331, %get3A_1332] : memref<32x64xf32, #tpu.memory_space<vmem>>, vector<1x64xf32>
    %convert_element_type3A_1334 = arith.truncf %get3A_1333 : vector<1x64xf32> to vector<1x64xbf16>
    %get3A_1335 = arith.constant 27 : index
    %get3A_1336 = arith.constant 0 : index
    %get3A_1337 = arith.constant 0 : index
    %get3A_1338 = vector.load %arg3[%get3A_1335, %get3A_1336, %get3A_1337] : memref<32x50x128xbf16, #tpu.memory_space<vmem>>, vector<1x50x128xbf16>
    %get3A_1339 = vector.shape_cast %get3A_1338 : vector<1x50x128xbf16> to vector<50x128xbf16>
    %get3A_1340 = arith.index_cast %rem3A_245 : i32 to index
    %get3A_1341 = arith.constant 0 : index
    %get3A_1342 = arith.constant 0 : index
    %get3A_1343 = vector.load %arg16[%get3A_1340, %get3A_1341, %get3A_1342] : memref<8x128x512xbf16, #tpu.memory_space<vmem>>, vector<1x128x512xbf16>
    %get3A_1344 = vector.shape_cast %get3A_1343 : vector<1x128x512xbf16> to vector<128x512xbf16>
    %dot_general3A_1345 = arith.constant dense<0.000000e+00> : vector<50x512xf32>
    %dot_general3A_1346 = tpu.matmul %get3A_1339, %get3A_1344, %dot_general3A_1345 {dimension_numbers = #tpu.dot_dimension_numbers<[1], [0], [0], [1], [0, 0, 1, 1], [], []>, transpose_lhs_hint = false} : vector<50x128xbf16>, vector<128x512xbf16>, vector<50x512xf32> -> vector<50x512xf32>
    %get3A_1347 = arith.index_cast %rem3A_245 : i32 to index
    %get3A_1348 = arith.constant 0 : index
    %get3A_1349 = arith.constant 0 : index
    %get3A_1350 = vector.load %arg17[%get3A_1347, %get3A_1348, %get3A_1349] : memref<8x64x512xbf16, #tpu.memory_space<vmem>>, vector<1x64x512xbf16>
    %get3A_1351 = vector.shape_cast %get3A_1350 : vector<1x64x512xbf16> to vector<64x512xbf16>
    %dot_general3A_1352 = arith.constant dense<0.000000e+00> : vector<1x512xf32>
    %dot_general3A_1353 = tpu.matmul %convert_element_type3A_1334, %get3A_1351, %dot_general3A_1352 {dimension_numbers = #tpu.dot_dimension_numbers<[1], [0], [0], [1], [0, 0, 1, 1], [], []>, transpose_lhs_hint = false} : vector<1x64xbf16>, vector<64x512xbf16>, vector<1x512xf32> -> vector<1x512xf32>
    %add3A_1354 = vector.broadcast %dot_general3A_1353 : vector<1x512xf32> to vector<50x512xf32>
    %add3A_1355 = arith.addf %dot_general3A_1346, %add3A_1354 : vector<50x512xf32>
    %get3A_1356 = arith.index_cast %rem3A_245 : i32 to index
    %get3A_1357 = arith.constant 0 : index
    %get3A_1358 = arith.constant 0 : index
    %get3A_1359 = vector.load %arg18[%get3A_1356, %get3A_1357, %get3A_1358] : memref<8x1x512xf32, #tpu.memory_space<vmem>>, vector<1x1x512xf32>
    %get3A_1360 = vector.shape_cast %get3A_1359 : vector<1x1x512xf32> to vector<1x512xf32>
    %add3A_1361 = vector.broadcast %get3A_1360 : vector<1x512xf32> to vector<50x512xf32>
    %add3A_1362 = arith.addf %add3A_1355, %add3A_1361 : vector<50x512xf32>
    %exp3A_1363 = math.exp %add3A_1362 : vector<50x512xf32>
    %convert_element_type3A_1364 = arith.truncf %exp3A_1363 : vector<50x512xf32> to vector<50x512xbf16>
    %swap3A_1365 = arith.constant 27 : index
    %swap3A_1366 = arith.constant 0 : index
    %swap3A_1367 = arith.constant 0 : index
    %swap3A_1368 = vector.load %arg15[%swap3A_1365, %swap3A_1366, %swap3A_1367] : memref<32x50x512xbf16, #tpu.memory_space<vmem>>, vector<1x50x512xbf16>
    %swap3A_1369 = vector.shape_cast %swap3A_1368 : vector<1x50x512xbf16> to vector<50x512xbf16>
    %swap3A_1370 = vector.shape_cast %convert_element_type3A_1364 : vector<50x512xbf16> to vector<1x50x512xbf16>
    tpu.vector_store %arg15[%swap3A_1365, %swap3A_1366, %swap3A_1367], %swap3A_1370 {strides = array<i32>} : memref<32x50x512xbf16, #tpu.memory_space<vmem>>, vector<1x50x512xbf16>,
    %get3A_1371 = arith.constant 28 : index
    %get3A_1372 = arith.constant 0 : index
    %get3A_1373 = vector.load %arg2[%get3A_1371, %get3A_1372] : memref<32x64xf32, #tpu.memory_space<vmem>>, vector<1x64xf32>
    %convert_element_type3A_1374 = arith.truncf %get3A_1373 : vector<1x64xf32> to vector<1x64xbf16>
    %get3A_1375 = arith.constant 28 : index
    %get3A_1376 = arith.constant 0 : index
    %get3A_1377 = arith.constant 0 : index
    %get3A_1378 = vector.load %arg3[%get3A_1375, %get3A_1376, %get3A_1377] : memref<32x50x128xbf16, #tpu.memory_space<vmem>>, vector<1x50x128xbf16>
    %get3A_1379 = vector.shape_cast %get3A_1378 : vector<1x50x128xbf16> to vector<50x128xbf16>
    %get3A_1380 = arith.index_cast %rem3A_247 : i32 to index
    %get3A_1381 = arith.constant 0 : index
    %get3A_1382 = arith.constant 0 : index
    %get3A_1383 = vector.load %arg16[%get3A_1380, %get3A_1381, %get3A_1382] : memref<8x128x512xbf16, #tpu.memory_space<vmem>>, vector<1x128x512xbf16>
    %get3A_1384 = vector.shape_cast %get3A_1383 : vector<1x128x512xbf16> to vector<128x512xbf16>
    %dot_general3A_1385 = arith.constant dense<0.000000e+00> : vector<50x512xf32>
    %dot_general3A_1386 = tpu.matmul %get3A_1379, %get3A_1384, %dot_general3A_1385 {dimension_numbers = #tpu.dot_dimension_numbers<[1], [0], [0], [1], [0, 0, 1, 1], [], []>, transpose_lhs_hint = false} : vector<50x128xbf16>, vector<128x512xbf16>, vector<50x512xf32> -> vector<50x512xf32>
    %get3A_1387 = arith.index_cast %rem3A_247 : i32 to index
    %get3A_1388 = arith.constant 0 : index
    %get3A_1389 = arith.constant 0 : index
    %get3A_1390 = vector.load %arg17[%get3A_1387, %get3A_1388, %get3A_1389] : memref<8x64x512xbf16, #tpu.memory_space<vmem>>, vector<1x64x512xbf16>
    %get3A_1391 = vector.shape_cast %get3A_1390 : vector<1x64x512xbf16> to vector<64x512xbf16>
    %dot_general3A_1392 = arith.constant dense<0.000000e+00> : vector<1x512xf32>
    %dot_general3A_1393 = tpu.matmul %convert_element_type3A_1374, %get3A_1391, %dot_general3A_1392 {dimension_numbers = #tpu.dot_dimension_numbers<[1], [0], [0], [1], [0, 0, 1, 1], [], []>, transpose_lhs_hint = false} : vector<1x64xbf16>, vector<64x512xbf16>, vector<1x512xf32> -> vector<1x512xf32>
    %add3A_1394 = vector.broadcast %dot_general3A_1393 : vector<1x512xf32> to vector<50x512xf32>
    %add3A_1395 = arith.addf %dot_general3A_1386, %add3A_1394 : vector<50x512xf32>
    %get3A_1396 = arith.index_cast %rem3A_247 : i32 to index
    %get3A_1397 = arith.constant 0 : index
    %get3A_1398 = arith.constant 0 : index
    %get3A_1399 = vector.load %arg18[%get3A_1396, %get3A_1397, %get3A_1398] : memref<8x1x512xf32, #tpu.memory_space<vmem>>, vector<1x1x512xf32>
    %get3A_1400 = vector.shape_cast %get3A_1399 : vector<1x1x512xf32> to vector<1x512xf32>
    %add3A_1401 = vector.broadcast %get3A_1400 : vector<1x512xf32> to vector<50x512xf32>
    %add3A_1402 = arith.addf %add3A_1395, %add3A_1401 : vector<50x512xf32>
    %exp3A_1403 = math.exp %add3A_1402 : vector<50x512xf32>
    %convert_element_type3A_1404 = arith.truncf %exp3A_1403 : vector<50x512xf32> to vector<50x512xbf16>
    %swap3A_1405 = arith.constant 28 : index
    %swap3A_1406 = arith.constant 0 : index
    %swap3A_1407 = arith.constant 0 : index
    %swap3A_1408 = vector.load %arg15[%swap3A_1405, %swap3A_1406, %swap3A_1407] : memref<32x50x512xbf16, #tpu.memory_space<vmem>>, vector<1x50x512xbf16>
    %swap3A_1409 = vector.shape_cast %swap3A_1408 : vector<1x50x512xbf16> to vector<50x512xbf16>
    %swap3A_1410 = vector.shape_cast %convert_element_type3A_1404 : vector<50x512xbf16> to vector<1x50x512xbf16>
    tpu.vector_store %arg15[%swap3A_1405, %swap3A_1406, %swap3A_1407], %swap3A_1410 {strides = array<i32>} : memref<32x50x512xbf16, #tpu.memory_space<vmem>>, vector<1x50x512xbf16>,
    %get3A_1411 = arith.constant 29 : index
    %get3A_1412 = arith.constant 0 : index
    %get3A_1413 = vector.load %arg2[%get3A_1411, %get3A_1412] : memref<32x64xf32, #tpu.memory_space<vmem>>, vector<1x64xf32>
    %convert_element_type3A_1414 = arith.truncf %get3A_1413 : vector<1x64xf32> to vector<1x64xbf16>
    %get3A_1415 = arith.constant 29 : index
    %get3A_1416 = arith.constant 0 : index
    %get3A_1417 = arith.constant 0 : index
    %get3A_1418 = vector.load %arg3[%get3A_1415, %get3A_1416, %get3A_1417] : memref<32x50x128xbf16, #tpu.memory_space<vmem>>, vector<1x50x128xbf16>
    %get3A_1419 = vector.shape_cast %get3A_1418 : vector<1x50x128xbf16> to vector<50x128xbf16>
    %get3A_1420 = arith.index_cast %rem3A_249 : i32 to index
    %get3A_1421 = arith.constant 0 : index
    %get3A_1422 = arith.constant 0 : index
    %get3A_1423 = vector.load %arg16[%get3A_1420, %get3A_1421, %get3A_1422] : memref<8x128x512xbf16, #tpu.memory_space<vmem>>, vector<1x128x512xbf16>
    %get3A_1424 = vector.shape_cast %get3A_1423 : vector<1x128x512xbf16> to vector<128x512xbf16>
    %dot_general3A_1425 = arith.constant dense<0.000000e+00> : vector<50x512xf32>
    %dot_general3A_1426 = tpu.matmul %get3A_1419, %get3A_1424, %dot_general3A_1425 {dimension_numbers = #tpu.dot_dimension_numbers<[1], [0], [0], [1], [0, 0, 1, 1], [], []>, transpose_lhs_hint = false} : vector<50x128xbf16>, vector<128x512xbf16>, vector<50x512xf32> -> vector<50x512xf32>
    %get3A_1427 = arith.index_cast %rem3A_249 : i32 to index
    %get3A_1428 = arith.constant 0 : index
    %get3A_1429 = arith.constant 0 : index
    %get3A_1430 = vector.load %arg17[%get3A_1427, %get3A_1428, %get3A_1429] : memref<8x64x512xbf16, #tpu.memory_space<vmem>>, vector<1x64x512xbf16>
    %get3A_1431 = vector.shape_cast %get3A_1430 : vector<1x64x512xbf16> to vector<64x512xbf16>
    %dot_general3A_1432 = arith.constant dense<0.000000e+00> : vector<1x512xf32>
    %dot_general3A_1433 = tpu.matmul %convert_element_type3A_1414, %get3A_1431, %dot_general3A_1432 {dimension_numbers = #tpu.dot_dimension_numbers<[1], [0], [0], [1], [0, 0, 1, 1], [], []>, transpose_lhs_hint = false} : vector<1x64xbf16>, vector<64x512xbf16>, vector<1x512xf32> -> vector<1x512xf32>
    %add3A_1434 = vector.broadcast %dot_general3A_1433 : vector<1x512xf32> to vector<50x512xf32>
    %add3A_1435 = arith.addf %dot_general3A_1426, %add3A_1434 : vector<50x512xf32>
    %get3A_1436 = arith.index_cast %rem3A_249 : i32 to index
    %get3A_1437 = arith.constant 0 : index
    %get3A_1438 = arith.constant 0 : index
    %get3A_1439 = vector.load %arg18[%get3A_1436, %get3A_1437, %get3A_1438] : memref<8x1x512xf32, #tpu.memory_space<vmem>>, vector<1x1x512xf32>
    %get3A_1440 = vector.shape_cast %get3A_1439 : vector<1x1x512xf32> to vector<1x512xf32>
    %add3A_1441 = vector.broadcast %get3A_1440 : vector<1x512xf32> to vector<50x512xf32>
    %add3A_1442 = arith.addf %add3A_1435, %add3A_1441 : vector<50x512xf32>
    %exp3A_1443 = math.exp %add3A_1442 : vector<50x512xf32>
    %convert_element_type3A_1444 = arith.truncf %exp3A_1443 : vector<50x512xf32> to vector<50x512xbf16>
    %swap3A_1445 = arith.constant 29 : index
    %swap3A_1446 = arith.constant 0 : index
    %swap3A_1447 = arith.constant 0 : index
    %swap3A_1448 = vector.load %arg15[%swap3A_1445, %swap3A_1446, %swap3A_1447] : memref<32x50x512xbf16, #tpu.memory_space<vmem>>, vector<1x50x512xbf16>
    %swap3A_1449 = vector.shape_cast %swap3A_1448 : vector<1x50x512xbf16> to vector<50x512xbf16>
    %swap3A_1450 = vector.shape_cast %convert_element_type3A_1444 : vector<50x512xbf16> to vector<1x50x512xbf16>
    tpu.vector_store %arg15[%swap3A_1445, %swap3A_1446, %swap3A_1447], %swap3A_1450 {strides = array<i32>} : memref<32x50x512xbf16, #tpu.memory_space<vmem>>, vector<1x50x512xbf16>,
    %get3A_1451 = arith.constant 30 : index
    %get3A_1452 = arith.constant 0 : index
    %get3A_1453 = vector.load %arg2[%get3A_1451, %get3A_1452] : memref<32x64xf32, #tpu.memory_space<vmem>>, vector<1x64xf32>
    %convert_element_type3A_1454 = arith.truncf %get3A_1453 : vector<1x64xf32> to vector<1x64xbf16>
    %get3A_1455 = arith.constant 30 : index
    %get3A_1456 = arith.constant 0 : index
    %get3A_1457 = arith.constant 0 : index
    %get3A_1458 = vector.load %arg3[%get3A_1455, %get3A_1456, %get3A_1457] : memref<32x50x128xbf16, #tpu.memory_space<vmem>>, vector<1x50x128xbf16>
    %get3A_1459 = vector.shape_cast %get3A_1458 : vector<1x50x128xbf16> to vector<50x128xbf16>
    %get3A_1460 = arith.index_cast %rem3A_251 : i32 to index
    %get3A_1461 = arith.constant 0 : index
    %get3A_1462 = arith.constant 0 : index
    %get3A_1463 = vector.load %arg16[%get3A_1460, %get3A_1461, %get3A_1462] : memref<8x128x512xbf16, #tpu.memory_space<vmem>>, vector<1x128x512xbf16>
    %get3A_1464 = vector.shape_cast %get3A_1463 : vector<1x128x512xbf16> to vector<128x512xbf16>
    %dot_general3A_1465 = arith.constant dense<0.000000e+00> : vector<50x512xf32>
    %dot_general3A_1466 = tpu.matmul %get3A_1459, %get3A_1464, %dot_general3A_1465 {dimension_numbers = #tpu.dot_dimension_numbers<[1], [0], [0], [1], [0, 0, 1, 1], [], []>, transpose_lhs_hint = false} : vector<50x128xbf16>, vector<128x512xbf16>, vector<50x512xf32> -> vector<50x512xf32>
    %get3A_1467 = arith.index_cast %rem3A_251 : i32 to index
    %get3A_1468 = arith.constant 0 : index
    %get3A_1469 = arith.constant 0 : index
    %get3A_1470 = vector.load %arg17[%get3A_1467, %get3A_1468, %get3A_1469] : memref<8x64x512xbf16, #tpu.memory_space<vmem>>, vector<1x64x512xbf16>
    %get3A_1471 = vector.shape_cast %get3A_1470 : vector<1x64x512xbf16> to vector<64x512xbf16>
    %dot_general3A_1472 = arith.constant dense<0.000000e+00> : vector<1x512xf32>
    %dot_general3A_1473 = tpu.matmul %convert_element_type3A_1454, %get3A_1471, %dot_general3A_1472 {dimension_numbers = #tpu.dot_dimension_numbers<[1], [0], [0], [1], [0, 0, 1, 1], [], []>, transpose_lhs_hint = false} : vector<1x64xbf16>, vector<64x512xbf16>, vector<1x512xf32> -> vector<1x512xf32>
    %add3A_1474 = vector.broadcast %dot_general3A_1473 : vector<1x512xf32> to vector<50x512xf32>
    %add3A_1475 = arith.addf %dot_general3A_1466, %add3A_1474 : vector<50x512xf32>
    %get3A_1476 = arith.index_cast %rem3A_251 : i32 to index
    %get3A_1477 = arith.constant 0 : index
    %get3A_1478 = arith.constant 0 : index
    %get3A_1479 = vector.load %arg18[%get3A_1476, %get3A_1477, %get3A_1478] : memref<8x1x512xf32, #tpu.memory_space<vmem>>, vector<1x1x512xf32>
    %get3A_1480 = vector.shape_cast %get3A_1479 : vector<1x1x512xf32> to vector<1x512xf32>
    %add3A_1481 = vector.broadcast %get3A_1480 : vector<1x512xf32> to vector<50x512xf32>
    %add3A_1482 = arith.addf %add3A_1475, %add3A_1481 : vector<50x512xf32>
    %exp3A_1483 = math.exp %add3A_1482 : vector<50x512xf32>
    %convert_element_type3A_1484 = arith.truncf %exp3A_1483 : vector<50x512xf32> to vector<50x512xbf16>
    %swap3A_1485 = arith.constant 30 : index
    %swap3A_1486 = arith.constant 0 : index
    %swap3A_1487 = arith.constant 0 : index
    %swap3A_1488 = vector.load %arg15[%swap3A_1485, %swap3A_1486, %swap3A_1487] : memref<32x50x512xbf16, #tpu.memory_space<vmem>>, vector<1x50x512xbf16>
    %swap3A_1489 = vector.shape_cast %swap3A_1488 : vector<1x50x512xbf16> to vector<50x512xbf16>
    %swap3A_1490 = vector.shape_cast %convert_element_type3A_1484 : vector<50x512xbf16> to vector<1x50x512xbf16>
    tpu.vector_store %arg15[%swap3A_1485, %swap3A_1486, %swap3A_1487], %swap3A_1490 {strides = array<i32>} : memref<32x50x512xbf16, #tpu.memory_space<vmem>>, vector<1x50x512xbf16>,
    %get3A_1491 = arith.constant 31 : index
    %get3A_1492 = arith.constant 0 : index
    %get3A_1493 = vector.load %arg2[%get3A_1491, %get3A_1492] : memref<32x64xf32, #tpu.memory_space<vmem>>, vector<1x64xf32>
    %convert_element_type3A_1494 = arith.truncf %get3A_1493 : vector<1x64xf32> to vector<1x64xbf16>
    %get3A_1495 = arith.constant 31 : index
    %get3A_1496 = arith.constant 0 : index
    %get3A_1497 = arith.constant 0 : index
    %get3A_1498 = vector.load %arg3[%get3A_1495, %get3A_1496, %get3A_1497] : memref<32x50x128xbf16, #tpu.memory_space<vmem>>, vector<1x50x128xbf16>
    %get3A_1499 = vector.shape_cast %get3A_1498 : vector<1x50x128xbf16> to vector<50x128xbf16>
    %get3A_1500 = arith.index_cast %rem3A_253 : i32 to index
    %get3A_1501 = arith.constant 0 : index
    %get3A_1502 = arith.constant 0 : index
    %get3A_1503 = vector.load %arg16[%get3A_1500, %get3A_1501, %get3A_1502] : memref<8x128x512xbf16, #tpu.memory_space<vmem>>, vector<1x128x512xbf16>
    %get3A_1504 = vector.shape_cast %get3A_1503 : vector<1x128x512xbf16> to vector<128x512xbf16>
    %dot_general3A_1505 = arith.constant dense<0.000000e+00> : vector<50x512xf32>
    %dot_general3A_1506 = tpu.matmul %get3A_1499, %get3A_1504, %dot_general3A_1505 {dimension_numbers = #tpu.dot_dimension_numbers<[1], [0], [0], [1], [0, 0, 1, 1], [], []>, transpose_lhs_hint = false} : vector<50x128xbf16>, vector<128x512xbf16>, vector<50x512xf32> -> vector<50x512xf32>
    %get3A_1507 = arith.index_cast %rem3A_253 : i32 to index
    %get3A_1508 = arith.constant 0 : index
    %get3A_1509 = arith.constant 0 : index
    %get3A_1510 = vector.load %arg17[%get3A_1507, %get3A_1508, %get3A_1509] : memref<8x64x512xbf16, #tpu.memory_space<vmem>>, vector<1x64x512xbf16>
    %get3A_1511 = vector.shape_cast %get3A_1510 : vector<1x64x512xbf16> to vector<64x512xbf16>
    %dot_general3A_1512 = arith.constant dense<0.000000e+00> : vector<1x512xf32>
    %dot_general3A_1513 = tpu.matmul %convert_element_type3A_1494, %get3A_1511, %dot_general3A_1512 {dimension_numbers = #tpu.dot_dimension_numbers<[1], [0], [0], [1], [0, 0, 1, 1], [], []>, transpose_lhs_hint = false} : vector<1x64xbf16>, vector<64x512xbf16>, vector<1x512xf32> -> vector<1x512xf32>
    %add3A_1514 = vector.broadcast %dot_general3A_1513 : vector<1x512xf32> to vector<50x512xf32>
    %add3A_1515 = arith.addf %dot_general3A_1506, %add3A_1514 : vector<50x512xf32>
    %get3A_1516 = arith.index_cast %rem3A_253 : i32 to index
    %get3A_1517 = arith.constant 0 : index
    %get3A_1518 = arith.constant 0 : index
    %get3A_1519 = vector.load %arg18[%get3A_1516, %get3A_1517, %get3A_1518] : memref<8x1x512xf32, #tpu.memory_space<vmem>>, vector<1x1x512xf32>
    %get3A_1520 = vector.shape_cast %get3A_1519 : vector<1x1x512xf32> to vector<1x512xf32>
    %add3A_1521 = vector.broadcast %get3A_1520 : vector<1x512xf32> to vector<50x512xf32>
    %add3A_1522 = arith.addf %add3A_1515, %add3A_1521 : vector<50x512xf32>
    %exp3A_1523 = math.exp %add3A_1522 : vector<50x512xf32>
    %convert_element_type3A_1524 = arith.truncf %exp3A_1523 : vector<50x512xf32> to vector<50x512xbf16>
    %swap3A_1525 = arith.constant 31 : index
    %swap3A_1526 = arith.constant 0 : index
    %swap3A_1527 = arith.constant 0 : index
    %swap3A_1528 = vector.load %arg15[%swap3A_1525, %swap3A_1526, %swap3A_1527] : memref<32x50x512xbf16, #tpu.memory_space<vmem>>, vector<1x50x512xbf16>
    %swap3A_1529 = vector.shape_cast %swap3A_1528 : vector<1x50x512xbf16> to vector<50x512xbf16>
    %swap3A_1530 = vector.shape_cast %convert_element_type3A_1524 : vector<50x512xbf16> to vector<1x50x512xbf16>
    tpu.vector_store %arg15[%swap3A_1525, %swap3A_1526, %swap3A_1527], %swap3A_1530 {strides = array<i32>} : memref<32x50x512xbf16, #tpu.memory_space<vmem>>, vector<1x50x512xbf16>,
    %eq3A_1531 = arith.constant 31 : i32
    %eq3A_1532 = arith.cmpi eq, %arg0, %eq3A_1531 : i32
    %convert_element_type3A_1533 = arith.extui %eq3A_1532 : i1 to i32
    %cond3A_1534 = arith.constant 0 : i32
    %cond3A_1535 = arith.cmpi ne, %convert_element_type3A_1533, %cond3A_1534 : i32
    scf.if %cond3A_1535 {
      %get3A_2303 = arith.constant 0 : index
      %get3A_2304 = arith.constant 0 : index
      %get3A_2305 = vector.load %arg9[%get3A_2303, %get3A_2304] : memref<512x512xf32, #tpu.memory_space<vmem>>, vector<512x512xf32>
      %dot_general3A_2306 = arith.constant dense<0.000000e+00> : vector<50x512xf32>
      %dot_general3A_2307 = tpu.matmul %exp3A_1523, %get3A_2305, %dot_general3A_2306 {dimension_numbers = #tpu.dot_dimension_numbers<[1], [0], [0], [1], [0, 0, 1, 1], [], []>, transpose_lhs_hint = false} : vector<50x512xf32>, vector<512x512xf32>, vector<50x512xf32> -> vector<50x512xf32>
      %div3A_2308 = arith.divf %exp3A_1523, %dot_general3A_2307 : vector<50x512xf32>
      %swap3A_2309 = arith.constant 0 : index
      %swap3A_2310 = arith.constant 0 : index
      %swap3A_2311 = vector.load %arg14[%swap3A_2309, %swap3A_2310] : memref<50x512xf32, #tpu.memory_space<vmem>>, vector<50x512xf32>
      tpu.vector_store %arg14[%swap3A_2309, %swap3A_2310], %div3A_2308 {strides = array<i32>} : memref<50x512xf32, #tpu.memory_space<vmem>>, vector<50x512xf32>,
    } else {
    }
    %get3A_1536 = arith.constant 0 : index
    %get3A_1537 = arith.constant 0 : index
    %get3A_1538 = arith.constant 0 : index
    %get3A_1539 = vector.load %arg15[%get3A_1536, %get3A_1537, %get3A_1538] : memref<32x50x512xbf16, #tpu.memory_space<vmem>>, vector<1x50x512xbf16>
    %get3A_1540 = vector.shape_cast %get3A_1539 : vector<1x50x512xbf16> to vector<50x512xbf16>
    %get3A_1541 = arith.index_cast %rem3A_191 : i32 to index
    %get3A_1542 = arith.constant 0 : index
    %get3A_1543 = arith.constant 0 : index
    %get3A_1544 = vector.load %arg7[%get3A_1541, %get3A_1542, %get3A_1543] : memref<8x512x128xbf16, #tpu.memory_space<vmem>>, vector<1x512x128xbf16>
    %get3A_1545 = vector.shape_cast %get3A_1544 : vector<1x512x128xbf16> to vector<512x128xbf16>
    %dot_general3A_1546 = arith.constant dense<0.000000e+00> : vector<50x128xf32>
    %dot_general3A_1547 = tpu.matmul %get3A_1540, %get3A_1545, %dot_general3A_1546 {dimension_numbers = #tpu.dot_dimension_numbers<[1], [0], [0], [1], [0, 0, 1, 1], [], []>, transpose_lhs_hint = false} : vector<50x512xbf16>, vector<512x128xbf16>, vector<50x128xf32> -> vector<50x128xf32>
    %get3A_1548 = arith.constant 0 : index
    %get3A_1549 = arith.constant 0 : index
    %get3A_1550 = vector.load %arg8[%get3A_1548, %get3A_1549] : memref<512x128xbf16, #tpu.memory_space<vmem>>, vector<512x128xbf16>
    %dot_general3A_1551 = arith.constant dense<0.000000e+00> : vector<50x128xf32>
    %dot_general3A_1552 = tpu.matmul %get3A_1540, %get3A_1550, %dot_general3A_1551 {dimension_numbers = #tpu.dot_dimension_numbers<[1], [0], [0], [1], [0, 0, 1, 1], [], []>, transpose_lhs_hint = false} : vector<50x512xbf16>, vector<512x128xbf16>, vector<50x128xf32> -> vector<50x128xf32>
    %div3A = arith.divf %dot_general3A_1547, %dot_general3A_1552 : vector<50x128xf32>
    %swap3A_1553 = arith.constant 0 : index
    %swap3A_1554 = arith.constant 0 : index
    %swap3A_1555 = arith.constant 0 : index
    %swap3A_1556 = vector.load %arg13[%swap3A_1553, %swap3A_1554, %swap3A_1555] : memref<32x50x128xf32, #tpu.memory_space<vmem>>, vector<1x50x128xf32>
    %swap3A_1557 = vector.shape_cast %swap3A_1556 : vector<1x50x128xf32> to vector<50x128xf32>
    %swap3A_1558 = vector.shape_cast %div3A : vector<50x128xf32> to vector<1x50x128xf32>
    tpu.vector_store %arg13[%swap3A_1553, %swap3A_1554, %swap3A_1555], %swap3A_1558 {strides = array<i32>} : memref<32x50x128xf32, #tpu.memory_space<vmem>>, vector<1x50x128xf32>,
    %get3A_1559 = arith.constant 1 : index
    %get3A_1560 = arith.constant 0 : index
    %get3A_1561 = arith.constant 0 : index
    %get3A_1562 = vector.load %arg15[%get3A_1559, %get3A_1560, %get3A_1561] : memref<32x50x512xbf16, #tpu.memory_space<vmem>>, vector<1x50x512xbf16>
    %get3A_1563 = vector.shape_cast %get3A_1562 : vector<1x50x512xbf16> to vector<50x512xbf16>
    %get3A_1564 = arith.index_cast %rem3A_193 : i32 to index
    %get3A_1565 = arith.constant 0 : index
    %get3A_1566 = arith.constant 0 : index
    %get3A_1567 = vector.load %arg7[%get3A_1564, %get3A_1565, %get3A_1566] : memref<8x512x128xbf16, #tpu.memory_space<vmem>>, vector<1x512x128xbf16>
    %get3A_1568 = vector.shape_cast %get3A_1567 : vector<1x512x128xbf16> to vector<512x128xbf16>
    %dot_general3A_1569 = arith.constant dense<0.000000e+00> : vector<50x128xf32>
    %dot_general3A_1570 = tpu.matmul %get3A_1563, %get3A_1568, %dot_general3A_1569 {dimension_numbers = #tpu.dot_dimension_numbers<[1], [0], [0], [1], [0, 0, 1, 1], [], []>, transpose_lhs_hint = false} : vector<50x512xbf16>, vector<512x128xbf16>, vector<50x128xf32> -> vector<50x128xf32>
    %get3A_1571 = arith.constant 0 : index
    %get3A_1572 = arith.constant 0 : index
    %get3A_1573 = vector.load %arg8[%get3A_1571, %get3A_1572] : memref<512x128xbf16, #tpu.memory_space<vmem>>, vector<512x128xbf16>
    %dot_general3A_1574 = arith.constant dense<0.000000e+00> : vector<50x128xf32>
    %dot_general3A_1575 = tpu.matmul %get3A_1563, %get3A_1573, %dot_general3A_1574 {dimension_numbers = #tpu.dot_dimension_numbers<[1], [0], [0], [1], [0, 0, 1, 1], [], []>, transpose_lhs_hint = false} : vector<50x512xbf16>, vector<512x128xbf16>, vector<50x128xf32> -> vector<50x128xf32>
    %div3A_1576 = arith.divf %dot_general3A_1570, %dot_general3A_1575 : vector<50x128xf32>
    %swap3A_1577 = arith.constant 1 : index
    %swap3A_1578 = arith.constant 0 : index
    %swap3A_1579 = arith.constant 0 : index
    %swap3A_1580 = vector.load %arg13[%swap3A_1577, %swap3A_1578, %swap3A_1579] : memref<32x50x128xf32, #tpu.memory_space<vmem>>, vector<1x50x128xf32>
    %swap3A_1581 = vector.shape_cast %swap3A_1580 : vector<1x50x128xf32> to vector<50x128xf32>
    %swap3A_1582 = vector.shape_cast %div3A_1576 : vector<50x128xf32> to vector<1x50x128xf32>
    tpu.vector_store %arg13[%swap3A_1577, %swap3A_1578, %swap3A_1579], %swap3A_1582 {strides = array<i32>} : memref<32x50x128xf32, #tpu.memory_space<vmem>>, vector<1x50x128xf32>,
    %get3A_1583 = arith.constant 2 : index
    %get3A_1584 = arith.constant 0 : index
    %get3A_1585 = arith.constant 0 : index
    %get3A_1586 = vector.load %arg15[%get3A_1583, %get3A_1584, %get3A_1585] : memref<32x50x512xbf16, #tpu.memory_space<vmem>>, vector<1x50x512xbf16>
    %get3A_1587 = vector.shape_cast %get3A_1586 : vector<1x50x512xbf16> to vector<50x512xbf16>
    %get3A_1588 = arith.index_cast %rem3A_195 : i32 to index
    %get3A_1589 = arith.constant 0 : index
    %get3A_1590 = arith.constant 0 : index
    %get3A_1591 = vector.load %arg7[%get3A_1588, %get3A_1589, %get3A_1590] : memref<8x512x128xbf16, #tpu.memory_space<vmem>>, vector<1x512x128xbf16>
    %get3A_1592 = vector.shape_cast %get3A_1591 : vector<1x512x128xbf16> to vector<512x128xbf16>
    %dot_general3A_1593 = arith.constant dense<0.000000e+00> : vector<50x128xf32>
    %dot_general3A_1594 = tpu.matmul %get3A_1587, %get3A_1592, %dot_general3A_1593 {dimension_numbers = #tpu.dot_dimension_numbers<[1], [0], [0], [1], [0, 0, 1, 1], [], []>, transpose_lhs_hint = false} : vector<50x512xbf16>, vector<512x128xbf16>, vector<50x128xf32> -> vector<50x128xf32>
    %get3A_1595 = arith.constant 0 : index
    %get3A_1596 = arith.constant 0 : index
    %get3A_1597 = vector.load %arg8[%get3A_1595, %get3A_1596] : memref<512x128xbf16, #tpu.memory_space<vmem>>, vector<512x128xbf16>
    %dot_general3A_1598 = arith.constant dense<0.000000e+00> : vector<50x128xf32>
    %dot_general3A_1599 = tpu.matmul %get3A_1587, %get3A_1597, %dot_general3A_1598 {dimension_numbers = #tpu.dot_dimension_numbers<[1], [0], [0], [1], [0, 0, 1, 1], [], []>, transpose_lhs_hint = false} : vector<50x512xbf16>, vector<512x128xbf16>, vector<50x128xf32> -> vector<50x128xf32>
    %div3A_1600 = arith.divf %dot_general3A_1594, %dot_general3A_1599 : vector<50x128xf32>
    %swap3A_1601 = arith.constant 2 : index
    %swap3A_1602 = arith.constant 0 : index
    %swap3A_1603 = arith.constant 0 : index
    %swap3A_1604 = vector.load %arg13[%swap3A_1601, %swap3A_1602, %swap3A_1603] : memref<32x50x128xf32, #tpu.memory_space<vmem>>, vector<1x50x128xf32>
    %swap3A_1605 = vector.shape_cast %swap3A_1604 : vector<1x50x128xf32> to vector<50x128xf32>
    %swap3A_1606 = vector.shape_cast %div3A_1600 : vector<50x128xf32> to vector<1x50x128xf32>
    tpu.vector_store %arg13[%swap3A_1601, %swap3A_1602, %swap3A_1603], %swap3A_1606 {strides = array<i32>} : memref<32x50x128xf32, #tpu.memory_space<vmem>>, vector<1x50x128xf32>,
    %get3A_1607 = arith.constant 3 : index
    %get3A_1608 = arith.constant 0 : index
    %get3A_1609 = arith.constant 0 : index
    %get3A_1610 = vector.load %arg15[%get3A_1607, %get3A_1608, %get3A_1609] : memref<32x50x512xbf16, #tpu.memory_space<vmem>>, vector<1x50x512xbf16>
    %get3A_1611 = vector.shape_cast %get3A_1610 : vector<1x50x512xbf16> to vector<50x512xbf16>
    %get3A_1612 = arith.index_cast %rem3A_197 : i32 to index
    %get3A_1613 = arith.constant 0 : index
    %get3A_1614 = arith.constant 0 : index
    %get3A_1615 = vector.load %arg7[%get3A_1612, %get3A_1613, %get3A_1614] : memref<8x512x128xbf16, #tpu.memory_space<vmem>>, vector<1x512x128xbf16>
    %get3A_1616 = vector.shape_cast %get3A_1615 : vector<1x512x128xbf16> to vector<512x128xbf16>
    %dot_general3A_1617 = arith.constant dense<0.000000e+00> : vector<50x128xf32>
    %dot_general3A_1618 = tpu.matmul %get3A_1611, %get3A_1616, %dot_general3A_1617 {dimension_numbers = #tpu.dot_dimension_numbers<[1], [0], [0], [1], [0, 0, 1, 1], [], []>, transpose_lhs_hint = false} : vector<50x512xbf16>, vector<512x128xbf16>, vector<50x128xf32> -> vector<50x128xf32>
    %get3A_1619 = arith.constant 0 : index
    %get3A_1620 = arith.constant 0 : index
    %get3A_1621 = vector.load %arg8[%get3A_1619, %get3A_1620] : memref<512x128xbf16, #tpu.memory_space<vmem>>, vector<512x128xbf16>
    %dot_general3A_1622 = arith.constant dense<0.000000e+00> : vector<50x128xf32>
    %dot_general3A_1623 = tpu.matmul %get3A_1611, %get3A_1621, %dot_general3A_1622 {dimension_numbers = #tpu.dot_dimension_numbers<[1], [0], [0], [1], [0, 0, 1, 1], [], []>, transpose_lhs_hint = false} : vector<50x512xbf16>, vector<512x128xbf16>, vector<50x128xf32> -> vector<50x128xf32>
    %div3A_1624 = arith.divf %dot_general3A_1618, %dot_general3A_1623 : vector<50x128xf32>
    %swap3A_1625 = arith.constant 3 : index
    %swap3A_1626 = arith.constant 0 : index
    %swap3A_1627 = arith.constant 0 : index
    %swap3A_1628 = vector.load %arg13[%swap3A_1625, %swap3A_1626, %swap3A_1627] : memref<32x50x128xf32, #tpu.memory_space<vmem>>, vector<1x50x128xf32>
    %swap3A_1629 = vector.shape_cast %swap3A_1628 : vector<1x50x128xf32> to vector<50x128xf32>
    %swap3A_1630 = vector.shape_cast %div3A_1624 : vector<50x128xf32> to vector<1x50x128xf32>
    tpu.vector_store %arg13[%swap3A_1625, %swap3A_1626, %swap3A_1627], %swap3A_1630 {strides = array<i32>} : memref<32x50x128xf32, #tpu.memory_space<vmem>>, vector<1x50x128xf32>,
    %get3A_1631 = arith.constant 4 : index
    %get3A_1632 = arith.constant 0 : index
    %get3A_1633 = arith.constant 0 : index
    %get3A_1634 = vector.load %arg15[%get3A_1631, %get3A_1632, %get3A_1633] : memref<32x50x512xbf16, #tpu.memory_space<vmem>>, vector<1x50x512xbf16>
    %get3A_1635 = vector.shape_cast %get3A_1634 : vector<1x50x512xbf16> to vector<50x512xbf16>
    %get3A_1636 = arith.index_cast %rem3A_199 : i32 to index
    %get3A_1637 = arith.constant 0 : index
    %get3A_1638 = arith.constant 0 : index
    %get3A_1639 = vector.load %arg7[%get3A_1636, %get3A_1637, %get3A_1638] : memref<8x512x128xbf16, #tpu.memory_space<vmem>>, vector<1x512x128xbf16>
    %get3A_1640 = vector.shape_cast %get3A_1639 : vector<1x512x128xbf16> to vector<512x128xbf16>
    %dot_general3A_1641 = arith.constant dense<0.000000e+00> : vector<50x128xf32>
    %dot_general3A_1642 = tpu.matmul %get3A_1635, %get3A_1640, %dot_general3A_1641 {dimension_numbers = #tpu.dot_dimension_numbers<[1], [0], [0], [1], [0, 0, 1, 1], [], []>, transpose_lhs_hint = false} : vector<50x512xbf16>, vector<512x128xbf16>, vector<50x128xf32> -> vector<50x128xf32>
    %get3A_1643 = arith.constant 0 : index
    %get3A_1644 = arith.constant 0 : index
    %get3A_1645 = vector.load %arg8[%get3A_1643, %get3A_1644] : memref<512x128xbf16, #tpu.memory_space<vmem>>, vector<512x128xbf16>
    %dot_general3A_1646 = arith.constant dense<0.000000e+00> : vector<50x128xf32>
    %dot_general3A_1647 = tpu.matmul %get3A_1635, %get3A_1645, %dot_general3A_1646 {dimension_numbers = #tpu.dot_dimension_numbers<[1], [0], [0], [1], [0, 0, 1, 1], [], []>, transpose_lhs_hint = false} : vector<50x512xbf16>, vector<512x128xbf16>, vector<50x128xf32> -> vector<50x128xf32>
    %div3A_1648 = arith.divf %dot_general3A_1642, %dot_general3A_1647 : vector<50x128xf32>
    %swap3A_1649 = arith.constant 4 : index
    %swap3A_1650 = arith.constant 0 : index
    %swap3A_1651 = arith.constant 0 : index
    %swap3A_1652 = vector.load %arg13[%swap3A_1649, %swap3A_1650, %swap3A_1651] : memref<32x50x128xf32, #tpu.memory_space<vmem>>, vector<1x50x128xf32>
    %swap3A_1653 = vector.shape_cast %swap3A_1652 : vector<1x50x128xf32> to vector<50x128xf32>
    %swap3A_1654 = vector.shape_cast %div3A_1648 : vector<50x128xf32> to vector<1x50x128xf32>
    tpu.vector_store %arg13[%swap3A_1649, %swap3A_1650, %swap3A_1651], %swap3A_1654 {strides = array<i32>} : memref<32x50x128xf32, #tpu.memory_space<vmem>>, vector<1x50x128xf32>,
    %get3A_1655 = arith.constant 5 : index
    %get3A_1656 = arith.constant 0 : index
    %get3A_1657 = arith.constant 0 : index
    %get3A_1658 = vector.load %arg15[%get3A_1655, %get3A_1656, %get3A_1657] : memref<32x50x512xbf16, #tpu.memory_space<vmem>>, vector<1x50x512xbf16>
    %get3A_1659 = vector.shape_cast %get3A_1658 : vector<1x50x512xbf16> to vector<50x512xbf16>
    %get3A_1660 = arith.index_cast %rem3A_201 : i32 to index
    %get3A_1661 = arith.constant 0 : index
    %get3A_1662 = arith.constant 0 : index
    %get3A_1663 = vector.load %arg7[%get3A_1660, %get3A_1661, %get3A_1662] : memref<8x512x128xbf16, #tpu.memory_space<vmem>>, vector<1x512x128xbf16>
    %get3A_1664 = vector.shape_cast %get3A_1663 : vector<1x512x128xbf16> to vector<512x128xbf16>
    %dot_general3A_1665 = arith.constant dense<0.000000e+00> : vector<50x128xf32>
    %dot_general3A_1666 = tpu.matmul %get3A_1659, %get3A_1664, %dot_general3A_1665 {dimension_numbers = #tpu.dot_dimension_numbers<[1], [0], [0], [1], [0, 0, 1, 1], [], []>, transpose_lhs_hint = false} : vector<50x512xbf16>, vector<512x128xbf16>, vector<50x128xf32> -> vector<50x128xf32>
    %get3A_1667 = arith.constant 0 : index
    %get3A_1668 = arith.constant 0 : index
    %get3A_1669 = vector.load %arg8[%get3A_1667, %get3A_1668] : memref<512x128xbf16, #tpu.memory_space<vmem>>, vector<512x128xbf16>
    %dot_general3A_1670 = arith.constant dense<0.000000e+00> : vector<50x128xf32>
    %dot_general3A_1671 = tpu.matmul %get3A_1659, %get3A_1669, %dot_general3A_1670 {dimension_numbers = #tpu.dot_dimension_numbers<[1], [0], [0], [1], [0, 0, 1, 1], [], []>, transpose_lhs_hint = false} : vector<50x512xbf16>, vector<512x128xbf16>, vector<50x128xf32> -> vector<50x128xf32>
    %div3A_1672 = arith.divf %dot_general3A_1666, %dot_general3A_1671 : vector<50x128xf32>
    %swap3A_1673 = arith.constant 5 : index
    %swap3A_1674 = arith.constant 0 : index
    %swap3A_1675 = arith.constant 0 : index
    %swap3A_1676 = vector.load %arg13[%swap3A_1673, %swap3A_1674, %swap3A_1675] : memref<32x50x128xf32, #tpu.memory_space<vmem>>, vector<1x50x128xf32>
    %swap3A_1677 = vector.shape_cast %swap3A_1676 : vector<1x50x128xf32> to vector<50x128xf32>
    %swap3A_1678 = vector.shape_cast %div3A_1672 : vector<50x128xf32> to vector<1x50x128xf32>
    tpu.vector_store %arg13[%swap3A_1673, %swap3A_1674, %swap3A_1675], %swap3A_1678 {strides = array<i32>} : memref<32x50x128xf32, #tpu.memory_space<vmem>>, vector<1x50x128xf32>,
    %get3A_1679 = arith.constant 6 : index
    %get3A_1680 = arith.constant 0 : index
    %get3A_1681 = arith.constant 0 : index
    %get3A_1682 = vector.load %arg15[%get3A_1679, %get3A_1680, %get3A_1681] : memref<32x50x512xbf16, #tpu.memory_space<vmem>>, vector<1x50x512xbf16>
    %get3A_1683 = vector.shape_cast %get3A_1682 : vector<1x50x512xbf16> to vector<50x512xbf16>
    %get3A_1684 = arith.index_cast %rem3A_203 : i32 to index
    %get3A_1685 = arith.constant 0 : index
    %get3A_1686 = arith.constant 0 : index
    %get3A_1687 = vector.load %arg7[%get3A_1684, %get3A_1685, %get3A_1686] : memref<8x512x128xbf16, #tpu.memory_space<vmem>>, vector<1x512x128xbf16>
    %get3A_1688 = vector.shape_cast %get3A_1687 : vector<1x512x128xbf16> to vector<512x128xbf16>
    %dot_general3A_1689 = arith.constant dense<0.000000e+00> : vector<50x128xf32>
    %dot_general3A_1690 = tpu.matmul %get3A_1683, %get3A_1688, %dot_general3A_1689 {dimension_numbers = #tpu.dot_dimension_numbers<[1], [0], [0], [1], [0, 0, 1, 1], [], []>, transpose_lhs_hint = false} : vector<50x512xbf16>, vector<512x128xbf16>, vector<50x128xf32> -> vector<50x128xf32>
    %get3A_1691 = arith.constant 0 : index
    %get3A_1692 = arith.constant 0 : index
    %get3A_1693 = vector.load %arg8[%get3A_1691, %get3A_1692] : memref<512x128xbf16, #tpu.memory_space<vmem>>, vector<512x128xbf16>
    %dot_general3A_1694 = arith.constant dense<0.000000e+00> : vector<50x128xf32>
    %dot_general3A_1695 = tpu.matmul %get3A_1683, %get3A_1693, %dot_general3A_1694 {dimension_numbers = #tpu.dot_dimension_numbers<[1], [0], [0], [1], [0, 0, 1, 1], [], []>, transpose_lhs_hint = false} : vector<50x512xbf16>, vector<512x128xbf16>, vector<50x128xf32> -> vector<50x128xf32>
    %div3A_1696 = arith.divf %dot_general3A_1690, %dot_general3A_1695 : vector<50x128xf32>
    %swap3A_1697 = arith.constant 6 : index
    %swap3A_1698 = arith.constant 0 : index
    %swap3A_1699 = arith.constant 0 : index
    %swap3A_1700 = vector.load %arg13[%swap3A_1697, %swap3A_1698, %swap3A_1699] : memref<32x50x128xf32, #tpu.memory_space<vmem>>, vector<1x50x128xf32>
    %swap3A_1701 = vector.shape_cast %swap3A_1700 : vector<1x50x128xf32> to vector<50x128xf32>
    %swap3A_1702 = vector.shape_cast %div3A_1696 : vector<50x128xf32> to vector<1x50x128xf32>
    tpu.vector_store %arg13[%swap3A_1697, %swap3A_1698, %swap3A_1699], %swap3A_1702 {strides = array<i32>} : memref<32x50x128xf32, #tpu.memory_space<vmem>>, vector<1x50x128xf32>,
    %get3A_1703 = arith.constant 7 : index
    %get3A_1704 = arith.constant 0 : index
    %get3A_1705 = arith.constant 0 : index
    %get3A_1706 = vector.load %arg15[%get3A_1703, %get3A_1704, %get3A_1705] : memref<32x50x512xbf16, #tpu.memory_space<vmem>>, vector<1x50x512xbf16>
    %get3A_1707 = vector.shape_cast %get3A_1706 : vector<1x50x512xbf16> to vector<50x512xbf16>
    %get3A_1708 = arith.index_cast %rem3A_205 : i32 to index
    %get3A_1709 = arith.constant 0 : index
    %get3A_1710 = arith.constant 0 : index
    %get3A_1711 = vector.load %arg7[%get3A_1708, %get3A_1709, %get3A_1710] : memref<8x512x128xbf16, #tpu.memory_space<vmem>>, vector<1x512x128xbf16>
    %get3A_1712 = vector.shape_cast %get3A_1711 : vector<1x512x128xbf16> to vector<512x128xbf16>
    %dot_general3A_1713 = arith.constant dense<0.000000e+00> : vector<50x128xf32>
    %dot_general3A_1714 = tpu.matmul %get3A_1707, %get3A_1712, %dot_general3A_1713 {dimension_numbers = #tpu.dot_dimension_numbers<[1], [0], [0], [1], [0, 0, 1, 1], [], []>, transpose_lhs_hint = false} : vector<50x512xbf16>, vector<512x128xbf16>, vector<50x128xf32> -> vector<50x128xf32>
    %get3A_1715 = arith.constant 0 : index
    %get3A_1716 = arith.constant 0 : index
    %get3A_1717 = vector.load %arg8[%get3A_1715, %get3A_1716] : memref<512x128xbf16, #tpu.memory_space<vmem>>, vector<512x128xbf16>
    %dot_general3A_1718 = arith.constant dense<0.000000e+00> : vector<50x128xf32>
    %dot_general3A_1719 = tpu.matmul %get3A_1707, %get3A_1717, %dot_general3A_1718 {dimension_numbers = #tpu.dot_dimension_numbers<[1], [0], [0], [1], [0, 0, 1, 1], [], []>, transpose_lhs_hint = false} : vector<50x512xbf16>, vector<512x128xbf16>, vector<50x128xf32> -> vector<50x128xf32>
    %div3A_1720 = arith.divf %dot_general3A_1714, %dot_general3A_1719 : vector<50x128xf32>
    %swap3A_1721 = arith.constant 7 : index
    %swap3A_1722 = arith.constant 0 : index
    %swap3A_1723 = arith.constant 0 : index
    %swap3A_1724 = vector.load %arg13[%swap3A_1721, %swap3A_1722, %swap3A_1723] : memref<32x50x128xf32, #tpu.memory_space<vmem>>, vector<1x50x128xf32>
    %swap3A_1725 = vector.shape_cast %swap3A_1724 : vector<1x50x128xf32> to vector<50x128xf32>
    %swap3A_1726 = vector.shape_cast %div3A_1720 : vector<50x128xf32> to vector<1x50x128xf32>
    tpu.vector_store %arg13[%swap3A_1721, %swap3A_1722, %swap3A_1723], %swap3A_1726 {strides = array<i32>} : memref<32x50x128xf32, #tpu.memory_space<vmem>>, vector<1x50x128xf32>,
    %get3A_1727 = arith.constant 8 : index
    %get3A_1728 = arith.constant 0 : index
    %get3A_1729 = arith.constant 0 : index
    %get3A_1730 = vector.load %arg15[%get3A_1727, %get3A_1728, %get3A_1729] : memref<32x50x512xbf16, #tpu.memory_space<vmem>>, vector<1x50x512xbf16>
    %get3A_1731 = vector.shape_cast %get3A_1730 : vector<1x50x512xbf16> to vector<50x512xbf16>
    %get3A_1732 = arith.index_cast %rem3A_207 : i32 to index
    %get3A_1733 = arith.constant 0 : index
    %get3A_1734 = arith.constant 0 : index
    %get3A_1735 = vector.load %arg7[%get3A_1732, %get3A_1733, %get3A_1734] : memref<8x512x128xbf16, #tpu.memory_space<vmem>>, vector<1x512x128xbf16>
    %get3A_1736 = vector.shape_cast %get3A_1735 : vector<1x512x128xbf16> to vector<512x128xbf16>
    %dot_general3A_1737 = arith.constant dense<0.000000e+00> : vector<50x128xf32>
    %dot_general3A_1738 = tpu.matmul %get3A_1731, %get3A_1736, %dot_general3A_1737 {dimension_numbers = #tpu.dot_dimension_numbers<[1], [0], [0], [1], [0, 0, 1, 1], [], []>, transpose_lhs_hint = false} : vector<50x512xbf16>, vector<512x128xbf16>, vector<50x128xf32> -> vector<50x128xf32>
    %get3A_1739 = arith.constant 0 : index
    %get3A_1740 = arith.constant 0 : index
    %get3A_1741 = vector.load %arg8[%get3A_1739, %get3A_1740] : memref<512x128xbf16, #tpu.memory_space<vmem>>, vector<512x128xbf16>
    %dot_general3A_1742 = arith.constant dense<0.000000e+00> : vector<50x128xf32>
    %dot_general3A_1743 = tpu.matmul %get3A_1731, %get3A_1741, %dot_general3A_1742 {dimension_numbers = #tpu.dot_dimension_numbers<[1], [0], [0], [1], [0, 0, 1, 1], [], []>, transpose_lhs_hint = false} : vector<50x512xbf16>, vector<512x128xbf16>, vector<50x128xf32> -> vector<50x128xf32>
    %div3A_1744 = arith.divf %dot_general3A_1738, %dot_general3A_1743 : vector<50x128xf32>
    %swap3A_1745 = arith.constant 8 : index
    %swap3A_1746 = arith.constant 0 : index
    %swap3A_1747 = arith.constant 0 : index
    %swap3A_1748 = vector.load %arg13[%swap3A_1745, %swap3A_1746, %swap3A_1747] : memref<32x50x128xf32, #tpu.memory_space<vmem>>, vector<1x50x128xf32>
    %swap3A_1749 = vector.shape_cast %swap3A_1748 : vector<1x50x128xf32> to vector<50x128xf32>
    %swap3A_1750 = vector.shape_cast %div3A_1744 : vector<50x128xf32> to vector<1x50x128xf32>
    tpu.vector_store %arg13[%swap3A_1745, %swap3A_1746, %swap3A_1747], %swap3A_1750 {strides = array<i32>} : memref<32x50x128xf32, #tpu.memory_space<vmem>>, vector<1x50x128xf32>,
    %get3A_1751 = arith.constant 9 : index
    %get3A_1752 = arith.constant 0 : index
    %get3A_1753 = arith.constant 0 : index
    %get3A_1754 = vector.load %arg15[%get3A_1751, %get3A_1752, %get3A_1753] : memref<32x50x512xbf16, #tpu.memory_space<vmem>>, vector<1x50x512xbf16>
    %get3A_1755 = vector.shape_cast %get3A_1754 : vector<1x50x512xbf16> to vector<50x512xbf16>
    %get3A_1756 = arith.index_cast %rem3A_209 : i32 to index
    %get3A_1757 = arith.constant 0 : index
    %get3A_1758 = arith.constant 0 : index
    %get3A_1759 = vector.load %arg7[%get3A_1756, %get3A_1757, %get3A_1758] : memref<8x512x128xbf16, #tpu.memory_space<vmem>>, vector<1x512x128xbf16>
    %get3A_1760 = vector.shape_cast %get3A_1759 : vector<1x512x128xbf16> to vector<512x128xbf16>
    %dot_general3A_1761 = arith.constant dense<0.000000e+00> : vector<50x128xf32>
    %dot_general3A_1762 = tpu.matmul %get3A_1755, %get3A_1760, %dot_general3A_1761 {dimension_numbers = #tpu.dot_dimension_numbers<[1], [0], [0], [1], [0, 0, 1, 1], [], []>, transpose_lhs_hint = false} : vector<50x512xbf16>, vector<512x128xbf16>, vector<50x128xf32> -> vector<50x128xf32>
    %get3A_1763 = arith.constant 0 : index
    %get3A_1764 = arith.constant 0 : index
    %get3A_1765 = vector.load %arg8[%get3A_1763, %get3A_1764] : memref<512x128xbf16, #tpu.memory_space<vmem>>, vector<512x128xbf16>
    %dot_general3A_1766 = arith.constant dense<0.000000e+00> : vector<50x128xf32>
    %dot_general3A_1767 = tpu.matmul %get3A_1755, %get3A_1765, %dot_general3A_1766 {dimension_numbers = #tpu.dot_dimension_numbers<[1], [0], [0], [1], [0, 0, 1, 1], [], []>, transpose_lhs_hint = false} : vector<50x512xbf16>, vector<512x128xbf16>, vector<50x128xf32> -> vector<50x128xf32>
    %div3A_1768 = arith.divf %dot_general3A_1762, %dot_general3A_1767 : vector<50x128xf32>
    %swap3A_1769 = arith.constant 9 : index
    %swap3A_1770 = arith.constant 0 : index
    %swap3A_1771 = arith.constant 0 : index
    %swap3A_1772 = vector.load %arg13[%swap3A_1769, %swap3A_1770, %swap3A_1771] : memref<32x50x128xf32, #tpu.memory_space<vmem>>, vector<1x50x128xf32>
    %swap3A_1773 = vector.shape_cast %swap3A_1772 : vector<1x50x128xf32> to vector<50x128xf32>
    %swap3A_1774 = vector.shape_cast %div3A_1768 : vector<50x128xf32> to vector<1x50x128xf32>
    tpu.vector_store %arg13[%swap3A_1769, %swap3A_1770, %swap3A_1771], %swap3A_1774 {strides = array<i32>} : memref<32x50x128xf32, #tpu.memory_space<vmem>>, vector<1x50x128xf32>,
    %get3A_1775 = arith.constant 10 : index
    %get3A_1776 = arith.constant 0 : index
    %get3A_1777 = arith.constant 0 : index
    %get3A_1778 = vector.load %arg15[%get3A_1775, %get3A_1776, %get3A_1777] : memref<32x50x512xbf16, #tpu.memory_space<vmem>>, vector<1x50x512xbf16>
    %get3A_1779 = vector.shape_cast %get3A_1778 : vector<1x50x512xbf16> to vector<50x512xbf16>
    %get3A_1780 = arith.index_cast %rem3A_211 : i32 to index
    %get3A_1781 = arith.constant 0 : index
    %get3A_1782 = arith.constant 0 : index
    %get3A_1783 = vector.load %arg7[%get3A_1780, %get3A_1781, %get3A_1782] : memref<8x512x128xbf16, #tpu.memory_space<vmem>>, vector<1x512x128xbf16>
    %get3A_1784 = vector.shape_cast %get3A_1783 : vector<1x512x128xbf16> to vector<512x128xbf16>
    %dot_general3A_1785 = arith.constant dense<0.000000e+00> : vector<50x128xf32>
    %dot_general3A_1786 = tpu.matmul %get3A_1779, %get3A_1784, %dot_general3A_1785 {dimension_numbers = #tpu.dot_dimension_numbers<[1], [0], [0], [1], [0, 0, 1, 1], [], []>, transpose_lhs_hint = false} : vector<50x512xbf16>, vector<512x128xbf16>, vector<50x128xf32> -> vector<50x128xf32>
    %get3A_1787 = arith.constant 0 : index
    %get3A_1788 = arith.constant 0 : index
    %get3A_1789 = vector.load %arg8[%get3A_1787, %get3A_1788] : memref<512x128xbf16, #tpu.memory_space<vmem>>, vector<512x128xbf16>
    %dot_general3A_1790 = arith.constant dense<0.000000e+00> : vector<50x128xf32>
    %dot_general3A_1791 = tpu.matmul %get3A_1779, %get3A_1789, %dot_general3A_1790 {dimension_numbers = #tpu.dot_dimension_numbers<[1], [0], [0], [1], [0, 0, 1, 1], [], []>, transpose_lhs_hint = false} : vector<50x512xbf16>, vector<512x128xbf16>, vector<50x128xf32> -> vector<50x128xf32>
    %div3A_1792 = arith.divf %dot_general3A_1786, %dot_general3A_1791 : vector<50x128xf32>
    %swap3A_1793 = arith.constant 10 : index
    %swap3A_1794 = arith.constant 0 : index
    %swap3A_1795 = arith.constant 0 : index
    %swap3A_1796 = vector.load %arg13[%swap3A_1793, %swap3A_1794, %swap3A_1795] : memref<32x50x128xf32, #tpu.memory_space<vmem>>, vector<1x50x128xf32>
    %swap3A_1797 = vector.shape_cast %swap3A_1796 : vector<1x50x128xf32> to vector<50x128xf32>
    %swap3A_1798 = vector.shape_cast %div3A_1792 : vector<50x128xf32> to vector<1x50x128xf32>
    tpu.vector_store %arg13[%swap3A_1793, %swap3A_1794, %swap3A_1795], %swap3A_1798 {strides = array<i32>} : memref<32x50x128xf32, #tpu.memory_space<vmem>>, vector<1x50x128xf32>,
    %get3A_1799 = arith.constant 11 : index
    %get3A_1800 = arith.constant 0 : index
    %get3A_1801 = arith.constant 0 : index
    %get3A_1802 = vector.load %arg15[%get3A_1799, %get3A_1800, %get3A_1801] : memref<32x50x512xbf16, #tpu.memory_space<vmem>>, vector<1x50x512xbf16>
    %get3A_1803 = vector.shape_cast %get3A_1802 : vector<1x50x512xbf16> to vector<50x512xbf16>
    %get3A_1804 = arith.index_cast %rem3A_213 : i32 to index
    %get3A_1805 = arith.constant 0 : index
    %get3A_1806 = arith.constant 0 : index
    %get3A_1807 = vector.load %arg7[%get3A_1804, %get3A_1805, %get3A_1806] : memref<8x512x128xbf16, #tpu.memory_space<vmem>>, vector<1x512x128xbf16>
    %get3A_1808 = vector.shape_cast %get3A_1807 : vector<1x512x128xbf16> to vector<512x128xbf16>
    %dot_general3A_1809 = arith.constant dense<0.000000e+00> : vector<50x128xf32>
    %dot_general3A_1810 = tpu.matmul %get3A_1803, %get3A_1808, %dot_general3A_1809 {dimension_numbers = #tpu.dot_dimension_numbers<[1], [0], [0], [1], [0, 0, 1, 1], [], []>, transpose_lhs_hint = false} : vector<50x512xbf16>, vector<512x128xbf16>, vector<50x128xf32> -> vector<50x128xf32>
    %get3A_1811 = arith.constant 0 : index
    %get3A_1812 = arith.constant 0 : index
    %get3A_1813 = vector.load %arg8[%get3A_1811, %get3A_1812] : memref<512x128xbf16, #tpu.memory_space<vmem>>, vector<512x128xbf16>
    %dot_general3A_1814 = arith.constant dense<0.000000e+00> : vector<50x128xf32>
    %dot_general3A_1815 = tpu.matmul %get3A_1803, %get3A_1813, %dot_general3A_1814 {dimension_numbers = #tpu.dot_dimension_numbers<[1], [0], [0], [1], [0, 0, 1, 1], [], []>, transpose_lhs_hint = false} : vector<50x512xbf16>, vector<512x128xbf16>, vector<50x128xf32> -> vector<50x128xf32>
    %div3A_1816 = arith.divf %dot_general3A_1810, %dot_general3A_1815 : vector<50x128xf32>
    %swap3A_1817 = arith.constant 11 : index
    %swap3A_1818 = arith.constant 0 : index
    %swap3A_1819 = arith.constant 0 : index
    %swap3A_1820 = vector.load %arg13[%swap3A_1817, %swap3A_1818, %swap3A_1819] : memref<32x50x128xf32, #tpu.memory_space<vmem>>, vector<1x50x128xf32>
    %swap3A_1821 = vector.shape_cast %swap3A_1820 : vector<1x50x128xf32> to vector<50x128xf32>
    %swap3A_1822 = vector.shape_cast %div3A_1816 : vector<50x128xf32> to vector<1x50x128xf32>
    tpu.vector_store %arg13[%swap3A_1817, %swap3A_1818, %swap3A_1819], %swap3A_1822 {strides = array<i32>} : memref<32x50x128xf32, #tpu.memory_space<vmem>>, vector<1x50x128xf32>,
    %get3A_1823 = arith.constant 12 : index
    %get3A_1824 = arith.constant 0 : index
    %get3A_1825 = arith.constant 0 : index
    %get3A_1826 = vector.load %arg15[%get3A_1823, %get3A_1824, %get3A_1825] : memref<32x50x512xbf16, #tpu.memory_space<vmem>>, vector<1x50x512xbf16>
    %get3A_1827 = vector.shape_cast %get3A_1826 : vector<1x50x512xbf16> to vector<50x512xbf16>
    %get3A_1828 = arith.index_cast %rem3A_215 : i32 to index
    %get3A_1829 = arith.constant 0 : index
    %get3A_1830 = arith.constant 0 : index
    %get3A_1831 = vector.load %arg7[%get3A_1828, %get3A_1829, %get3A_1830] : memref<8x512x128xbf16, #tpu.memory_space<vmem>>, vector<1x512x128xbf16>
    %get3A_1832 = vector.shape_cast %get3A_1831 : vector<1x512x128xbf16> to vector<512x128xbf16>
    %dot_general3A_1833 = arith.constant dense<0.000000e+00> : vector<50x128xf32>
    %dot_general3A_1834 = tpu.matmul %get3A_1827, %get3A_1832, %dot_general3A_1833 {dimension_numbers = #tpu.dot_dimension_numbers<[1], [0], [0], [1], [0, 0, 1, 1], [], []>, transpose_lhs_hint = false} : vector<50x512xbf16>, vector<512x128xbf16>, vector<50x128xf32> -> vector<50x128xf32>
    %get3A_1835 = arith.constant 0 : index
    %get3A_1836 = arith.constant 0 : index
    %get3A_1837 = vector.load %arg8[%get3A_1835, %get3A_1836] : memref<512x128xbf16, #tpu.memory_space<vmem>>, vector<512x128xbf16>
    %dot_general3A_1838 = arith.constant dense<0.000000e+00> : vector<50x128xf32>
    %dot_general3A_1839 = tpu.matmul %get3A_1827, %get3A_1837, %dot_general3A_1838 {dimension_numbers = #tpu.dot_dimension_numbers<[1], [0], [0], [1], [0, 0, 1, 1], [], []>, transpose_lhs_hint = false} : vector<50x512xbf16>, vector<512x128xbf16>, vector<50x128xf32> -> vector<50x128xf32>
    %div3A_1840 = arith.divf %dot_general3A_1834, %dot_general3A_1839 : vector<50x128xf32>
    %swap3A_1841 = arith.constant 12 : index
    %swap3A_1842 = arith.constant 0 : index
    %swap3A_1843 = arith.constant 0 : index
    %swap3A_1844 = vector.load %arg13[%swap3A_1841, %swap3A_1842, %swap3A_1843] : memref<32x50x128xf32, #tpu.memory_space<vmem>>, vector<1x50x128xf32>
    %swap3A_1845 = vector.shape_cast %swap3A_1844 : vector<1x50x128xf32> to vector<50x128xf32>
    %swap3A_1846 = vector.shape_cast %div3A_1840 : vector<50x128xf32> to vector<1x50x128xf32>
    tpu.vector_store %arg13[%swap3A_1841, %swap3A_1842, %swap3A_1843], %swap3A_1846 {strides = array<i32>} : memref<32x50x128xf32, #tpu.memory_space<vmem>>, vector<1x50x128xf32>,
    %get3A_1847 = arith.constant 13 : index
    %get3A_1848 = arith.constant 0 : index
    %get3A_1849 = arith.constant 0 : index
    %get3A_1850 = vector.load %arg15[%get3A_1847, %get3A_1848, %get3A_1849] : memref<32x50x512xbf16, #tpu.memory_space<vmem>>, vector<1x50x512xbf16>
    %get3A_1851 = vector.shape_cast %get3A_1850 : vector<1x50x512xbf16> to vector<50x512xbf16>
    %get3A_1852 = arith.index_cast %rem3A_217 : i32 to index
    %get3A_1853 = arith.constant 0 : index
    %get3A_1854 = arith.constant 0 : index
    %get3A_1855 = vector.load %arg7[%get3A_1852, %get3A_1853, %get3A_1854] : memref<8x512x128xbf16, #tpu.memory_space<vmem>>, vector<1x512x128xbf16>
    %get3A_1856 = vector.shape_cast %get3A_1855 : vector<1x512x128xbf16> to vector<512x128xbf16>
    %dot_general3A_1857 = arith.constant dense<0.000000e+00> : vector<50x128xf32>
    %dot_general3A_1858 = tpu.matmul %get3A_1851, %get3A_1856, %dot_general3A_1857 {dimension_numbers = #tpu.dot_dimension_numbers<[1], [0], [0], [1], [0, 0, 1, 1], [], []>, transpose_lhs_hint = false} : vector<50x512xbf16>, vector<512x128xbf16>, vector<50x128xf32> -> vector<50x128xf32>
    %get3A_1859 = arith.constant 0 : index
    %get3A_1860 = arith.constant 0 : index
    %get3A_1861 = vector.load %arg8[%get3A_1859, %get3A_1860] : memref<512x128xbf16, #tpu.memory_space<vmem>>, vector<512x128xbf16>
    %dot_general3A_1862 = arith.constant dense<0.000000e+00> : vector<50x128xf32>
    %dot_general3A_1863 = tpu.matmul %get3A_1851, %get3A_1861, %dot_general3A_1862 {dimension_numbers = #tpu.dot_dimension_numbers<[1], [0], [0], [1], [0, 0, 1, 1], [], []>, transpose_lhs_hint = false} : vector<50x512xbf16>, vector<512x128xbf16>, vector<50x128xf32> -> vector<50x128xf32>
    %div3A_1864 = arith.divf %dot_general3A_1858, %dot_general3A_1863 : vector<50x128xf32>
    %swap3A_1865 = arith.constant 13 : index
    %swap3A_1866 = arith.constant 0 : index
    %swap3A_1867 = arith.constant 0 : index
    %swap3A_1868 = vector.load %arg13[%swap3A_1865, %swap3A_1866, %swap3A_1867] : memref<32x50x128xf32, #tpu.memory_space<vmem>>, vector<1x50x128xf32>
    %swap3A_1869 = vector.shape_cast %swap3A_1868 : vector<1x50x128xf32> to vector<50x128xf32>
    %swap3A_1870 = vector.shape_cast %div3A_1864 : vector<50x128xf32> to vector<1x50x128xf32>
    tpu.vector_store %arg13[%swap3A_1865, %swap3A_1866, %swap3A_1867], %swap3A_1870 {strides = array<i32>} : memref<32x50x128xf32, #tpu.memory_space<vmem>>, vector<1x50x128xf32>,
    %get3A_1871 = arith.constant 14 : index
    %get3A_1872 = arith.constant 0 : index
    %get3A_1873 = arith.constant 0 : index
    %get3A_1874 = vector.load %arg15[%get3A_1871, %get3A_1872, %get3A_1873] : memref<32x50x512xbf16, #tpu.memory_space<vmem>>, vector<1x50x512xbf16>
    %get3A_1875 = vector.shape_cast %get3A_1874 : vector<1x50x512xbf16> to vector<50x512xbf16>
    %get3A_1876 = arith.index_cast %rem3A_219 : i32 to index
    %get3A_1877 = arith.constant 0 : index
    %get3A_1878 = arith.constant 0 : index
    %get3A_1879 = vector.load %arg7[%get3A_1876, %get3A_1877, %get3A_1878] : memref<8x512x128xbf16, #tpu.memory_space<vmem>>, vector<1x512x128xbf16>
    %get3A_1880 = vector.shape_cast %get3A_1879 : vector<1x512x128xbf16> to vector<512x128xbf16>
    %dot_general3A_1881 = arith.constant dense<0.000000e+00> : vector<50x128xf32>
    %dot_general3A_1882 = tpu.matmul %get3A_1875, %get3A_1880, %dot_general3A_1881 {dimension_numbers = #tpu.dot_dimension_numbers<[1], [0], [0], [1], [0, 0, 1, 1], [], []>, transpose_lhs_hint = false} : vector<50x512xbf16>, vector<512x128xbf16>, vector<50x128xf32> -> vector<50x128xf32>
    %get3A_1883 = arith.constant 0 : index
    %get3A_1884 = arith.constant 0 : index
    %get3A_1885 = vector.load %arg8[%get3A_1883, %get3A_1884] : memref<512x128xbf16, #tpu.memory_space<vmem>>, vector<512x128xbf16>
    %dot_general3A_1886 = arith.constant dense<0.000000e+00> : vector<50x128xf32>
    %dot_general3A_1887 = tpu.matmul %get3A_1875, %get3A_1885, %dot_general3A_1886 {dimension_numbers = #tpu.dot_dimension_numbers<[1], [0], [0], [1], [0, 0, 1, 1], [], []>, transpose_lhs_hint = false} : vector<50x512xbf16>, vector<512x128xbf16>, vector<50x128xf32> -> vector<50x128xf32>
    %div3A_1888 = arith.divf %dot_general3A_1882, %dot_general3A_1887 : vector<50x128xf32>
    %swap3A_1889 = arith.constant 14 : index
    %swap3A_1890 = arith.constant 0 : index
    %swap3A_1891 = arith.constant 0 : index
    %swap3A_1892 = vector.load %arg13[%swap3A_1889, %swap3A_1890, %swap3A_1891] : memref<32x50x128xf32, #tpu.memory_space<vmem>>, vector<1x50x128xf32>
    %swap3A_1893 = vector.shape_cast %swap3A_1892 : vector<1x50x128xf32> to vector<50x128xf32>
    %swap3A_1894 = vector.shape_cast %div3A_1888 : vector<50x128xf32> to vector<1x50x128xf32>
    tpu.vector_store %arg13[%swap3A_1889, %swap3A_1890, %swap3A_1891], %swap3A_1894 {strides = array<i32>} : memref<32x50x128xf32, #tpu.memory_space<vmem>>, vector<1x50x128xf32>,
    %get3A_1895 = arith.constant 15 : index
    %get3A_1896 = arith.constant 0 : index
    %get3A_1897 = arith.constant 0 : index
    %get3A_1898 = vector.load %arg15[%get3A_1895, %get3A_1896, %get3A_1897] : memref<32x50x512xbf16, #tpu.memory_space<vmem>>, vector<1x50x512xbf16>
    %get3A_1899 = vector.shape_cast %get3A_1898 : vector<1x50x512xbf16> to vector<50x512xbf16>
    %get3A_1900 = arith.index_cast %rem3A_221 : i32 to index
    %get3A_1901 = arith.constant 0 : index
    %get3A_1902 = arith.constant 0 : index
    %get3A_1903 = vector.load %arg7[%get3A_1900, %get3A_1901, %get3A_1902] : memref<8x512x128xbf16, #tpu.memory_space<vmem>>, vector<1x512x128xbf16>
    %get3A_1904 = vector.shape_cast %get3A_1903 : vector<1x512x128xbf16> to vector<512x128xbf16>
    %dot_general3A_1905 = arith.constant dense<0.000000e+00> : vector<50x128xf32>
    %dot_general3A_1906 = tpu.matmul %get3A_1899, %get3A_1904, %dot_general3A_1905 {dimension_numbers = #tpu.dot_dimension_numbers<[1], [0], [0], [1], [0, 0, 1, 1], [], []>, transpose_lhs_hint = false} : vector<50x512xbf16>, vector<512x128xbf16>, vector<50x128xf32> -> vector<50x128xf32>
    %get3A_1907 = arith.constant 0 : index
    %get3A_1908 = arith.constant 0 : index
    %get3A_1909 = vector.load %arg8[%get3A_1907, %get3A_1908] : memref<512x128xbf16, #tpu.memory_space<vmem>>, vector<512x128xbf16>
    %dot_general3A_1910 = arith.constant dense<0.000000e+00> : vector<50x128xf32>
    %dot_general3A_1911 = tpu.matmul %get3A_1899, %get3A_1909, %dot_general3A_1910 {dimension_numbers = #tpu.dot_dimension_numbers<[1], [0], [0], [1], [0, 0, 1, 1], [], []>, transpose_lhs_hint = false} : vector<50x512xbf16>, vector<512x128xbf16>, vector<50x128xf32> -> vector<50x128xf32>
    %div3A_1912 = arith.divf %dot_general3A_1906, %dot_general3A_1911 : vector<50x128xf32>
    %swap3A_1913 = arith.constant 15 : index
    %swap3A_1914 = arith.constant 0 : index
    %swap3A_1915 = arith.constant 0 : index
    %swap3A_1916 = vector.load %arg13[%swap3A_1913, %swap3A_1914, %swap3A_1915] : memref<32x50x128xf32, #tpu.memory_space<vmem>>, vector<1x50x128xf32>
    %swap3A_1917 = vector.shape_cast %swap3A_1916 : vector<1x50x128xf32> to vector<50x128xf32>
    %swap3A_1918 = vector.shape_cast %div3A_1912 : vector<50x128xf32> to vector<1x50x128xf32>
    tpu.vector_store %arg13[%swap3A_1913, %swap3A_1914, %swap3A_1915], %swap3A_1918 {strides = array<i32>} : memref<32x50x128xf32, #tpu.memory_space<vmem>>, vector<1x50x128xf32>,
    %get3A_1919 = arith.constant 16 : index
    %get3A_1920 = arith.constant 0 : index
    %get3A_1921 = arith.constant 0 : index
    %get3A_1922 = vector.load %arg15[%get3A_1919, %get3A_1920, %get3A_1921] : memref<32x50x512xbf16, #tpu.memory_space<vmem>>, vector<1x50x512xbf16>
    %get3A_1923 = vector.shape_cast %get3A_1922 : vector<1x50x512xbf16> to vector<50x512xbf16>
    %get3A_1924 = arith.index_cast %rem3A_223 : i32 to index
    %get3A_1925 = arith.constant 0 : index
    %get3A_1926 = arith.constant 0 : index
    %get3A_1927 = vector.load %arg7[%get3A_1924, %get3A_1925, %get3A_1926] : memref<8x512x128xbf16, #tpu.memory_space<vmem>>, vector<1x512x128xbf16>
    %get3A_1928 = vector.shape_cast %get3A_1927 : vector<1x512x128xbf16> to vector<512x128xbf16>
    %dot_general3A_1929 = arith.constant dense<0.000000e+00> : vector<50x128xf32>
    %dot_general3A_1930 = tpu.matmul %get3A_1923, %get3A_1928, %dot_general3A_1929 {dimension_numbers = #tpu.dot_dimension_numbers<[1], [0], [0], [1], [0, 0, 1, 1], [], []>, transpose_lhs_hint = false} : vector<50x512xbf16>, vector<512x128xbf16>, vector<50x128xf32> -> vector<50x128xf32>
    %get3A_1931 = arith.constant 0 : index
    %get3A_1932 = arith.constant 0 : index
    %get3A_1933 = vector.load %arg8[%get3A_1931, %get3A_1932] : memref<512x128xbf16, #tpu.memory_space<vmem>>, vector<512x128xbf16>
    %dot_general3A_1934 = arith.constant dense<0.000000e+00> : vector<50x128xf32>
    %dot_general3A_1935 = tpu.matmul %get3A_1923, %get3A_1933, %dot_general3A_1934 {dimension_numbers = #tpu.dot_dimension_numbers<[1], [0], [0], [1], [0, 0, 1, 1], [], []>, transpose_lhs_hint = false} : vector<50x512xbf16>, vector<512x128xbf16>, vector<50x128xf32> -> vector<50x128xf32>
    %div3A_1936 = arith.divf %dot_general3A_1930, %dot_general3A_1935 : vector<50x128xf32>
    %swap3A_1937 = arith.constant 16 : index
    %swap3A_1938 = arith.constant 0 : index
    %swap3A_1939 = arith.constant 0 : index
    %swap3A_1940 = vector.load %arg13[%swap3A_1937, %swap3A_1938, %swap3A_1939] : memref<32x50x128xf32, #tpu.memory_space<vmem>>, vector<1x50x128xf32>
    %swap3A_1941 = vector.shape_cast %swap3A_1940 : vector<1x50x128xf32> to vector<50x128xf32>
    %swap3A_1942 = vector.shape_cast %div3A_1936 : vector<50x128xf32> to vector<1x50x128xf32>
    tpu.vector_store %arg13[%swap3A_1937, %swap3A_1938, %swap3A_1939], %swap3A_1942 {strides = array<i32>} : memref<32x50x128xf32, #tpu.memory_space<vmem>>, vector<1x50x128xf32>,
    %get3A_1943 = arith.constant 17 : index
    %get3A_1944 = arith.constant 0 : index
    %get3A_1945 = arith.constant 0 : index
    %get3A_1946 = vector.load %arg15[%get3A_1943, %get3A_1944, %get3A_1945] : memref<32x50x512xbf16, #tpu.memory_space<vmem>>, vector<1x50x512xbf16>
    %get3A_1947 = vector.shape_cast %get3A_1946 : vector<1x50x512xbf16> to vector<50x512xbf16>
    %get3A_1948 = arith.index_cast %rem3A_225 : i32 to index
    %get3A_1949 = arith.constant 0 : index
    %get3A_1950 = arith.constant 0 : index
    %get3A_1951 = vector.load %arg7[%get3A_1948, %get3A_1949, %get3A_1950] : memref<8x512x128xbf16, #tpu.memory_space<vmem>>, vector<1x512x128xbf16>
    %get3A_1952 = vector.shape_cast %get3A_1951 : vector<1x512x128xbf16> to vector<512x128xbf16>
    %dot_general3A_1953 = arith.constant dense<0.000000e+00> : vector<50x128xf32>
    %dot_general3A_1954 = tpu.matmul %get3A_1947, %get3A_1952, %dot_general3A_1953 {dimension_numbers = #tpu.dot_dimension_numbers<[1], [0], [0], [1], [0, 0, 1, 1], [], []>, transpose_lhs_hint = false} : vector<50x512xbf16>, vector<512x128xbf16>, vector<50x128xf32> -> vector<50x128xf32>
    %get3A_1955 = arith.constant 0 : index
    %get3A_1956 = arith.constant 0 : index
    %get3A_1957 = vector.load %arg8[%get3A_1955, %get3A_1956] : memref<512x128xbf16, #tpu.memory_space<vmem>>, vector<512x128xbf16>
    %dot_general3A_1958 = arith.constant dense<0.000000e+00> : vector<50x128xf32>
    %dot_general3A_1959 = tpu.matmul %get3A_1947, %get3A_1957, %dot_general3A_1958 {dimension_numbers = #tpu.dot_dimension_numbers<[1], [0], [0], [1], [0, 0, 1, 1], [], []>, transpose_lhs_hint = false} : vector<50x512xbf16>, vector<512x128xbf16>, vector<50x128xf32> -> vector<50x128xf32>
    %div3A_1960 = arith.divf %dot_general3A_1954, %dot_general3A_1959 : vector<50x128xf32>
    %swap3A_1961 = arith.constant 17 : index
    %swap3A_1962 = arith.constant 0 : index
    %swap3A_1963 = arith.constant 0 : index
    %swap3A_1964 = vector.load %arg13[%swap3A_1961, %swap3A_1962, %swap3A_1963] : memref<32x50x128xf32, #tpu.memory_space<vmem>>, vector<1x50x128xf32>
    %swap3A_1965 = vector.shape_cast %swap3A_1964 : vector<1x50x128xf32> to vector<50x128xf32>
    %swap3A_1966 = vector.shape_cast %div3A_1960 : vector<50x128xf32> to vector<1x50x128xf32>
    tpu.vector_store %arg13[%swap3A_1961, %swap3A_1962, %swap3A_1963], %swap3A_1966 {strides = array<i32>} : memref<32x50x128xf32, #tpu.memory_space<vmem>>, vector<1x50x128xf32>,
    %get3A_1967 = arith.constant 18 : index
    %get3A_1968 = arith.constant 0 : index
    %get3A_1969 = arith.constant 0 : index
    %get3A_1970 = vector.load %arg15[%get3A_1967, %get3A_1968, %get3A_1969] : memref<32x50x512xbf16, #tpu.memory_space<vmem>>, vector<1x50x512xbf16>
    %get3A_1971 = vector.shape_cast %get3A_1970 : vector<1x50x512xbf16> to vector<50x512xbf16>
    %get3A_1972 = arith.index_cast %rem3A_227 : i32 to index
    %get3A_1973 = arith.constant 0 : index
    %get3A_1974 = arith.constant 0 : index
    %get3A_1975 = vector.load %arg7[%get3A_1972, %get3A_1973, %get3A_1974] : memref<8x512x128xbf16, #tpu.memory_space<vmem>>, vector<1x512x128xbf16>
    %get3A_1976 = vector.shape_cast %get3A_1975 : vector<1x512x128xbf16> to vector<512x128xbf16>
    %dot_general3A_1977 = arith.constant dense<0.000000e+00> : vector<50x128xf32>
    %dot_general3A_1978 = tpu.matmul %get3A_1971, %get3A_1976, %dot_general3A_1977 {dimension_numbers = #tpu.dot_dimension_numbers<[1], [0], [0], [1], [0, 0, 1, 1], [], []>, transpose_lhs_hint = false} : vector<50x512xbf16>, vector<512x128xbf16>, vector<50x128xf32> -> vector<50x128xf32>
    %get3A_1979 = arith.constant 0 : index
    %get3A_1980 = arith.constant 0 : index
    %get3A_1981 = vector.load %arg8[%get3A_1979, %get3A_1980] : memref<512x128xbf16, #tpu.memory_space<vmem>>, vector<512x128xbf16>
    %dot_general3A_1982 = arith.constant dense<0.000000e+00> : vector<50x128xf32>
    %dot_general3A_1983 = tpu.matmul %get3A_1971, %get3A_1981, %dot_general3A_1982 {dimension_numbers = #tpu.dot_dimension_numbers<[1], [0], [0], [1], [0, 0, 1, 1], [], []>, transpose_lhs_hint = false} : vector<50x512xbf16>, vector<512x128xbf16>, vector<50x128xf32> -> vector<50x128xf32>
    %div3A_1984 = arith.divf %dot_general3A_1978, %dot_general3A_1983 : vector<50x128xf32>
    %swap3A_1985 = arith.constant 18 : index
    %swap3A_1986 = arith.constant 0 : index
    %swap3A_1987 = arith.constant 0 : index
    %swap3A_1988 = vector.load %arg13[%swap3A_1985, %swap3A_1986, %swap3A_1987] : memref<32x50x128xf32, #tpu.memory_space<vmem>>, vector<1x50x128xf32>
    %swap3A_1989 = vector.shape_cast %swap3A_1988 : vector<1x50x128xf32> to vector<50x128xf32>
    %swap3A_1990 = vector.shape_cast %div3A_1984 : vector<50x128xf32> to vector<1x50x128xf32>
    tpu.vector_store %arg13[%swap3A_1985, %swap3A_1986, %swap3A_1987], %swap3A_1990 {strides = array<i32>} : memref<32x50x128xf32, #tpu.memory_space<vmem>>, vector<1x50x128xf32>,
    %get3A_1991 = arith.constant 19 : index
    %get3A_1992 = arith.constant 0 : index
    %get3A_1993 = arith.constant 0 : index
    %get3A_1994 = vector.load %arg15[%get3A_1991, %get3A_1992, %get3A_1993] : memref<32x50x512xbf16, #tpu.memory_space<vmem>>, vector<1x50x512xbf16>
    %get3A_1995 = vector.shape_cast %get3A_1994 : vector<1x50x512xbf16> to vector<50x512xbf16>
    %get3A_1996 = arith.index_cast %rem3A_229 : i32 to index
    %get3A_1997 = arith.constant 0 : index
    %get3A_1998 = arith.constant 0 : index
    %get3A_1999 = vector.load %arg7[%get3A_1996, %get3A_1997, %get3A_1998] : memref<8x512x128xbf16, #tpu.memory_space<vmem>>, vector<1x512x128xbf16>
    %get3A_2000 = vector.shape_cast %get3A_1999 : vector<1x512x128xbf16> to vector<512x128xbf16>
    %dot_general3A_2001 = arith.constant dense<0.000000e+00> : vector<50x128xf32>
    %dot_general3A_2002 = tpu.matmul %get3A_1995, %get3A_2000, %dot_general3A_2001 {dimension_numbers = #tpu.dot_dimension_numbers<[1], [0], [0], [1], [0, 0, 1, 1], [], []>, transpose_lhs_hint = false} : vector<50x512xbf16>, vector<512x128xbf16>, vector<50x128xf32> -> vector<50x128xf32>
    %get3A_2003 = arith.constant 0 : index
    %get3A_2004 = arith.constant 0 : index
    %get3A_2005 = vector.load %arg8[%get3A_2003, %get3A_2004] : memref<512x128xbf16, #tpu.memory_space<vmem>>, vector<512x128xbf16>
    %dot_general3A_2006 = arith.constant dense<0.000000e+00> : vector<50x128xf32>
    %dot_general3A_2007 = tpu.matmul %get3A_1995, %get3A_2005, %dot_general3A_2006 {dimension_numbers = #tpu.dot_dimension_numbers<[1], [0], [0], [1], [0, 0, 1, 1], [], []>, transpose_lhs_hint = false} : vector<50x512xbf16>, vector<512x128xbf16>, vector<50x128xf32> -> vector<50x128xf32>
    %div3A_2008 = arith.divf %dot_general3A_2002, %dot_general3A_2007 : vector<50x128xf32>
    %swap3A_2009 = arith.constant 19 : index
    %swap3A_2010 = arith.constant 0 : index
    %swap3A_2011 = arith.constant 0 : index
    %swap3A_2012 = vector.load %arg13[%swap3A_2009, %swap3A_2010, %swap3A_2011] : memref<32x50x128xf32, #tpu.memory_space<vmem>>, vector<1x50x128xf32>
    %swap3A_2013 = vector.shape_cast %swap3A_2012 : vector<1x50x128xf32> to vector<50x128xf32>
    %swap3A_2014 = vector.shape_cast %div3A_2008 : vector<50x128xf32> to vector<1x50x128xf32>
    tpu.vector_store %arg13[%swap3A_2009, %swap3A_2010, %swap3A_2011], %swap3A_2014 {strides = array<i32>} : memref<32x50x128xf32, #tpu.memory_space<vmem>>, vector<1x50x128xf32>,
    %get3A_2015 = arith.constant 20 : index
    %get3A_2016 = arith.constant 0 : index
    %get3A_2017 = arith.constant 0 : index
    %get3A_2018 = vector.load %arg15[%get3A_2015, %get3A_2016, %get3A_2017] : memref<32x50x512xbf16, #tpu.memory_space<vmem>>, vector<1x50x512xbf16>
    %get3A_2019 = vector.shape_cast %get3A_2018 : vector<1x50x512xbf16> to vector<50x512xbf16>
    %get3A_2020 = arith.index_cast %rem3A_231 : i32 to index
    %get3A_2021 = arith.constant 0 : index
    %get3A_2022 = arith.constant 0 : index
    %get3A_2023 = vector.load %arg7[%get3A_2020, %get3A_2021, %get3A_2022] : memref<8x512x128xbf16, #tpu.memory_space<vmem>>, vector<1x512x128xbf16>
    %get3A_2024 = vector.shape_cast %get3A_2023 : vector<1x512x128xbf16> to vector<512x128xbf16>
    %dot_general3A_2025 = arith.constant dense<0.000000e+00> : vector<50x128xf32>
    %dot_general3A_2026 = tpu.matmul %get3A_2019, %get3A_2024, %dot_general3A_2025 {dimension_numbers = #tpu.dot_dimension_numbers<[1], [0], [0], [1], [0, 0, 1, 1], [], []>, transpose_lhs_hint = false} : vector<50x512xbf16>, vector<512x128xbf16>, vector<50x128xf32> -> vector<50x128xf32>
    %get3A_2027 = arith.constant 0 : index
    %get3A_2028 = arith.constant 0 : index
    %get3A_2029 = vector.load %arg8[%get3A_2027, %get3A_2028] : memref<512x128xbf16, #tpu.memory_space<vmem>>, vector<512x128xbf16>
    %dot_general3A_2030 = arith.constant dense<0.000000e+00> : vector<50x128xf32>
    %dot_general3A_2031 = tpu.matmul %get3A_2019, %get3A_2029, %dot_general3A_2030 {dimension_numbers = #tpu.dot_dimension_numbers<[1], [0], [0], [1], [0, 0, 1, 1], [], []>, transpose_lhs_hint = false} : vector<50x512xbf16>, vector<512x128xbf16>, vector<50x128xf32> -> vector<50x128xf32>
    %div3A_2032 = arith.divf %dot_general3A_2026, %dot_general3A_2031 : vector<50x128xf32>
    %swap3A_2033 = arith.constant 20 : index
    %swap3A_2034 = arith.constant 0 : index
    %swap3A_2035 = arith.constant 0 : index
    %swap3A_2036 = vector.load %arg13[%swap3A_2033, %swap3A_2034, %swap3A_2035] : memref<32x50x128xf32, #tpu.memory_space<vmem>>, vector<1x50x128xf32>
    %swap3A_2037 = vector.shape_cast %swap3A_2036 : vector<1x50x128xf32> to vector<50x128xf32>
    %swap3A_2038 = vector.shape_cast %div3A_2032 : vector<50x128xf32> to vector<1x50x128xf32>
    tpu.vector_store %arg13[%swap3A_2033, %swap3A_2034, %swap3A_2035], %swap3A_2038 {strides = array<i32>} : memref<32x50x128xf32, #tpu.memory_space<vmem>>, vector<1x50x128xf32>,
    %get3A_2039 = arith.constant 21 : index
    %get3A_2040 = arith.constant 0 : index
    %get3A_2041 = arith.constant 0 : index
    %get3A_2042 = vector.load %arg15[%get3A_2039, %get3A_2040, %get3A_2041] : memref<32x50x512xbf16, #tpu.memory_space<vmem>>, vector<1x50x512xbf16>
    %get3A_2043 = vector.shape_cast %get3A_2042 : vector<1x50x512xbf16> to vector<50x512xbf16>
    %get3A_2044 = arith.index_cast %rem3A_233 : i32 to index
    %get3A_2045 = arith.constant 0 : index
    %get3A_2046 = arith.constant 0 : index
    %get3A_2047 = vector.load %arg7[%get3A_2044, %get3A_2045, %get3A_2046] : memref<8x512x128xbf16, #tpu.memory_space<vmem>>, vector<1x512x128xbf16>
    %get3A_2048 = vector.shape_cast %get3A_2047 : vector<1x512x128xbf16> to vector<512x128xbf16>
    %dot_general3A_2049 = arith.constant dense<0.000000e+00> : vector<50x128xf32>
    %dot_general3A_2050 = tpu.matmul %get3A_2043, %get3A_2048, %dot_general3A_2049 {dimension_numbers = #tpu.dot_dimension_numbers<[1], [0], [0], [1], [0, 0, 1, 1], [], []>, transpose_lhs_hint = false} : vector<50x512xbf16>, vector<512x128xbf16>, vector<50x128xf32> -> vector<50x128xf32>
    %get3A_2051 = arith.constant 0 : index
    %get3A_2052 = arith.constant 0 : index
    %get3A_2053 = vector.load %arg8[%get3A_2051, %get3A_2052] : memref<512x128xbf16, #tpu.memory_space<vmem>>, vector<512x128xbf16>
    %dot_general3A_2054 = arith.constant dense<0.000000e+00> : vector<50x128xf32>
    %dot_general3A_2055 = tpu.matmul %get3A_2043, %get3A_2053, %dot_general3A_2054 {dimension_numbers = #tpu.dot_dimension_numbers<[1], [0], [0], [1], [0, 0, 1, 1], [], []>, transpose_lhs_hint = false} : vector<50x512xbf16>, vector<512x128xbf16>, vector<50x128xf32> -> vector<50x128xf32>
    %div3A_2056 = arith.divf %dot_general3A_2050, %dot_general3A_2055 : vector<50x128xf32>
    %swap3A_2057 = arith.constant 21 : index
    %swap3A_2058 = arith.constant 0 : index
    %swap3A_2059 = arith.constant 0 : index
    %swap3A_2060 = vector.load %arg13[%swap3A_2057, %swap3A_2058, %swap3A_2059] : memref<32x50x128xf32, #tpu.memory_space<vmem>>, vector<1x50x128xf32>
    %swap3A_2061 = vector.shape_cast %swap3A_2060 : vector<1x50x128xf32> to vector<50x128xf32>
    %swap3A_2062 = vector.shape_cast %div3A_2056 : vector<50x128xf32> to vector<1x50x128xf32>
    tpu.vector_store %arg13[%swap3A_2057, %swap3A_2058, %swap3A_2059], %swap3A_2062 {strides = array<i32>} : memref<32x50x128xf32, #tpu.memory_space<vmem>>, vector<1x50x128xf32>,
    %get3A_2063 = arith.constant 22 : index
    %get3A_2064 = arith.constant 0 : index
    %get3A_2065 = arith.constant 0 : index
    %get3A_2066 = vector.load %arg15[%get3A_2063, %get3A_2064, %get3A_2065] : memref<32x50x512xbf16, #tpu.memory_space<vmem>>, vector<1x50x512xbf16>
    %get3A_2067 = vector.shape_cast %get3A_2066 : vector<1x50x512xbf16> to vector<50x512xbf16>
    %get3A_2068 = arith.index_cast %rem3A_235 : i32 to index
    %get3A_2069 = arith.constant 0 : index
    %get3A_2070 = arith.constant 0 : index
    %get3A_2071 = vector.load %arg7[%get3A_2068, %get3A_2069, %get3A_2070] : memref<8x512x128xbf16, #tpu.memory_space<vmem>>, vector<1x512x128xbf16>
    %get3A_2072 = vector.shape_cast %get3A_2071 : vector<1x512x128xbf16> to vector<512x128xbf16>
    %dot_general3A_2073 = arith.constant dense<0.000000e+00> : vector<50x128xf32>
    %dot_general3A_2074 = tpu.matmul %get3A_2067, %get3A_2072, %dot_general3A_2073 {dimension_numbers = #tpu.dot_dimension_numbers<[1], [0], [0], [1], [0, 0, 1, 1], [], []>, transpose_lhs_hint = false} : vector<50x512xbf16>, vector<512x128xbf16>, vector<50x128xf32> -> vector<50x128xf32>
    %get3A_2075 = arith.constant 0 : index
    %get3A_2076 = arith.constant 0 : index
    %get3A_2077 = vector.load %arg8[%get3A_2075, %get3A_2076] : memref<512x128xbf16, #tpu.memory_space<vmem>>, vector<512x128xbf16>
    %dot_general3A_2078 = arith.constant dense<0.000000e+00> : vector<50x128xf32>
    %dot_general3A_2079 = tpu.matmul %get3A_2067, %get3A_2077, %dot_general3A_2078 {dimension_numbers = #tpu.dot_dimension_numbers<[1], [0], [0], [1], [0, 0, 1, 1], [], []>, transpose_lhs_hint = false} : vector<50x512xbf16>, vector<512x128xbf16>, vector<50x128xf32> -> vector<50x128xf32>
    %div3A_2080 = arith.divf %dot_general3A_2074, %dot_general3A_2079 : vector<50x128xf32>
    %swap3A_2081 = arith.constant 22 : index
    %swap3A_2082 = arith.constant 0 : index
    %swap3A_2083 = arith.constant 0 : index
    %swap3A_2084 = vector.load %arg13[%swap3A_2081, %swap3A_2082, %swap3A_2083] : memref<32x50x128xf32, #tpu.memory_space<vmem>>, vector<1x50x128xf32>
    %swap3A_2085 = vector.shape_cast %swap3A_2084 : vector<1x50x128xf32> to vector<50x128xf32>
    %swap3A_2086 = vector.shape_cast %div3A_2080 : vector<50x128xf32> to vector<1x50x128xf32>
    tpu.vector_store %arg13[%swap3A_2081, %swap3A_2082, %swap3A_2083], %swap3A_2086 {strides = array<i32>} : memref<32x50x128xf32, #tpu.memory_space<vmem>>, vector<1x50x128xf32>,
    %get3A_2087 = arith.constant 23 : index
    %get3A_2088 = arith.constant 0 : index
    %get3A_2089 = arith.constant 0 : index
    %get3A_2090 = vector.load %arg15[%get3A_2087, %get3A_2088, %get3A_2089] : memref<32x50x512xbf16, #tpu.memory_space<vmem>>, vector<1x50x512xbf16>
    %get3A_2091 = vector.shape_cast %get3A_2090 : vector<1x50x512xbf16> to vector<50x512xbf16>
    %get3A_2092 = arith.index_cast %rem3A_237 : i32 to index
    %get3A_2093 = arith.constant 0 : index
    %get3A_2094 = arith.constant 0 : index
    %get3A_2095 = vector.load %arg7[%get3A_2092, %get3A_2093, %get3A_2094] : memref<8x512x128xbf16, #tpu.memory_space<vmem>>, vector<1x512x128xbf16>
    %get3A_2096 = vector.shape_cast %get3A_2095 : vector<1x512x128xbf16> to vector<512x128xbf16>
    %dot_general3A_2097 = arith.constant dense<0.000000e+00> : vector<50x128xf32>
    %dot_general3A_2098 = tpu.matmul %get3A_2091, %get3A_2096, %dot_general3A_2097 {dimension_numbers = #tpu.dot_dimension_numbers<[1], [0], [0], [1], [0, 0, 1, 1], [], []>, transpose_lhs_hint = false} : vector<50x512xbf16>, vector<512x128xbf16>, vector<50x128xf32> -> vector<50x128xf32>
    %get3A_2099 = arith.constant 0 : index
    %get3A_2100 = arith.constant 0 : index
    %get3A_2101 = vector.load %arg8[%get3A_2099, %get3A_2100] : memref<512x128xbf16, #tpu.memory_space<vmem>>, vector<512x128xbf16>
    %dot_general3A_2102 = arith.constant dense<0.000000e+00> : vector<50x128xf32>
    %dot_general3A_2103 = tpu.matmul %get3A_2091, %get3A_2101, %dot_general3A_2102 {dimension_numbers = #tpu.dot_dimension_numbers<[1], [0], [0], [1], [0, 0, 1, 1], [], []>, transpose_lhs_hint = false} : vector<50x512xbf16>, vector<512x128xbf16>, vector<50x128xf32> -> vector<50x128xf32>
    %div3A_2104 = arith.divf %dot_general3A_2098, %dot_general3A_2103 : vector<50x128xf32>
    %swap3A_2105 = arith.constant 23 : index
    %swap3A_2106 = arith.constant 0 : index
    %swap3A_2107 = arith.constant 0 : index
    %swap3A_2108 = vector.load %arg13[%swap3A_2105, %swap3A_2106, %swap3A_2107] : memref<32x50x128xf32, #tpu.memory_space<vmem>>, vector<1x50x128xf32>
    %swap3A_2109 = vector.shape_cast %swap3A_2108 : vector<1x50x128xf32> to vector<50x128xf32>
    %swap3A_2110 = vector.shape_cast %div3A_2104 : vector<50x128xf32> to vector<1x50x128xf32>
    tpu.vector_store %arg13[%swap3A_2105, %swap3A_2106, %swap3A_2107], %swap3A_2110 {strides = array<i32>} : memref<32x50x128xf32, #tpu.memory_space<vmem>>, vector<1x50x128xf32>,
    %get3A_2111 = arith.constant 24 : index
    %get3A_2112 = arith.constant 0 : index
    %get3A_2113 = arith.constant 0 : index
    %get3A_2114 = vector.load %arg15[%get3A_2111, %get3A_2112, %get3A_2113] : memref<32x50x512xbf16, #tpu.memory_space<vmem>>, vector<1x50x512xbf16>
    %get3A_2115 = vector.shape_cast %get3A_2114 : vector<1x50x512xbf16> to vector<50x512xbf16>
    %get3A_2116 = arith.index_cast %rem3A_239 : i32 to index
    %get3A_2117 = arith.constant 0 : index
    %get3A_2118 = arith.constant 0 : index
    %get3A_2119 = vector.load %arg7[%get3A_2116, %get3A_2117, %get3A_2118] : memref<8x512x128xbf16, #tpu.memory_space<vmem>>, vector<1x512x128xbf16>
    %get3A_2120 = vector.shape_cast %get3A_2119 : vector<1x512x128xbf16> to vector<512x128xbf16>
    %dot_general3A_2121 = arith.constant dense<0.000000e+00> : vector<50x128xf32>
    %dot_general3A_2122 = tpu.matmul %get3A_2115, %get3A_2120, %dot_general3A_2121 {dimension_numbers = #tpu.dot_dimension_numbers<[1], [0], [0], [1], [0, 0, 1, 1], [], []>, transpose_lhs_hint = false} : vector<50x512xbf16>, vector<512x128xbf16>, vector<50x128xf32> -> vector<50x128xf32>
    %get3A_2123 = arith.constant 0 : index
    %get3A_2124 = arith.constant 0 : index
    %get3A_2125 = vector.load %arg8[%get3A_2123, %get3A_2124] : memref<512x128xbf16, #tpu.memory_space<vmem>>, vector<512x128xbf16>
    %dot_general3A_2126 = arith.constant dense<0.000000e+00> : vector<50x128xf32>
    %dot_general3A_2127 = tpu.matmul %get3A_2115, %get3A_2125, %dot_general3A_2126 {dimension_numbers = #tpu.dot_dimension_numbers<[1], [0], [0], [1], [0, 0, 1, 1], [], []>, transpose_lhs_hint = false} : vector<50x512xbf16>, vector<512x128xbf16>, vector<50x128xf32> -> vector<50x128xf32>
    %div3A_2128 = arith.divf %dot_general3A_2122, %dot_general3A_2127 : vector<50x128xf32>
    %swap3A_2129 = arith.constant 24 : index
    %swap3A_2130 = arith.constant 0 : index
    %swap3A_2131 = arith.constant 0 : index
    %swap3A_2132 = vector.load %arg13[%swap3A_2129, %swap3A_2130, %swap3A_2131] : memref<32x50x128xf32, #tpu.memory_space<vmem>>, vector<1x50x128xf32>
    %swap3A_2133 = vector.shape_cast %swap3A_2132 : vector<1x50x128xf32> to vector<50x128xf32>
    %swap3A_2134 = vector.shape_cast %div3A_2128 : vector<50x128xf32> to vector<1x50x128xf32>
    tpu.vector_store %arg13[%swap3A_2129, %swap3A_2130, %swap3A_2131], %swap3A_2134 {strides = array<i32>} : memref<32x50x128xf32, #tpu.memory_space<vmem>>, vector<1x50x128xf32>,
    %get3A_2135 = arith.constant 25 : index
    %get3A_2136 = arith.constant 0 : index
    %get3A_2137 = arith.constant 0 : index
    %get3A_2138 = vector.load %arg15[%get3A_2135, %get3A_2136, %get3A_2137] : memref<32x50x512xbf16, #tpu.memory_space<vmem>>, vector<1x50x512xbf16>
    %get3A_2139 = vector.shape_cast %get3A_2138 : vector<1x50x512xbf16> to vector<50x512xbf16>
    %get3A_2140 = arith.index_cast %rem3A_241 : i32 to index
    %get3A_2141 = arith.constant 0 : index
    %get3A_2142 = arith.constant 0 : index
    %get3A_2143 = vector.load %arg7[%get3A_2140, %get3A_2141, %get3A_2142] : memref<8x512x128xbf16, #tpu.memory_space<vmem>>, vector<1x512x128xbf16>
    %get3A_2144 = vector.shape_cast %get3A_2143 : vector<1x512x128xbf16> to vector<512x128xbf16>
    %dot_general3A_2145 = arith.constant dense<0.000000e+00> : vector<50x128xf32>
    %dot_general3A_2146 = tpu.matmul %get3A_2139, %get3A_2144, %dot_general3A_2145 {dimension_numbers = #tpu.dot_dimension_numbers<[1], [0], [0], [1], [0, 0, 1, 1], [], []>, transpose_lhs_hint = false} : vector<50x512xbf16>, vector<512x128xbf16>, vector<50x128xf32> -> vector<50x128xf32>
    %get3A_2147 = arith.constant 0 : index
    %get3A_2148 = arith.constant 0 : index
    %get3A_2149 = vector.load %arg8[%get3A_2147, %get3A_2148] : memref<512x128xbf16, #tpu.memory_space<vmem>>, vector<512x128xbf16>
    %dot_general3A_2150 = arith.constant dense<0.000000e+00> : vector<50x128xf32>
    %dot_general3A_2151 = tpu.matmul %get3A_2139, %get3A_2149, %dot_general3A_2150 {dimension_numbers = #tpu.dot_dimension_numbers<[1], [0], [0], [1], [0, 0, 1, 1], [], []>, transpose_lhs_hint = false} : vector<50x512xbf16>, vector<512x128xbf16>, vector<50x128xf32> -> vector<50x128xf32>
    %div3A_2152 = arith.divf %dot_general3A_2146, %dot_general3A_2151 : vector<50x128xf32>
    %swap3A_2153 = arith.constant 25 : index
    %swap3A_2154 = arith.constant 0 : index
    %swap3A_2155 = arith.constant 0 : index
    %swap3A_2156 = vector.load %arg13[%swap3A_2153, %swap3A_2154, %swap3A_2155] : memref<32x50x128xf32, #tpu.memory_space<vmem>>, vector<1x50x128xf32>
    %swap3A_2157 = vector.shape_cast %swap3A_2156 : vector<1x50x128xf32> to vector<50x128xf32>
    %swap3A_2158 = vector.shape_cast %div3A_2152 : vector<50x128xf32> to vector<1x50x128xf32>
    tpu.vector_store %arg13[%swap3A_2153, %swap3A_2154, %swap3A_2155], %swap3A_2158 {strides = array<i32>} : memref<32x50x128xf32, #tpu.memory_space<vmem>>, vector<1x50x128xf32>,
    %get3A_2159 = arith.constant 26 : index
    %get3A_2160 = arith.constant 0 : index
    %get3A_2161 = arith.constant 0 : index
    %get3A_2162 = vector.load %arg15[%get3A_2159, %get3A_2160, %get3A_2161] : memref<32x50x512xbf16, #tpu.memory_space<vmem>>, vector<1x50x512xbf16>
    %get3A_2163 = vector.shape_cast %get3A_2162 : vector<1x50x512xbf16> to vector<50x512xbf16>
    %get3A_2164 = arith.index_cast %rem3A_243 : i32 to index
    %get3A_2165 = arith.constant 0 : index
    %get3A_2166 = arith.constant 0 : index
    %get3A_2167 = vector.load %arg7[%get3A_2164, %get3A_2165, %get3A_2166] : memref<8x512x128xbf16, #tpu.memory_space<vmem>>, vector<1x512x128xbf16>
    %get3A_2168 = vector.shape_cast %get3A_2167 : vector<1x512x128xbf16> to vector<512x128xbf16>
    %dot_general3A_2169 = arith.constant dense<0.000000e+00> : vector<50x128xf32>
    %dot_general3A_2170 = tpu.matmul %get3A_2163, %get3A_2168, %dot_general3A_2169 {dimension_numbers = #tpu.dot_dimension_numbers<[1], [0], [0], [1], [0, 0, 1, 1], [], []>, transpose_lhs_hint = false} : vector<50x512xbf16>, vector<512x128xbf16>, vector<50x128xf32> -> vector<50x128xf32>
    %get3A_2171 = arith.constant 0 : index
    %get3A_2172 = arith.constant 0 : index
    %get3A_2173 = vector.load %arg8[%get3A_2171, %get3A_2172] : memref<512x128xbf16, #tpu.memory_space<vmem>>, vector<512x128xbf16>
    %dot_general3A_2174 = arith.constant dense<0.000000e+00> : vector<50x128xf32>
    %dot_general3A_2175 = tpu.matmul %get3A_2163, %get3A_2173, %dot_general3A_2174 {dimension_numbers = #tpu.dot_dimension_numbers<[1], [0], [0], [1], [0, 0, 1, 1], [], []>, transpose_lhs_hint = false} : vector<50x512xbf16>, vector<512x128xbf16>, vector<50x128xf32> -> vector<50x128xf32>
    %div3A_2176 = arith.divf %dot_general3A_2170, %dot_general3A_2175 : vector<50x128xf32>
    %swap3A_2177 = arith.constant 26 : index
    %swap3A_2178 = arith.constant 0 : index
    %swap3A_2179 = arith.constant 0 : index
    %swap3A_2180 = vector.load %arg13[%swap3A_2177, %swap3A_2178, %swap3A_2179] : memref<32x50x128xf32, #tpu.memory_space<vmem>>, vector<1x50x128xf32>
    %swap3A_2181 = vector.shape_cast %swap3A_2180 : vector<1x50x128xf32> to vector<50x128xf32>
    %swap3A_2182 = vector.shape_cast %div3A_2176 : vector<50x128xf32> to vector<1x50x128xf32>
    tpu.vector_store %arg13[%swap3A_2177, %swap3A_2178, %swap3A_2179], %swap3A_2182 {strides = array<i32>} : memref<32x50x128xf32, #tpu.memory_space<vmem>>, vector<1x50x128xf32>,
    %get3A_2183 = arith.constant 27 : index
    %get3A_2184 = arith.constant 0 : index
    %get3A_2185 = arith.constant 0 : index
    %get3A_2186 = vector.load %arg15[%get3A_2183, %get3A_2184, %get3A_2185] : memref<32x50x512xbf16, #tpu.memory_space<vmem>>, vector<1x50x512xbf16>
    %get3A_2187 = vector.shape_cast %get3A_2186 : vector<1x50x512xbf16> to vector<50x512xbf16>
    %get3A_2188 = arith.index_cast %rem3A_245 : i32 to index
    %get3A_2189 = arith.constant 0 : index
    %get3A_2190 = arith.constant 0 : index
    %get3A_2191 = vector.load %arg7[%get3A_2188, %get3A_2189, %get3A_2190] : memref<8x512x128xbf16, #tpu.memory_space<vmem>>, vector<1x512x128xbf16>
    %get3A_2192 = vector.shape_cast %get3A_2191 : vector<1x512x128xbf16> to vector<512x128xbf16>
    %dot_general3A_2193 = arith.constant dense<0.000000e+00> : vector<50x128xf32>
    %dot_general3A_2194 = tpu.matmul %get3A_2187, %get3A_2192, %dot_general3A_2193 {dimension_numbers = #tpu.dot_dimension_numbers<[1], [0], [0], [1], [0, 0, 1, 1], [], []>, transpose_lhs_hint = false} : vector<50x512xbf16>, vector<512x128xbf16>, vector<50x128xf32> -> vector<50x128xf32>
    %get3A_2195 = arith.constant 0 : index
    %get3A_2196 = arith.constant 0 : index
    %get3A_2197 = vector.load %arg8[%get3A_2195, %get3A_2196] : memref<512x128xbf16, #tpu.memory_space<vmem>>, vector<512x128xbf16>
    %dot_general3A_2198 = arith.constant dense<0.000000e+00> : vector<50x128xf32>
    %dot_general3A_2199 = tpu.matmul %get3A_2187, %get3A_2197, %dot_general3A_2198 {dimension_numbers = #tpu.dot_dimension_numbers<[1], [0], [0], [1], [0, 0, 1, 1], [], []>, transpose_lhs_hint = false} : vector<50x512xbf16>, vector<512x128xbf16>, vector<50x128xf32> -> vector<50x128xf32>
    %div3A_2200 = arith.divf %dot_general3A_2194, %dot_general3A_2199 : vector<50x128xf32>
    %swap3A_2201 = arith.constant 27 : index
    %swap3A_2202 = arith.constant 0 : index
    %swap3A_2203 = arith.constant 0 : index
    %swap3A_2204 = vector.load %arg13[%swap3A_2201, %swap3A_2202, %swap3A_2203] : memref<32x50x128xf32, #tpu.memory_space<vmem>>, vector<1x50x128xf32>
    %swap3A_2205 = vector.shape_cast %swap3A_2204 : vector<1x50x128xf32> to vector<50x128xf32>
    %swap3A_2206 = vector.shape_cast %div3A_2200 : vector<50x128xf32> to vector<1x50x128xf32>
    tpu.vector_store %arg13[%swap3A_2201, %swap3A_2202, %swap3A_2203], %swap3A_2206 {strides = array<i32>} : memref<32x50x128xf32, #tpu.memory_space<vmem>>, vector<1x50x128xf32>,
    %get3A_2207 = arith.constant 28 : index
    %get3A_2208 = arith.constant 0 : index
    %get3A_2209 = arith.constant 0 : index
    %get3A_2210 = vector.load %arg15[%get3A_2207, %get3A_2208, %get3A_2209] : memref<32x50x512xbf16, #tpu.memory_space<vmem>>, vector<1x50x512xbf16>
    %get3A_2211 = vector.shape_cast %get3A_2210 : vector<1x50x512xbf16> to vector<50x512xbf16>
    %get3A_2212 = arith.index_cast %rem3A_247 : i32 to index
    %get3A_2213 = arith.constant 0 : index
    %get3A_2214 = arith.constant 0 : index
    %get3A_2215 = vector.load %arg7[%get3A_2212, %get3A_2213, %get3A_2214] : memref<8x512x128xbf16, #tpu.memory_space<vmem>>, vector<1x512x128xbf16>
    %get3A_2216 = vector.shape_cast %get3A_2215 : vector<1x512x128xbf16> to vector<512x128xbf16>
    %dot_general3A_2217 = arith.constant dense<0.000000e+00> : vector<50x128xf32>
    %dot_general3A_2218 = tpu.matmul %get3A_2211, %get3A_2216, %dot_general3A_2217 {dimension_numbers = #tpu.dot_dimension_numbers<[1], [0], [0], [1], [0, 0, 1, 1], [], []>, transpose_lhs_hint = false} : vector<50x512xbf16>, vector<512x128xbf16>, vector<50x128xf32> -> vector<50x128xf32>
    %get3A_2219 = arith.constant 0 : index
    %get3A_2220 = arith.constant 0 : index
    %get3A_2221 = vector.load %arg8[%get3A_2219, %get3A_2220] : memref<512x128xbf16, #tpu.memory_space<vmem>>, vector<512x128xbf16>
    %dot_general3A_2222 = arith.constant dense<0.000000e+00> : vector<50x128xf32>
    %dot_general3A_2223 = tpu.matmul %get3A_2211, %get3A_2221, %dot_general3A_2222 {dimension_numbers = #tpu.dot_dimension_numbers<[1], [0], [0], [1], [0, 0, 1, 1], [], []>, transpose_lhs_hint = false} : vector<50x512xbf16>, vector<512x128xbf16>, vector<50x128xf32> -> vector<50x128xf32>
    %div3A_2224 = arith.divf %dot_general3A_2218, %dot_general3A_2223 : vector<50x128xf32>
    %swap3A_2225 = arith.constant 28 : index
    %swap3A_2226 = arith.constant 0 : index
    %swap3A_2227 = arith.constant 0 : index
    %swap3A_2228 = vector.load %arg13[%swap3A_2225, %swap3A_2226, %swap3A_2227] : memref<32x50x128xf32, #tpu.memory_space<vmem>>, vector<1x50x128xf32>
    %swap3A_2229 = vector.shape_cast %swap3A_2228 : vector<1x50x128xf32> to vector<50x128xf32>
    %swap3A_2230 = vector.shape_cast %div3A_2224 : vector<50x128xf32> to vector<1x50x128xf32>
    tpu.vector_store %arg13[%swap3A_2225, %swap3A_2226, %swap3A_2227], %swap3A_2230 {strides = array<i32>} : memref<32x50x128xf32, #tpu.memory_space<vmem>>, vector<1x50x128xf32>,
    %get3A_2231 = arith.constant 29 : index
    %get3A_2232 = arith.constant 0 : index
    %get3A_2233 = arith.constant 0 : index
    %get3A_2234 = vector.load %arg15[%get3A_2231, %get3A_2232, %get3A_2233] : memref<32x50x512xbf16, #tpu.memory_space<vmem>>, vector<1x50x512xbf16>
    %get3A_2235 = vector.shape_cast %get3A_2234 : vector<1x50x512xbf16> to vector<50x512xbf16>
    %get3A_2236 = arith.index_cast %rem3A_249 : i32 to index
    %get3A_2237 = arith.constant 0 : index
    %get3A_2238 = arith.constant 0 : index
    %get3A_2239 = vector.load %arg7[%get3A_2236, %get3A_2237, %get3A_2238] : memref<8x512x128xbf16, #tpu.memory_space<vmem>>, vector<1x512x128xbf16>
    %get3A_2240 = vector.shape_cast %get3A_2239 : vector<1x512x128xbf16> to vector<512x128xbf16>
    %dot_general3A_2241 = arith.constant dense<0.000000e+00> : vector<50x128xf32>
    %dot_general3A_2242 = tpu.matmul %get3A_2235, %get3A_2240, %dot_general3A_2241 {dimension_numbers = #tpu.dot_dimension_numbers<[1], [0], [0], [1], [0, 0, 1, 1], [], []>, transpose_lhs_hint = false} : vector<50x512xbf16>, vector<512x128xbf16>, vector<50x128xf32> -> vector<50x128xf32>
    %get3A_2243 = arith.constant 0 : index
    %get3A_2244 = arith.constant 0 : index
    %get3A_2245 = vector.load %arg8[%get3A_2243, %get3A_2244] : memref<512x128xbf16, #tpu.memory_space<vmem>>, vector<512x128xbf16>
    %dot_general3A_2246 = arith.constant dense<0.000000e+00> : vector<50x128xf32>
    %dot_general3A_2247 = tpu.matmul %get3A_2235, %get3A_2245, %dot_general3A_2246 {dimension_numbers = #tpu.dot_dimension_numbers<[1], [0], [0], [1], [0, 0, 1, 1], [], []>, transpose_lhs_hint = false} : vector<50x512xbf16>, vector<512x128xbf16>, vector<50x128xf32> -> vector<50x128xf32>
    %div3A_2248 = arith.divf %dot_general3A_2242, %dot_general3A_2247 : vector<50x128xf32>
    %swap3A_2249 = arith.constant 29 : index
    %swap3A_2250 = arith.constant 0 : index
    %swap3A_2251 = arith.constant 0 : index
    %swap3A_2252 = vector.load %arg13[%swap3A_2249, %swap3A_2250, %swap3A_2251] : memref<32x50x128xf32, #tpu.memory_space<vmem>>, vector<1x50x128xf32>
    %swap3A_2253 = vector.shape_cast %swap3A_2252 : vector<1x50x128xf32> to vector<50x128xf32>
    %swap3A_2254 = vector.shape_cast %div3A_2248 : vector<50x128xf32> to vector<1x50x128xf32>
    tpu.vector_store %arg13[%swap3A_2249, %swap3A_2250, %swap3A_2251], %swap3A_2254 {strides = array<i32>} : memref<32x50x128xf32, #tpu.memory_space<vmem>>, vector<1x50x128xf32>,
    %get3A_2255 = arith.constant 30 : index
    %get3A_2256 = arith.constant 0 : index
    %get3A_2257 = arith.constant 0 : index
    %get3A_2258 = vector.load %arg15[%get3A_2255, %get3A_2256, %get3A_2257] : memref<32x50x512xbf16, #tpu.memory_space<vmem>>, vector<1x50x512xbf16>
    %get3A_2259 = vector.shape_cast %get3A_2258 : vector<1x50x512xbf16> to vector<50x512xbf16>
    %get3A_2260 = arith.index_cast %rem3A_251 : i32 to index
    %get3A_2261 = arith.constant 0 : index
    %get3A_2262 = arith.constant 0 : index
    %get3A_2263 = vector.load %arg7[%get3A_2260, %get3A_2261, %get3A_2262] : memref<8x512x128xbf16, #tpu.memory_space<vmem>>, vector<1x512x128xbf16>
    %get3A_2264 = vector.shape_cast %get3A_2263 : vector<1x512x128xbf16> to vector<512x128xbf16>
    %dot_general3A_2265 = arith.constant dense<0.000000e+00> : vector<50x128xf32>
    %dot_general3A_2266 = tpu.matmul %get3A_2259, %get3A_2264, %dot_general3A_2265 {dimension_numbers = #tpu.dot_dimension_numbers<[1], [0], [0], [1], [0, 0, 1, 1], [], []>, transpose_lhs_hint = false} : vector<50x512xbf16>, vector<512x128xbf16>, vector<50x128xf32> -> vector<50x128xf32>
    %get3A_2267 = arith.constant 0 : index
    %get3A_2268 = arith.constant 0 : index
    %get3A_2269 = vector.load %arg8[%get3A_2267, %get3A_2268] : memref<512x128xbf16, #tpu.memory_space<vmem>>, vector<512x128xbf16>
    %dot_general3A_2270 = arith.constant dense<0.000000e+00> : vector<50x128xf32>
    %dot_general3A_2271 = tpu.matmul %get3A_2259, %get3A_2269, %dot_general3A_2270 {dimension_numbers = #tpu.dot_dimension_numbers<[1], [0], [0], [1], [0, 0, 1, 1], [], []>, transpose_lhs_hint = false} : vector<50x512xbf16>, vector<512x128xbf16>, vector<50x128xf32> -> vector<50x128xf32>
    %div3A_2272 = arith.divf %dot_general3A_2266, %dot_general3A_2271 : vector<50x128xf32>
    %swap3A_2273 = arith.constant 30 : index
    %swap3A_2274 = arith.constant 0 : index
    %swap3A_2275 = arith.constant 0 : index
    %swap3A_2276 = vector.load %arg13[%swap3A_2273, %swap3A_2274, %swap3A_2275] : memref<32x50x128xf32, #tpu.memory_space<vmem>>, vector<1x50x128xf32>
    %swap3A_2277 = vector.shape_cast %swap3A_2276 : vector<1x50x128xf32> to vector<50x128xf32>
    %swap3A_2278 = vector.shape_cast %div3A_2272 : vector<50x128xf32> to vector<1x50x128xf32>
    tpu.vector_store %arg13[%swap3A_2273, %swap3A_2274, %swap3A_2275], %swap3A_2278 {strides = array<i32>} : memref<32x50x128xf32, #tpu.memory_space<vmem>>, vector<1x50x128xf32>,
    %get3A_2279 = arith.constant 31 : index
    %get3A_2280 = arith.constant 0 : index
    %get3A_2281 = arith.constant 0 : index
    %get3A_2282 = vector.load %arg15[%get3A_2279, %get3A_2280, %get3A_2281] : memref<32x50x512xbf16, #tpu.memory_space<vmem>>, vector<1x50x512xbf16>
    %get3A_2283 = vector.shape_cast %get3A_2282 : vector<1x50x512xbf16> to vector<50x512xbf16>
    %get3A_2284 = arith.index_cast %rem3A_253 : i32 to index
    %get3A_2285 = arith.constant 0 : index
    %get3A_2286 = arith.constant 0 : index
    %get3A_2287 = vector.load %arg7[%get3A_2284, %get3A_2285, %get3A_2286] : memref<8x512x128xbf16, #tpu.memory_space<vmem>>, vector<1x512x128xbf16>
    %get3A_2288 = vector.shape_cast %get3A_2287 : vector<1x512x128xbf16> to vector<512x128xbf16>
    %dot_general3A_2289 = arith.constant dense<0.000000e+00> : vector<50x128xf32>
    %dot_general3A_2290 = tpu.matmul %get3A_2283, %get3A_2288, %dot_general3A_2289 {dimension_numbers = #tpu.dot_dimension_numbers<[1], [0], [0], [1], [0, 0, 1, 1], [], []>, transpose_lhs_hint = false} : vector<50x512xbf16>, vector<512x128xbf16>, vector<50x128xf32> -> vector<50x128xf32>
    %get3A_2291 = arith.constant 0 : index
    %get3A_2292 = arith.constant 0 : index
    %get3A_2293 = vector.load %arg8[%get3A_2291, %get3A_2292] : memref<512x128xbf16, #tpu.memory_space<vmem>>, vector<512x128xbf16>
    %dot_general3A_2294 = arith.constant dense<0.000000e+00> : vector<50x128xf32>
    %dot_general3A_2295 = tpu.matmul %get3A_2283, %get3A_2293, %dot_general3A_2294 {dimension_numbers = #tpu.dot_dimension_numbers<[1], [0], [0], [1], [0, 0, 1, 1], [], []>, transpose_lhs_hint = false} : vector<50x512xbf16>, vector<512x128xbf16>, vector<50x128xf32> -> vector<50x128xf32>
    %div3A_2296 = arith.divf %dot_general3A_2290, %dot_general3A_2295 : vector<50x128xf32>
    %swap3A_2297 = arith.constant 31 : index
    %swap3A_2298 = arith.constant 0 : index
    %swap3A_2299 = arith.constant 0 : index
    %swap3A_2300 = vector.load %arg13[%swap3A_2297, %swap3A_2298, %swap3A_2299] : memref<32x50x128xf32, #tpu.memory_space<vmem>>, vector<1x50x128xf32>
    %swap3A_2301 = vector.shape_cast %swap3A_2300 : vector<1x50x128xf32> to vector<50x128xf32>
    %swap3A_2302 = vector.shape_cast %div3A_2296 : vector<50x128xf32> to vector<1x50x128xf32>
    tpu.vector_store %arg13[%swap3A_2297, %swap3A_2298, %swap3A_2299], %swap3A_2302 {strides = array<i32>} : memref<32x50x128xf32, #tpu.memory_space<vmem>>, vector<1x50x128xf32>,
    return
  }
  func.func @transform_0(%arg0: i32, %arg1: memref<1024xi32, #tpu.memory_space<smem>>) -> (i32, i32) {
    %c0_i32 = arith.constant 0 : i32
    %c0_i32_0 = arith.constant 0 : i32
    return %arg0, %c0_i32 : i32, i32
  }
  func.func @transform_1(%arg0: i32, %arg1: memref<1024xi32, #tpu.memory_space<smem>>) -> (i32, i32, i32) {
    %c0_i32 = arith.constant 0 : i32
    %c0_i32_0 = arith.constant 0 : i32
    %c0_i32_1 = arith.constant 0 : i32
    return %arg0, %c0_i32, %c0_i32_0 : i32, i32, i32
  }
  func.func @transform_2(%arg0: i32, %arg1: memref<1024xi32, #tpu.memory_space<smem>>) -> (i32, i32) {
    %c0_i32 = arith.constant 0 : i32
    %c0_i32_0 = arith.constant 0 : i32
    %c0_i32_1 = arith.constant 0 : i32
    return %c0_i32, %c0_i32_0 : i32, i32
  }
  func.func @transform_3(%arg0: i32, %arg1: memref<1024xi32, #tpu.memory_space<smem>>) -> (i32, i32) {
    %c0_i32 = arith.constant 0 : i32
    %c0_i32_0 = arith.constant 0 : i32
    %c0_i32_1 = arith.constant 0 : i32
    return %c0_i32, %c0_i32_0 : i32, i32
  }
  func.func @transform_4(%arg0: i32, %arg1: memref<1024xi32, #tpu.memory_space<smem>>) -> (i32, i32, i32) {
    %c0_i32 = arith.constant 0 : i32
    %c0_i32_0 = arith.constant 0 : i32
    %c0_i32_1 = arith.constant 0 : i32
    %c0_i32_2 = arith.constant 0 : i32
    return %c0_i32, %c0_i32_0, %c0_i32_1 : i32, i32, i32
  }
  func.func @transform_5(%arg0: i32, %arg1: memref<1024xi32, #tpu.memory_space<smem>>) -> (i32, i32, i32) {
    %c0_i32 = arith.constant 0 : i32
    %c0_i32_0 = arith.constant 0 : i32
    %c0_i32_1 = arith.constant 0 : i32
    %c0_i32_2 = arith.constant 0 : i32
    return %c0_i32, %c0_i32_0, %c0_i32_1 : i32, i32, i32
  }
  func.func @transform_6(%arg0: i32, %arg1: memref<1024xi32, #tpu.memory_space<smem>>) -> (i32, i32) {
    %c0_i32 = arith.constant 0 : i32
    %c0_i32_0 = arith.constant 0 : i32
    %c0_i32_1 = arith.constant 0 : i32
    return %c0_i32, %c0_i32_0 : i32, i32
  }
  func.func @transform_7(%arg0: i32, %arg1: memref<1024xi32, #tpu.memory_space<smem>>) -> (i32, i32) {
    %c0_i32 = arith.constant 0 : i32
    %c0_i32_0 = arith.constant 0 : i32
    %c0_i32_1 = arith.constant 0 : i32
    return %c0_i32, %c0_i32_0 : i32, i32
  }
  func.func @transform_8(%arg0: i32, %arg1: memref<1024xi32, #tpu.memory_space<smem>>) -> (i32, i32, i32) {
    %c0_i32 = arith.constant 0 : i32
    %c0_i32_0 = arith.constant 0 : i32
    %c0_i32_1 = arith.constant 0 : i32
    %c0_i32_2 = arith.constant 0 : i32
    return %c0_i32, %c0_i32_0, %c0_i32_1 : i32, i32, i32
  }
  func.func @transform_9(%arg0: i32, %arg1: memref<1024xi32, #tpu.memory_space<smem>>) -> (i32, i32, i32) {
    %c0_i32 = arith.constant 0 : i32
    %c0_i32_0 = arith.constant 0 : i32
    %c0_i32_1 = arith.constant 0 : i32
    %c0_i32_2 = arith.constant 0 : i32
    return %c0_i32, %c0_i32_0, %c0_i32_1 : i32, i32, i32
  }
  func.func @transform_10(%arg0: i32, %arg1: memref<1024xi32, #tpu.memory_space<smem>>) -> (i32, i32) {
    %c0_i32 = arith.constant 0 : i32
    %c0_i32_0 = arith.constant 0 : i32
    %c0_i32_1 = arith.constant 0 : i32
    return %c0_i32, %c0_i32_0 : i32, i32
  }
  func.func @transform_11(%arg0: i32, %arg1: memref<1024xi32, #tpu.memory_space<smem>>) -> (i32, i32, i32) {
    %c0_i32 = arith.constant 0 : i32
    %c0_i32_0 = arith.constant 0 : i32
    %c0_i32_1 = arith.constant 0 : i32
    return %arg0, %c0_i32, %c0_i32_0 : i32, i32, i32
  }
  func.func @transform_12(%arg0: i32, %arg1: memref<1024xi32, #tpu.memory_space<smem>>) -> (i32, i32) {
    %c0_i32 = arith.constant 0 : i32
    %c0_i32_0 = arith.constant 0 : i32
    %c0_i32_1 = arith.constant 0 : i32
    return %c0_i32, %c0_i32_0 : i32, i32
  }
}

</mosaic_0001>

<sc_bundles>
// kernel: kernel.4.cloned.1.call-start
scs
__scs_entry_jumppad:
0x0: {  	(pc) =	sbr.rel $0x88, $3  }
0x1: {  	(tag) =	ssettag $0x0;
	lr =	simm.s32 $0x1  }
0x2: {  	[smem:$0x3F99] =	sst lr;
	_ =	strace $0xD0000000  }
0x3: {  	_ = 	snop  }
0x4: {  	_ = 	snop  }
0x5: {  	_ = 	snop  }
0x6: {  	_ = 	snop  }
0x7: {  	_ = 	snop  }
__scs_overlays_trampoline_lowered:
0x8: {  	[smem:$0x3FA8] =	sst s0  }
0x9: {  	[smem:$0x3FA9] =	sst s1  }
0xa: {  	[smem:$0x3FAA] =	sst s2  }
0xb: {  	[smem:$0x3FAB] =	sst s3  }
0xc: {  	[smem:$0x3FAC] =	sst s4  }
0xd: {  	[smem:$0x3FAD] =	sst s5  }
0xe: {  	[smem:$0x3FAE] =	sst s6  }
0xf: {  	[smem:$0x3FAF] =	sst s7  }
0x10: {  	[smem:$0x3FB0] =	sst s8  }
0x11: {  	[smem:$0x3FB1] =	sst s9;
	s0 =	simm.s32 @!p0 $0x0  }
0x12: {  	s1 =	sld [smem:$0x3F97];
	s0 =	simm.s32 @p0 $0x1  }
0x13: {  	[smem:$0x3FB2] =	sst s0;
	s0 =	simm.s32 @!p1 $0x0  }
0x14: {  	s2 =	sld [smem:$0x3F96];
	s0 =	simm.s32 @p1 $0x1  }
0x15: {  	[smem:$0x3FB3] =	sst s0;
	s0 =	simm.s32 @!p2 $0x0  }
0x16: {  	s3 =	sld [smem:$0x3FDB];
	s0 =	simm.s32 @p2 $0x1  }
0x17: {  	s4 =	simm.s32 $0x1BF5;
	[smem:$0x3FB5] =	sst s0  }
0x18: {  	s0 =	sld [smem:$0x3F98];
	_ =	swait.ge [sflag:s4], $0x0  }
0x19: {  	s7 =	sld [smem:$0x3F99]  }
0x1a: {  	s8 =	sadd.s32 $0xFFFFE003, lr  }
0x1b: {  	s9 =	sadd.s32 $0xFFFFFEF7, lr;
	s5 =	simm.s32 $0xFFFFFFFF;
	p2 =	slt.u32 s8, $0xFFFFF086  }
0x1c: {  	p1 =	slt.u32 s9, $0xF7A;
	s5 =	simm.s32 @!p2 $0x0  }
0x1d: {  	s5 =	simm.s32 @p1 $0x1;
	p0 =	seq.s32 s7, s2  }
0x1e: {  	s7 =	smul.u32 @!p0 $0xF7A, s2;
	p2 =	seq.s32 @!p0 s5, $0x0  }
0x1f: {  	s9 =	smul.u32 $0xF7A, s1;
	s8 =	simm.s32 @!p0 $0x1BF5;
	p2 =	por !p2, p0  }
0x20: {  	[sflag:s8] =	ssyncset.s32 @!p0 $0xFFFFF086;
	s6 =	sadd.s32 @!p0 s3, s7;
	s7 =	simm.s32 @!p0 $0x108  }
0x21: {  	s3 =	sadd.s32 s3, s9;
	s6 =	sadd.s32 @!p0 $0x88, s6;
	s7 =	simm.s32 @p2 $0x1082  }
0x22: {  	[simem:s7], [sflag:s8] =	dma.local @!p0 [hbm:s6], $0xF7A  }
0x23: {  	s9 =	sor.u32 $0xD0000000, s2;
	s6 =	simm.s32 $0x108;
	_ =	swait.ge @!p0 [sflag:s8], $0x0  }
0x24: {  	s3 =	sadd.s32 $0x88, s3;
	s6 =	simm.s32 @!p1 $0x1082;
	[sflag:s4] =	ssyncset.s32 $0xFFFFF086  }
0x25: {  	[simem:s6], [sflag:s4] =	dma.local [hbm:s3], $0xF7A  }
0x26: {  	[smem:$0x3F99] =	sst s1;
	(tag) =	ssettag s2;
	_ =	strace s9  }
0x27: {  	s1 =	sld [smem:$0x3FA9]  }
0x28: {  	s2 =	sld [smem:$0x3FAA]  }
0x29: {  	s4 =	sld [smem:$0x3FAC]  }
0x2a: {  	p0 =	seq.s32 s5, $0x0;
	s5 =	sld [smem:$0x3FAD]  }
0x2b: {  	s6 =	sld [smem:$0x3FAE]  }
0x2c: {  	s7 =	sld [smem:$0x3FAF]  }
0x2d: {  	s3 =	simm.s32 $0x108;
	s8 =	sld [smem:$0x3FB0]  }
0x2e: {  	s3 =	simm.s32 @!p0 $0x1082;
	s9 =	sld [smem:$0x3FB1]  }
0x2f: {  	lr =	sadd.s32 s0, s3;
	s0 =	sld [smem:$0x3FA8]  }
0x30: {  	s3 =	sld [smem:$0x3FAB]  }
0x31: {  	[smem:$0x3FB4] =	sst s10  }
0x32: {  	s10 =	sld [smem:$0x3FB2];
	_ =	sdelay $0x3  }
0x33: {  	p0 =	seq.s32 s10, $0x1;
	s10 =	sld [smem:$0x3FB4];
	_ =	sdelay $0x3  }
0x34: {  	[smem:$0x3FB4] =	sst s10  }
0x35: {  	s10 =	sld [smem:$0x3FB3];
	_ =	sdelay $0x3  }
0x36: {  	p1 =	seq.s32 s10, $0x1;
	s10 =	sld [smem:$0x3FB4];
	_ =	sdelay $0x3  }
0x37: {  	[smem:$0x3FB4] =	sst s10  }
0x38: {  	s10 =	sld [smem:$0x3FB5]  }
0x39: {  	_ = 	snop;
	(pc) =	sbr.ind lr, $3  }
0x3a: {  	_ = 	snop  }
0x3b: {  	_ = 	snop  }
0x3c: {  	p2 =	seq.s32 s10, $0x1;
	s10 =	sld [smem:$0x3FB4]  }
0x3d: {  	_ =	shalt  }
0x3e: {  	_ =	shalt  }
0x3f: {  	_ =	shalt  }
0x40: {  	_ =	shalt  }
0x41: {  	_ =	shalt  }
0x42: {  	_ =	shalt  }
0x43: {  	_ =	shalt  }
0x44: {  	_ =	shalt  }
0x45: {  	_ =	shalt  }
0x46: {  	_ =	shalt  }
0x47: {  	_ =	shalt  }
0x48: {  	_ =	shalt  }
0x49: {  	_ =	shalt  }
0x4a: {  	_ =	shalt  }
0x4b: {  	_ =	shalt  }
0x4c: {  	_ =	shalt  }
0x4d: {  	_ =	shalt  }
0x4e: {  	_ =	shalt  }
0x4f: {  	_ =	shalt  }
0x50: {  	_ =	shalt  }
0x51: {  	_ =	shalt  }
0x52: {  	_ =	shalt  }
0x53: {  	_ =	shalt  }
0x54: {  	_ =	shalt  }
0x55: {  	_ =	shalt  }
0x56: {  	_ =	shalt  }
0x57: {  	_ =	shalt  }
0x58: {  	_ =	shalt  }
0x59: {  	_ =	shalt  }
0x5a: {  	_ =	shalt  }
0x5b: {  	_ =	shalt  }
0x5c: {  	_ =	shalt  }
0x5d: {  	_ =	shalt  }
0x5e: {  	_ =	shalt  }
0x5f: {  	_ =	shalt  }
0x60: {  	_ =	shalt  }
0x61: {  	_ =	shalt  }
0x62: {  	_ =	shalt  }
0x63: {  	_ =	shalt  }
0x64: {  	_ =	shalt  }
0x65: {  	_ =	shalt  }
0x66: {  	_ =	shalt  }
0x67: {  	_ =	shalt  }
0x68: {  	_ =	shalt  }
0x69: {  	_ =	shalt  }
0x6a: {  	_ =	shalt  }
0x6b: {  	_ =	shalt  }
0x6c: {  	_ =	shalt  }
0x6d: {  	_ =	shalt  }
0x6e: {  	_ =	shalt  }
0x6f: {  	_ =	shalt  }
0x70: {  	_ =	shalt  }
0x71: {  	_ =	shalt  }
0x72: {  	_ =	shalt  }
0x73: {  	_ =	shalt  }
0x74: {  	_ =	shalt  }
0x75: {  	_ =	shalt  }
0x76: {  	_ =	shalt  }
0x77: {  	_ =	shalt  }
0x78: {  	_ =	shalt  }
0x79: {  	_ =	shalt  }
0x7a: {  	_ =	shalt  }
0x7b: {  	_ =	shalt  }
0x7c: {  	_ =	shalt  }
0x7d: {  	_ =	shalt  }
0x7e: {  	_ =	shalt  }
0x7f: {  	_ =	shalt  }
0x80: {  	_ =	shalt  }
0x81: {  	_ =	shalt  }
0x82: {  	_ =	shalt  }
0x83: {  	_ =	shalt  }
0x84: {  	_ =	shalt  }
0x85: {  	_ =	shalt  }
0x86: {  	_ =	shalt  }
0x87: {  	_ =	shalt  }
.Lfunc_end0:
.L_simem_size_0:
called_computation_lowered:
.L_overlay_start_0:
0x88: {  	s2 =	sld [smem:$0x3FD9]  }
0x89: {  	s3 =	sld [smem:$0x3FFE];
	_ =	sdelay $0x1  }
0x8a: {  	s1 =	srdreg.scid  }
0x8b: {  	s0 =	sand.u32 $0x1, s1  }
0x8c: {  	s14 =	sshll.u32 s0, $0xA;
	s2 =	sadd.s32 s3, s2  }
0x8d: {  	s2 =	sadd.s32 s2, s14  }
0x8e: {  	[smem:$0x3FC0] =	sst s2  }
0x8f: {  	_ = 	snop  }
0x90: {  	s2 =	sld [smem:$0x3FD0];
	_ =	sdelay $0x2  }
0x91: {  	s4 =	simm.s32 $0xA;
	s5 =	simm.s32 $0x10;
	s15 =	sld [smem:$0x3FC8]  }
0x92: {  	[smem:s5], [sflag:s4] =	dma.local [hbm:s2], $0x1  }
0x93: {  	_ =	swait.eq [sflag:s4], $0x1  }
0x94: {  	[sflag:s4] =	ssyncset.done $0x0  }
0x95: {  	[sflag:s4] =	ssyncadd.s32 $0xFFFFFFFF  }
0x96: {  	s16 =	sld [smem:$0x10];
	(tm) =	ssettm $0x1  }
0x97: {  	s17 =	sld [smem:$0x3FFB];
	_ =	sdelay $0x3  }
0x98: {  	_ =	strace s17  }
0x99: {  	s4 =	sld [smem:$0x3FFC];
	_ =	sdelay $0x3  }
0x9a: {  	_ =	strace s4  }
0x9b: {  	s4 =	sld [smem:$0x3FFD];
	_ =	sdelay $0x3  }
0x9c: {  	_ =	strace s4  }
0x9d: {  	_ =	strace $0x8FFFFFFF  }
0x9e: {  	s18 =	sld [smem:$0x3FDB];
	_ =	sdelay $0x1  }
0x9f: {  	s19 =	simm.s32 $_scs_section_size  }
0xa0: {  	s6 =	simm.s32 $_size__tile_overlayer_lowered;
	s7 =	simm.s32 $_tile_overlayer_lowered  }
0xa1: {  	s22 =	simm.s32 $0x1BFF;
	s21 =	sshll.u32 s7, $0x1;
	s4 =	sadd.s32 s19, s18  }
0xa2: {  	s8 =	simm.s32 $0x0;
	s20 =	sshll.u32 s6, $0x1;
	s6 =	sadd.s32 s21, s4  }
0xa3: {  	[timem:s8], [sflag:s22] =	dma.local [hbm:s6], s20  }
0xa4: {  	_ =	swait.ge [sflag:s22], s20  }
0xa5: {  	s5 =	ssub.s32 $0x0, s20;
	[sflag:s22] =	ssyncset.done $0x0  }
0xa6: {  	[sflag:s22] =	ssyncadd.s32 s5;
	_ =	sdelay $0x1  }
0xa7: {  	s23 =	simm.s32 $0x1B8B  }
0xa8: {  	_ =	swait.ge [sflag:s23], $0x1  }
0xa9: {  	[sflag:s23] =	ssyncset.done $0x0  }
0xaa: {  	s25 =	simm.s32 $0x1B8E;
	s24 =	sld [smem:$0x3FFE];
	[sflag:s23] =	ssyncadd.s32 $0xFFFFFFFF  }
0xab: {  	s26 =	simm.s32 $execute0_lowered;
	[smem:$0x3FD2] =	sst s25  }
0xac: {  	s6 =	sshll.u32 s26, $0x1;
	_ =	strace $0x80000046;
	[dreg:$0x1] =	wrdreg $0xFFFFFFFF  }
0xad: {  	s28 =	simm.s32 $_size_execute0_lowered;
	s4 =	sadd.s32 s4, s6;
	[dreg:$0x0] =	wrdreg $0x0  }
0xae: {  	s6 =	sshll.u32 s28, $0x1;
	[dreg:$0x2] =	wrdreg s4  }
0xaf: {  	[dreg:$0x3] =	wrdreg s6  }
0xb0: {  	[dreg:$0x4] =	wrdreg $0xC0  }
0xb1: {  	_ =	task [dreg:s8], $0x5FFFF  }
0xb2: {  	[dreg:$0x1] =	wrdreg $0xFFFFFFFF  }
0xb3: {  	[dreg:$0x0] =	wrdreg $0x60  }
0xb4: {  	[dreg:$0x2] =	wrdreg s16  }
0xb5: {  	[dreg:$0x3] =	wrdreg s15  }
0xb6: {  	[dreg:$0x4] =	wrdreg s24  }
0xb7: {  	[dreg:$0x5] =	wrdreg $0x9  }
0xb8: {  	_ =	task.clear_ibuf [dreg:s8], $0x6FFFF;
	_ =	strace $0x90000046  }
0xb9: {  	s29 =	simm.s32 $0x9;
	_ =	strace $0x80000048  }
0xba: {  	_ =	swait.ge [sflag:s29], $0x1  }
0xbb: {  	[sflag:s29] =	ssyncadd.s32 $0xFFFFFFFF  }
0xbc: {  	_ =	strace $0x90000048  }
0xbd: {  	_ =	sfence  }
0xbe: {  	s30 =	sld [smem:$0x0];
	_ =	sdelay $0x2  }
0xbf: {  	s31 =	sshll.u32 s1, $0xD;
	s1 =	sshrl.u32 s1, $0x2  }
0xc0: {  	s3 =	sand.u32 $0x4000, s31;
	s1 =	sadd.s32 s1, s30  }
0xc1: {  	s0 =	sor.u32 s3, s0;
	s1 =	sshll.u32 s1, $0x11  }
0xc2: {  	s0 =	sor.u32 s1, s0  }
0xc3: {  	s0 =	sadd.s32 $0x8F2B, s0  }
0xc4: {  	[sflag:s0] =	ssyncadd.remote.s32 $0x1  }
0xc5: {  	_ =	sfence.sel $0xFFFF  }
0xc6: {  	[dreg:$0x0] =	wrdreg $0xFFFFFFFF;
	(pc) =	sbr.abs _section_cstart, $3  }
0xc7: {  	[dreg:$0x1] =	wrdreg $0xFFFFFFFF  }
0xc8: {  	_ =	task.clear_ibuf [dreg:s8], $0x2FFFF;
	_ =	strace $0x9FFFFFFF  }
0xc9: {  	(tm) =	ssettm $0x7FFFFFFF  }
tec
execute0_lowered:
.L_overlay_start_1:
0x0: {  	(tag) =	ssettag $0x1  }
0x1: {  	s1 =	rddreg [dreg:$0x0];
	s2 =	srdreg.scid  }
0x2: {  	s4 =	rddreg [dreg:$0x1];
	s0 =	stileid.u32  }
0x3: {  	s8 =	rddreg [dreg:$0x2];
	s3 =	simm.s32 $0x0;
	s6 =	sand.u32 $0x1, s2  }
0x4: {  	s5 =	sshll.u32 s0, $0x6;
	s2 =	rddreg [dreg:$0x3];
	s7 =	sshll.u32 s6, $0x5  }
0x5: {  	[smem:$0x7FF] =	sst s3;
	s9 =	sor.u32 s7, s5  }
0x6: {  	_ =	strace $0x80000047;
	s10 =	ssub.s32 $0x2, s6;
	s5 =	sshrl.u32 s9, $0x3  }
0x7: {  	s6 =	simm.s32 $0x20;
	s5 =	sadd.s32 s4, s5;
	s4 =	simm.s32 $0x2  }
0x8: {  	[tilespmem:s3], [sflag:$0x2] =	stream.linear.gather [hbm4b:s5+s3], $0x20, $0x38;
	[tilespmem:$0x820] =	vst v63  }
0x9: {  	s7 =	simm.s32 $0x1;
	s11 =	sshrl.u32 s10, $0x1;
	_ =	swait.ge [sflag:s4], $0x20  }
0xa: {  	s9 =	sshll.u32 s9, $0x3;
	s31 =	ssub.s32 s10, s11;
	[sflag:s4] =	ssyncset.done $0x0  }
0xb: {  	s8 =	sadd.s32 s9, s8;
	s9 =	smax.u32 s31, $0x1;
	[sflag:s4] =	ssyncadd.s32 $0xFFFFFFE0  }
0xc: {  	[tilespmem:s6], [sflag:$0x1] =	stream.indirect.gather [hbm4b:s1+s6], $0x40, s3, s6, $0xb8;
	[tilespmem:$0x820] =	vst v63  }
0xd: {  	p0 =	sne.s32 s9, $0x1;
	_ =	swait.ge [sflag:s7], $0x800  }
.Ltmp0:
0xe: {  	[sflag:s7] =	ssyncset.done $0x0;
	(pc) =	sbr.rel @!p0 .LBB2_2-.Ltmp0, $4  }
0xf: {  	s8 =	sadd.s32 $0x1400, s8;
	[sflag:s7] =	ssyncadd.s32 $0xFFFFF800  }
0x10: {  	[hbm4b:s8+s3] =	stream.linear.scatter [tilespmem:s6], [sflag:$0x2], $0x800, $0x38;
	[tilespmem:$0x820] =	vst v63  }
0x11: {  	_ =	swait.ge [sflag:s4], $0x800  }
0x12: {  	s9 =	sadd.s32 $0xFFFFFFFF, s9;
	[sflag:s4] =	ssyncset.done $0x0  }
.LBB2_1:
0x13: {  	p0 =	sne.s32 s9, $0x1;
	s9 =	sadd.s32 $0xFFFFFFFF, s9;
	[sflag:s4] =	ssyncadd.s32 $0xFFFFF800  }
0x14: {  	[tilespmem:s3], [sflag:$0x2] =	stream.linear.gather [hbm4b:s5+s3], $0x20, $0x38;
	[tilespmem:$0x820] =	vst v63  }
0x15: {  	_ =	swait.ge [sflag:s4], $0x20  }
0x16: {  	[sflag:s4] =	ssyncset.done $0x0  }
0x17: {  	[sflag:s4] =	ssyncadd.s32 $0xFFFFFFE0  }
0x18: {  	[tilespmem:s6], [sflag:$0x1] =	stream.indirect.gather [hbm4b:s1+s6], $0x40, s3, s6, $0xb8;
	[tilespmem:$0x820] =	vst v63  }
0x19: {  	_ =	swait.ge [sflag:s7], $0x800  }
.Ltmp1:
0x1a: {  	[sflag:s7] =	ssyncset.done $0x0;
	(pc) =	sbr.rel @p0 .LBB2_1-.Ltmp1, $4  }
0x1b: {  	[sflag:s7] =	ssyncadd.s32 $0xFFFFF800  }
0x1c: {  	[hbm4b:s8+s3] =	stream.linear.scatter [tilespmem:s6], [sflag:$0x2], $0x800, $0x38;
	[tilespmem:$0x820] =	vst v63  }
0x1d: {  	_ =	swait.ge [sflag:s4], $0x800  }
0x1e: {  	[sflag:s4] =	ssyncset.done $0x0  }
.LBB2_2:
0x1f: {  	[sflag:s4] =	ssyncadd.s32 $0xFFFFF800  }
0x20: {  	_ =	sfence.sel $0x180000  }
0x21: {  	[bflag:$0x0] =	sbarrier.arrive $0xFFFF  }
0x22: {  	p0 =	sne.s32 s0, $0x0;
	_ =	strace $0x90000047  }
0x23: {  	s0 =	sadd.s32 @!p0 $0x100000, s2;
	[bflag:$0x2] =	sbarrier.arrive $0xFFFF  }
0x24: {  	[sflag:s0] =	ssyncadd.tile.s32 @!p0 $0x1;
	_ =	shalt  }
.Lfunc_end2:
_tile_overlayer_lowered:
.L_overlay_start_2:
0x25: {  	(tag) =	ssettag $0x2  }
0x26: {  	s0 =	rddreg [dreg:$0x0];
	s2 =	stileid.u32  }
0x27: {  	s1 =	rddreg [dreg:$0x1];
	p0 =	sne.s32 s2, $0x0  }
0x28: {  	s3 =	rddreg [dreg:$0x2];
	[bflag:$0x3] =	sbarrier.arrive $0xFFFF;
	s2 =	simm.s32 @!p0 $0x1C02  }
0x29: {  	[timem:s3], [sflag:s2] =	dma.local @!p0 [hbm:s0], s1  }
0x2a: {  	s0 =	simm.s32 @!p0 $0x2  }
0x2b: {  	_ =	swait.ge @!p0 [sflag:s0], s1  }
0x2c: {  	s1 =	ssub.s32 @!p0 $0x0, s1;
	[sflag:s0] =	ssyncset.done @!p0 $0x0  }
0x2d: {  	[sflag:s0] =	ssyncadd.s32 @!p0 s1  }
0x2e: {  	[bflag:$0x3] =	sbarrier.arrive $0xFFFF  }
0x2f: {  	_ =	shalt  }

</sc_bundles>
